<compile_context>
chip_gen: v7x
topology: tpu7x:2x2x1
jax: 0.10.2.dev20260603
libtpu: 0.0.44.dev20260713+nightly
codegen_flags: <defaults>
</compile_context>

<pallas_src>
import functools

import jax
import jax.numpy as jnp
from jax import lax
from jax.experimental import pallas as pl
from jax.experimental.pallas import tpu as pltpu
from jax.experimental.pallas import tpu_sc as plsc

_VOCAB = 100000
_DIM = 128
_B, _S = 4, 4096
_NUM_LAYERS = 12

_NTOT = _B * _S
_NC, _NS = 2, 16
_NW = _NC * _NS
_PER_W = _NTOT // _NW
_CHUNK = 128
_ROWS_W = _PER_W // _CHUNK
_WBUF = 256
_NBUF = 3
_NGIF = 2


def _gather3(idx_bs, w0, w1, w2):
    mesh = plsc.VectorSubcoreMesh(core_axis_name="c", subcore_axis_name="s")

    @functools.partial(
        pl.kernel,
        mesh=mesh,
        out_type=[jax.ShapeDtypeStruct((_NTOT, _DIM), jnp.float32)] * _NUM_LAYERS,
        scratch_types=[
            pltpu.VMEM((_PER_W,), jnp.int32),
            pltpu.VMEM((_NBUF, _WBUF, _DIM), jnp.float32),
            pltpu.SemaphoreType.DMA((_NBUF,)),
            pltpu.SemaphoreType.DMA((_NBUF,)),
        ],
    )
    def body(idx_hbm, t0, t1, t2, *rest):
        outs = rest[:_NUM_LAYERS]
        idx_v, bufs, gsem, wsem = rest[_NUM_LAYERS:]
        wid = lax.axis_index("c") * _NS + lax.axis_index("s")
        pltpu.sync_copy(
            idx_hbm.at[wid // (_S // _PER_W), pl.ds((wid % (_S // _PER_W)) * _PER_W, _PER_W)],
            idx_v)

        tabs = (t0, t1, t2)
        cpb = _WBUF // _CHUNK
        tasks = [(t, b) for b in range(_ROWS_W // cpb) for t in range(3)]
        n = len(tasks)

        def issue_gathers(k):
            t, b = tasks[k]
            slot = k % _NBUF
            return [
                pltpu.async_copy(
                    tabs[t].at[idx_v.at[pl.ds((b * cpb + h) * _CHUNK, _CHUNK)]],
                    bufs.at[slot].at[pl.ds(h * _CHUNK, _CHUNK)],
                    gsem.at[slot])
                for h in range(cpb)
            ]

        def issue_writebacks(k):
            t, b = tasks[k]
            slot = k % _NBUF
            row0 = wid * _PER_W + b * _WBUF
            return [
                pltpu.async_copy(
                    bufs.at[slot], outs[l].at[pl.ds(row0, _WBUF)],
                    wsem.at[slot])
                for l in range(t, _NUM_LAYERS, 3)
            ]

        gh = [None] * n
        wh = [None] * n
        for k in range(_NGIF):
            gh[k] = issue_gathers(k)
        for k in range(n):
            for h in gh[k]:
                h.wait()
            wh[k] = issue_writebacks(k)
            nxt = k + _NGIF
            if nxt < n:
                if nxt >= _NBUF:
                    for h in wh[nxt - _NBUF]:
                        h.wait()
                gh[nxt] = issue_gathers(nxt)
        for k in range(n - _NBUF, n):
            for h in wh[k]:
                h.wait()

    return body(idx_bs, w0, w1, w2)


def kernel(input_seq, W0, W1, W2):
    outs = _gather3(input_seq, W0, W1, W2)
    return tuple(o.reshape(_B, _S, _DIM) for o in outs)

# --- scband reference (transcript-rebuilt; emitter-appended) ---
"""Pipeline reference for scband-value-embedding-15668040696058 (READ-ONLY COPY).

The authoritative reference and input builder live on the scoring server;
editing this copy changes nothing except your own understanding.
"""

import jax, jax.numpy as jnp
import numpy as np

VOCAB = 100000
DIM = 128
NUM_LAYERS = 12
NUM_UNIQUE = min(3, (NUM_LAYERS + 2) // 3)  # = 3
B, S = 4, 4096


def setup_inputs(seed: int = 0) -> dict:
    key = jax.random.key(seed)
    k_idx, k0, k1, k2 = jax.random.split(key, 4)
    input_seq = jax.random.randint(k_idx, (B, S), 0, VOCAB, dtype=jnp.int32)
    W0 = jax.random.normal(k0, (VOCAB, DIM), dtype=jnp.float32)
    W1 = jax.random.normal(k1, (VOCAB, DIM), dtype=jnp.float32)
    W2 = jax.random.normal(k2, (VOCAB, DIM), dtype=jnp.float32)
    return {"input_seq": input_seq, "W0": W0, "W1": W1, "W2": W2}


def reference(input_seq, W0, W1, W2):
    # ve = [emb(input_seq) for emb in self.embed]  (3 unique embedding tables)
    tables = [W0, W1, W2]
    ve = [jnp.take(t, input_seq, axis=0) for t in tables]
    # num_layers > 3 -> build the cyclic pattern
    pattern = []
    for i in range(NUM_LAYERS):
        if i < len(ve):
            pattern.append(ve[i])
        else:
            idx = i % len(ve)
            pattern.append(ve[idx])
    return tuple(pattern)

if __name__ == "__main__":
    import jax
    _d = setup_inputs()
    print(jax.jit(kernel)(*tuple(_d.values())))

</pallas_src>

<mosaic_0001>
#map = affine_map<(d0, d1) -> (0, 0)>
module attributes {stable_mosaic.version = 14 : i64} {
  func.func @body(%arg0: i32, %arg1: i32, %arg2: memref<4x4096xi32, #tpu.memory_space<hbm>>, %arg3: memref<100000x128xf32, #tpu.memory_space<hbm>>, %arg4: memref<100000x128xf32, #tpu.memory_space<hbm>>, %arg5: memref<100000x128xf32, #tpu.memory_space<hbm>>, %arg6: memref<16384x128xf32, #tpu.memory_space<hbm>>, %arg7: memref<16384x128xf32, #tpu.memory_space<hbm>>, %arg8: memref<16384x128xf32, #tpu.memory_space<hbm>>, %arg9: memref<16384x128xf32, #tpu.memory_space<hbm>>, %arg10: memref<16384x128xf32, #tpu.memory_space<hbm>>, %arg11: memref<16384x128xf32, #tpu.memory_space<hbm>>, %arg12: memref<16384x128xf32, #tpu.memory_space<hbm>>, %arg13: memref<16384x128xf32, #tpu.memory_space<hbm>>, %arg14: memref<16384x128xf32, #tpu.memory_space<hbm>>, %arg15: memref<16384x128xf32, #tpu.memory_space<hbm>>, %arg16: memref<16384x128xf32, #tpu.memory_space<hbm>>, %arg17: memref<16384x128xf32, #tpu.memory_space<hbm>>, %arg18: memref<512xi32, #tpu.memory_space<vmem>>, %arg19: memref<3x256x128xf32, #tpu.memory_space<vmem>>, %arg20: memref<3x!tpu.dma_semaphore, #tpu.memory_space<semaphore_mem>>, %arg21: memref<3x!tpu.dma_semaphore, #tpu.memory_space<semaphore_mem>>) attributes {dimension_semantics = [#tpu.dimension_semantics<core_parallel>, #tpu.dimension_semantics<subcore_parallel>], iteration_bounds = array<i64: 2, 16>, scalar_prefetch = 0 : i64, scratch_operands = 4 : i64, tpu.core_type = #tpu.core_type<sc_vector_subcore>, window_params = [{transform_indices = #map}, {transform_indices = #map}, {transform_indices = #map}, {transform_indices = #map}, {transform_indices = #map}, {transform_indices = #map}, {transform_indices = #map}, {transform_indices = #map}, {transform_indices = #map}, {transform_indices = #map}, {transform_indices = #map}, {transform_indices = #map}, {transform_indices = #map}, {transform_indices = #map}, {transform_indices = #map}, {transform_indices = #map}]} {
    %mul3A = arith.constant 16 : i32
    %mul3A_0 = arith.muli %arg0, %mul3A : i32
    %add3A = arith.addi %mul3A_0, %arg1 : i32
    %jit3A = arith.constant 8 : i32
    %div3A = arith.divsi %add3A, %jit3A : i32
    %sign3A = arith.constant 0 : i32
    %sign3A_1 = arith.cmpi sgt, %add3A, %sign3A : i32
    %sign3A_2 = arith.extui %sign3A_1 : i1 to i32
    %sign3A_3 = arith.constant 0 : i32
    %sign3A_4 = arith.cmpi slt, %add3A, %sign3A_3 : i32
    %sign3A_5 = arith.extui %sign3A_4 : i1 to i32
    %sign3A_6 = arith.subi %sign3A_2, %sign3A_5 : i32
    %sign3A_7 = arith.constant 0 : i32
    %sign3A_8 = arith.cmpi sgt, %jit3A, %sign3A_7 : i32
    %sign3A_9 = arith.extui %sign3A_8 : i1 to i32
    %sign3A_10 = arith.constant 0 : i32
    %sign3A_11 = arith.cmpi slt, %jit3A, %sign3A_10 : i32
    %sign3A_12 = arith.extui %sign3A_11 : i1 to i32
    %sign3A_13 = arith.subi %sign3A_9, %sign3A_12 : i32
    %ne3A = arith.cmpi ne, %sign3A_6, %sign3A_13 : i32
    %rem3A = arith.remsi %add3A, %jit3A : i32
    %ne3A_14 = arith.constant 0 : i32
    %ne3A_15 = arith.cmpi ne, %rem3A, %ne3A_14 : i32
    %and3A = arith.andi %ne3A, %ne3A_15 : i1
    %sub3A = arith.constant 1 : i32
    %sub3A_16 = arith.subi %div3A, %sub3A : i32
    %select_n3A = arith.select %and3A, %sub3A_16, %div3A : i32
    %jit3A_17 = arith.constant 8 : i32
    %eq3A = arith.constant 0 : i32
    %eq3A_18 = arith.cmpi eq, %jit3A_17, %eq3A : i32
    %jit3A_19 = arith.constant 1 : i32
    %select_n3A_20 = arith.select %eq3A_18, %jit3A_19, %jit3A_17 : i32
    %rem3A_21 = arith.remsi %add3A, %select_n3A_20 : i32
    %ne3A_22 = arith.constant 0 : i32
    %ne3A_23 = arith.cmpi ne, %rem3A_21, %ne3A_22 : i32
    %lt3A = arith.constant 0 : i32
    %lt3A_24 = arith.cmpi slt, %rem3A_21, %lt3A : i32
    %lt3A_25 = arith.constant 0 : i32
    %lt3A_26 = arith.cmpi slt, %select_n3A_20, %lt3A_25 : i32
    %ne3A_27 = arith.xori %lt3A_24, %lt3A_26 : i1
    %and3A_28 = arith.andi %ne3A_27, %ne3A_23 : i1
    %add3A_29 = arith.addi %rem3A_21, %select_n3A_20 : i32
    %select_n3A_30 = arith.select %and3A_28, %add3A_29, %rem3A_21 : i32
    %mul3A_31 = arith.constant 512 : i32
    %mul3A_32 = arith.muli %select_n3A_30, %mul3A_31 : i32
    "tpu.region"() ({
      %run_scoped3A = tpu.sem_alloc : memref<!tpu.dma_semaphore, #tpu.memory_space<semaphore_mem>>
      %dma_start3A_1207 = tpu.memref_slice %arg2[%select_n3A, %mul3A_32] : memref<4x4096xi32, #tpu.memory_space<hbm>> -> memref<1x512xi32, #tpu.memory_space<hbm>>
      %dma_start3A_1208 = tpu.memref_squeeze %dma_start3A_1207 : memref<1x512xi32, #tpu.memory_space<hbm>> -> memref<512xi32, #tpu.memory_space<hbm>>
      %dma_start3A_1209 = tpu.memref_slice %arg2[%select_n3A, %mul3A_32] : memref<4x4096xi32, #tpu.memory_space<hbm>> -> memref<1x512xi32, #tpu.memory_space<hbm>>
      %dma_start3A_1210 = tpu.memref_squeeze %dma_start3A_1209 : memref<1x512xi32, #tpu.memory_space<hbm>> -> memref<512xi32, #tpu.memory_space<hbm>>
      tpu.enqueue_dma source(%dma_start3A_1210 : memref<512xi32, #tpu.memory_space<hbm>>) target(%arg18 : memref<512xi32, #tpu.memory_space<vmem>>) target_semaphore(%run_scoped3A : memref<!tpu.dma_semaphore, #tpu.memory_space<semaphore_mem>>)
      %dma_wait3A_1211 = tpu.memref_slice %arg2[%select_n3A, %mul3A_32] : memref<4x4096xi32, #tpu.memory_space<hbm>> -> memref<1x512xi32, #tpu.memory_space<hbm>>
      %dma_wait3A_1212 = tpu.memref_squeeze %dma_wait3A_1211 : memref<1x512xi32, #tpu.memory_space<hbm>> -> memref<512xi32, #tpu.memory_space<hbm>>
      %dma_wait3A_1213 = tpu.memref_slice %arg2[%select_n3A, %mul3A_32] : memref<4x4096xi32, #tpu.memory_space<hbm>> -> memref<1x512xi32, #tpu.memory_space<hbm>>
      %dma_wait3A_1214 = tpu.memref_squeeze %dma_wait3A_1213 : memref<1x512xi32, #tpu.memory_space<hbm>> -> memref<512xi32, #tpu.memory_space<hbm>>
      tpu.wait_dma2 semaphore(%run_scoped3A : memref<!tpu.dma_semaphore, #tpu.memory_space<semaphore_mem>>) src(%dma_wait3A_1214 : memref<512xi32, #tpu.memory_space<hbm>>) dst(%arg18 : memref<512xi32, #tpu.memory_space<vmem>>)
      tpu.yield
    }) : () -> ()
    %dma_start3A = arith.constant 0 : i32
    %dma_start3A_33 = arith.constant 0 : i32
    %dma_start3A_34 = arith.constant 0 : i32
    %dma_start3A_35 = arith.constant 0 : i32
    %dma_start3A_36 = tpu.memref_slice %arg19[%dma_start3A, %dma_start3A_34, %dma_start3A_35] : memref<3x256x128xf32, #tpu.memory_space<vmem>> -> memref<1x256x128xf32, #tpu.memory_space<vmem>>
    %dma_start3A_37 = tpu.memref_squeeze %dma_start3A_36 : memref<1x256x128xf32, #tpu.memory_space<vmem>> -> memref<256x128xf32, #tpu.memory_space<vmem>>
    %dma_start3A_38 = arith.constant 0 : i32
    %dma_start3A_39 = arith.constant 0 : i32
    %dma_start3A_40 = tpu.memref_slice %dma_start3A_37[%dma_start3A_38, %dma_start3A_39] : memref<256x128xf32, #tpu.memory_space<vmem>> -> memref<128x128xf32, #tpu.memory_space<vmem>>
    %dma_start3A_41 = arith.constant 0 : i32
    %dma_start3A_42 = tpu.memref_slice %arg18[%dma_start3A_41] : memref<512xi32, #tpu.memory_space<vmem>> -> memref<128xi32, #tpu.memory_space<vmem>>
    %dma_start3A_43 = arith.constant 0 : i32
    %dma_start3A_44 = arith.constant 0 : i32
    %dma_start3A_45 = tpu.memref_slice %arg3[%dma_start3A_43, %dma_start3A_44] : memref<100000x128xf32, #tpu.memory_space<hbm>> -> memref<100000x128xf32, #tpu.memory_space<hbm>>
    %dma_start3A_46 = tpu.memref_slice %arg20[%dma_start3A_33] : memref<3x!tpu.dma_semaphore, #tpu.memory_space<semaphore_mem>> -> memref<1x!tpu.dma_semaphore, #tpu.memory_space<semaphore_mem>>
    %dma_start3A_47 = tpu.memref_squeeze %dma_start3A_46 : memref<1x!tpu.dma_semaphore, #tpu.memory_space<semaphore_mem>> -> memref<!tpu.dma_semaphore, #tpu.memory_space<semaphore_mem>>
    tpu.enqueue_indirect_dma source(%dma_start3A_45 : memref<100000x128xf32, #tpu.memory_space<hbm>>) target(%dma_start3A_40 : memref<128x128xf32, #tpu.memory_space<vmem>>) offsets(%dma_start3A_42 : memref<128xi32, #tpu.memory_space<vmem>>) semaphore(%dma_start3A_47 : memref<!tpu.dma_semaphore, #tpu.memory_space<semaphore_mem>>)
    %dma_start3A_48 = arith.constant 0 : i32
    %dma_start3A_49 = arith.constant 0 : i32
    %dma_start3A_50 = arith.constant 0 : i32
    %dma_start3A_51 = arith.constant 0 : i32
    %dma_start3A_52 = tpu.memref_slice %arg19[%dma_start3A_48, %dma_start3A_50, %dma_start3A_51] : memref<3x256x128xf32, #tpu.memory_space<vmem>> -> memref<1x256x128xf32, #tpu.memory_space<vmem>>
    %dma_start3A_53 = tpu.memref_squeeze %dma_start3A_52 : memref<1x256x128xf32, #tpu.memory_space<vmem>> -> memref<256x128xf32, #tpu.memory_space<vmem>>
    %dma_start3A_54 = arith.constant 128 : i32
    %dma_start3A_55 = arith.constant 0 : i32
    %dma_start3A_56 = tpu.memref_slice %dma_start3A_53[%dma_start3A_54, %dma_start3A_55] : memref<256x128xf32, #tpu.memory_space<vmem>> -> memref<128x128xf32, #tpu.memory_space<vmem>>
    %dma_start3A_57 = arith.constant 128 : i32
    %dma_start3A_58 = tpu.memref_slice %arg18[%dma_start3A_57] : memref<512xi32, #tpu.memory_space<vmem>> -> memref<128xi32, #tpu.memory_space<vmem>>
    %dma_start3A_59 = arith.constant 0 : i32
    %dma_start3A_60 = arith.constant 0 : i32
    %dma_start3A_61 = tpu.memref_slice %arg3[%dma_start3A_59, %dma_start3A_60] : memref<100000x128xf32, #tpu.memory_space<hbm>> -> memref<100000x128xf32, #tpu.memory_space<hbm>>
    %dma_start3A_62 = tpu.memref_slice %arg20[%dma_start3A_49] : memref<3x!tpu.dma_semaphore, #tpu.memory_space<semaphore_mem>> -> memref<1x!tpu.dma_semaphore, #tpu.memory_space<semaphore_mem>>
    %dma_start3A_63 = tpu.memref_squeeze %dma_start3A_62 : memref<1x!tpu.dma_semaphore, #tpu.memory_space<semaphore_mem>> -> memref<!tpu.dma_semaphore, #tpu.memory_space<semaphore_mem>>
    tpu.enqueue_indirect_dma source(%dma_start3A_61 : memref<100000x128xf32, #tpu.memory_space<hbm>>) target(%dma_start3A_56 : memref<128x128xf32, #tpu.memory_space<vmem>>) offsets(%dma_start3A_58 : memref<128xi32, #tpu.memory_space<vmem>>) semaphore(%dma_start3A_63 : memref<!tpu.dma_semaphore, #tpu.memory_space<semaphore_mem>>)
    %dma_start3A_64 = arith.constant 1 : i32
    %dma_start3A_65 = arith.constant 1 : i32
    %dma_start3A_66 = arith.constant 0 : i32
    %dma_start3A_67 = arith.constant 0 : i32
    %dma_start3A_68 = tpu.memref_slice %arg19[%dma_start3A_64, %dma_start3A_66, %dma_start3A_67] : memref<3x256x128xf32, #tpu.memory_space<vmem>> -> memref<1x256x128xf32, #tpu.memory_space<vmem>>
    %dma_start3A_69 = tpu.memref_squeeze %dma_start3A_68 : memref<1x256x128xf32, #tpu.memory_space<vmem>> -> memref<256x128xf32, #tpu.memory_space<vmem>>
    %dma_start3A_70 = arith.constant 0 : i32
    %dma_start3A_71 = arith.constant 0 : i32
    %dma_start3A_72 = tpu.memref_slice %dma_start3A_69[%dma_start3A_70, %dma_start3A_71] : memref<256x128xf32, #tpu.memory_space<vmem>> -> memref<128x128xf32, #tpu.memory_space<vmem>>
    %dma_start3A_73 = arith.constant 0 : i32
    %dma_start3A_74 = tpu.memref_slice %arg18[%dma_start3A_73] : memref<512xi32, #tpu.memory_space<vmem>> -> memref<128xi32, #tpu.memory_space<vmem>>
    %dma_start3A_75 = arith.constant 0 : i32
    %dma_start3A_76 = arith.constant 0 : i32
    %dma_start3A_77 = tpu.memref_slice %arg4[%dma_start3A_75, %dma_start3A_76] : memref<100000x128xf32, #tpu.memory_space<hbm>> -> memref<100000x128xf32, #tpu.memory_space<hbm>>
    %dma_start3A_78 = tpu.memref_slice %arg20[%dma_start3A_65] : memref<3x!tpu.dma_semaphore, #tpu.memory_space<semaphore_mem>> -> memref<1x!tpu.dma_semaphore, #tpu.memory_space<semaphore_mem>>
    %dma_start3A_79 = tpu.memref_squeeze %dma_start3A_78 : memref<1x!tpu.dma_semaphore, #tpu.memory_space<semaphore_mem>> -> memref<!tpu.dma_semaphore, #tpu.memory_space<semaphore_mem>>
    tpu.enqueue_indirect_dma source(%dma_start3A_77 : memref<100000x128xf32, #tpu.memory_space<hbm>>) target(%dma_start3A_72 : memref<128x128xf32, #tpu.memory_space<vmem>>) offsets(%dma_start3A_74 : memref<128xi32, #tpu.memory_space<vmem>>) semaphore(%dma_start3A_79 : memref<!tpu.dma_semaphore, #tpu.memory_space<semaphore_mem>>)
    %dma_start3A_80 = arith.constant 1 : i32
    %dma_start3A_81 = arith.constant 1 : i32
    %dma_start3A_82 = arith.constant 0 : i32
    %dma_start3A_83 = arith.constant 0 : i32
    %dma_start3A_84 = tpu.memref_slice %arg19[%dma_start3A_80, %dma_start3A_82, %dma_start3A_83] : memref<3x256x128xf32, #tpu.memory_space<vmem>> -> memref<1x256x128xf32, #tpu.memory_space<vmem>>
    %dma_start3A_85 = tpu.memref_squeeze %dma_start3A_84 : memref<1x256x128xf32, #tpu.memory_space<vmem>> -> memref<256x128xf32, #tpu.memory_space<vmem>>
    %dma_start3A_86 = arith.constant 128 : i32
    %dma_start3A_87 = arith.constant 0 : i32
    %dma_start3A_88 = tpu.memref_slice %dma_start3A_85[%dma_start3A_86, %dma_start3A_87] : memref<256x128xf32, #tpu.memory_space<vmem>> -> memref<128x128xf32, #tpu.memory_space<vmem>>
    %dma_start3A_89 = arith.constant 128 : i32
    %dma_start3A_90 = tpu.memref_slice %arg18[%dma_start3A_89] : memref<512xi32, #tpu.memory_space<vmem>> -> memref<128xi32, #tpu.memory_space<vmem>>
    %dma_start3A_91 = arith.constant 0 : i32
    %dma_start3A_92 = arith.constant 0 : i32
    %dma_start3A_93 = tpu.memref_slice %arg4[%dma_start3A_91, %dma_start3A_92] : memref<100000x128xf32, #tpu.memory_space<hbm>> -> memref<100000x128xf32, #tpu.memory_space<hbm>>
    %dma_start3A_94 = tpu.memref_slice %arg20[%dma_start3A_81] : memref<3x!tpu.dma_semaphore, #tpu.memory_space<semaphore_mem>> -> memref<1x!tpu.dma_semaphore, #tpu.memory_space<semaphore_mem>>
    %dma_start3A_95 = tpu.memref_squeeze %dma_start3A_94 : memref<1x!tpu.dma_semaphore, #tpu.memory_space<semaphore_mem>> -> memref<!tpu.dma_semaphore, #tpu.memory_space<semaphore_mem>>
    tpu.enqueue_indirect_dma source(%dma_start3A_93 : memref<100000x128xf32, #tpu.memory_space<hbm>>) target(%dma_start3A_88 : memref<128x128xf32, #tpu.memory_space<vmem>>) offsets(%dma_start3A_90 : memref<128xi32, #tpu.memory_space<vmem>>) semaphore(%dma_start3A_95 : memref<!tpu.dma_semaphore, #tpu.memory_space<semaphore_mem>>)
    %dma_wait3A = arith.constant 0 : i32
    %dma_wait3A_96 = arith.constant 0 : i32
    %dma_wait3A_97 = arith.constant 0 : i32
    %dma_wait3A_98 = arith.constant 0 : i32
    %dma_wait3A_99 = tpu.memref_slice %arg19[%dma_wait3A, %dma_wait3A_97, %dma_wait3A_98] : memref<3x256x128xf32, #tpu.memory_space<vmem>> -> memref<1x256x128xf32, #tpu.memory_space<vmem>>
    %dma_wait3A_100 = tpu.memref_squeeze %dma_wait3A_99 : memref<1x256x128xf32, #tpu.memory_space<vmem>> -> memref<256x128xf32, #tpu.memory_space<vmem>>
    %dma_wait3A_101 = arith.constant 0 : i32
    %dma_wait3A_102 = arith.constant 0 : i32
    %dma_wait3A_103 = tpu.memref_slice %dma_wait3A_100[%dma_wait3A_101, %dma_wait3A_102] : memref<256x128xf32, #tpu.memory_space<vmem>> -> memref<128x128xf32, #tpu.memory_space<vmem>>
    %dma_wait3A_104 = arith.constant 0 : i32
    %dma_wait3A_105 = tpu.memref_slice %arg18[%dma_wait3A_104] : memref<512xi32, #tpu.memory_space<vmem>> -> memref<128xi32, #tpu.memory_space<vmem>>
    %dma_wait3A_106 = arith.constant 0 : i32
    %dma_wait3A_107 = arith.constant 0 : i32
    %dma_wait3A_108 = tpu.memref_slice %arg3[%dma_wait3A_106, %dma_wait3A_107] : memref<100000x128xf32, #tpu.memory_space<hbm>> -> memref<100000x128xf32, #tpu.memory_space<hbm>>
    %dma_wait3A_109 = tpu.memref_slice %arg20[%dma_wait3A_96] : memref<3x!tpu.dma_semaphore, #tpu.memory_space<semaphore_mem>> -> memref<1x!tpu.dma_semaphore, #tpu.memory_space<semaphore_mem>>
    %dma_wait3A_110 = tpu.memref_squeeze %dma_wait3A_109 : memref<1x!tpu.dma_semaphore, #tpu.memory_space<semaphore_mem>> -> memref<!tpu.dma_semaphore, #tpu.memory_space<semaphore_mem>>
    tpu.wait_indirect_dma semaphore(%dma_wait3A_110 : memref<!tpu.dma_semaphore, #tpu.memory_space<semaphore_mem>>) src(%dma_wait3A_108 : memref<100000x128xf32, #tpu.memory_space<hbm>>) dst(%dma_wait3A_103 : memref<128x128xf32, #tpu.memory_space<vmem>>)
    %dma_wait3A_111 = arith.constant 0 : i32
    %dma_wait3A_112 = arith.constant 0 : i32
    %dma_wait3A_113 = arith.constant 0 : i32
    %dma_wait3A_114 = arith.constant 0 : i32
    %dma_wait3A_115 = tpu.memref_slice %arg19[%dma_wait3A_111, %dma_wait3A_113, %dma_wait3A_114] : memref<3x256x128xf32, #tpu.memory_space<vmem>> -> memref<1x256x128xf32, #tpu.memory_space<vmem>>
    %dma_wait3A_116 = tpu.memref_squeeze %dma_wait3A_115 : memref<1x256x128xf32, #tpu.memory_space<vmem>> -> memref<256x128xf32, #tpu.memory_space<vmem>>
    %dma_wait3A_117 = arith.constant 128 : i32
    %dma_wait3A_118 = arith.constant 0 : i32
    %dma_wait3A_119 = tpu.memref_slice %dma_wait3A_116[%dma_wait3A_117, %dma_wait3A_118] : memref<256x128xf32, #tpu.memory_space<vmem>> -> memref<128x128xf32, #tpu.memory_space<vmem>>
    %dma_wait3A_120 = arith.constant 128 : i32
    %dma_wait3A_121 = tpu.memref_slice %arg18[%dma_wait3A_120] : memref<512xi32, #tpu.memory_space<vmem>> -> memref<128xi32, #tpu.memory_space<vmem>>
    %dma_wait3A_122 = arith.constant 0 : i32
    %dma_wait3A_123 = arith.constant 0 : i32
    %dma_wait3A_124 = tpu.memref_slice %arg3[%dma_wait3A_122, %dma_wait3A_123] : memref<100000x128xf32, #tpu.memory_space<hbm>> -> memref<100000x128xf32, #tpu.memory_space<hbm>>
    %dma_wait3A_125 = tpu.memref_slice %arg20[%dma_wait3A_112] : memref<3x!tpu.dma_semaphore, #tpu.memory_space<semaphore_mem>> -> memref<1x!tpu.dma_semaphore, #tpu.memory_space<semaphore_mem>>
    %dma_wait3A_126 = tpu.memref_squeeze %dma_wait3A_125 : memref<1x!tpu.dma_semaphore, #tpu.memory_space<semaphore_mem>> -> memref<!tpu.dma_semaphore, #tpu.memory_space<semaphore_mem>>
    tpu.wait_indirect_dma semaphore(%dma_wait3A_126 : memref<!tpu.dma_semaphore, #tpu.memory_space<semaphore_mem>>) src(%dma_wait3A_124 : memref<100000x128xf32, #tpu.memory_space<hbm>>) dst(%dma_wait3A_119 : memref<128x128xf32, #tpu.memory_space<vmem>>)
    %mul3A_127 = arith.constant 512 : i32
    %mul3A_128 = arith.muli %add3A, %mul3A_127 : i32
    %add3A_129 = arith.constant 0 : i32
    %add3A_130 = arith.addi %mul3A_128, %add3A_129 : i32
    %dma_start3A_131 = arith.constant 0 : i32
    %dma_start3A_132 = arith.constant 0 : i32
    %dma_start3A_133 = arith.constant 0 : i32
    %dma_start3A_134 = arith.constant 0 : i32
    %dma_start3A_135 = tpu.memref_slice %arg19[%dma_start3A_131, %dma_start3A_133, %dma_start3A_134] : memref<3x256x128xf32, #tpu.memory_space<vmem>> -> memref<1x256x128xf32, #tpu.memory_space<vmem>>
    %dma_start3A_136 = tpu.memref_squeeze %dma_start3A_135 : memref<1x256x128xf32, #tpu.memory_space<vmem>> -> memref<256x128xf32, #tpu.memory_space<vmem>>
    %dma_start3A_137 = arith.constant 0 : i32
    %dma_start3A_138 = tpu.memref_slice %arg6[%add3A_130, %dma_start3A_137] : memref<16384x128xf32, #tpu.memory_space<hbm>> -> memref<256x128xf32, #tpu.memory_space<hbm>>
    %dma_start3A_139 = tpu.memref_slice %arg21[%dma_start3A_132] : memref<3x!tpu.dma_semaphore, #tpu.memory_space<semaphore_mem>> -> memref<1x!tpu.dma_semaphore, #tpu.memory_space<semaphore_mem>>
    %dma_start3A_140 = tpu.memref_squeeze %dma_start3A_139 : memref<1x!tpu.dma_semaphore, #tpu.memory_space<semaphore_mem>> -> memref<!tpu.dma_semaphore, #tpu.memory_space<semaphore_mem>>
    %dma_start3A_141 = arith.constant 0 : i32
    %dma_start3A_142 = tpu.memref_slice %arg6[%add3A_130, %dma_start3A_141] : memref<16384x128xf32, #tpu.memory_space<hbm>> -> memref<256x128xf32, #tpu.memory_space<hbm>>
    %dma_start3A_143 = arith.constant 0 : i32
    %dma_start3A_144 = arith.constant 0 : i32
    %dma_start3A_145 = tpu.memref_slice %arg19[%dma_start3A_131, %dma_start3A_143, %dma_start3A_144] : memref<3x256x128xf32, #tpu.memory_space<vmem>> -> memref<1x256x128xf32, #tpu.memory_space<vmem>>
    %dma_start3A_146 = tpu.memref_squeeze %dma_start3A_145 : memref<1x256x128xf32, #tpu.memory_space<vmem>> -> memref<256x128xf32, #tpu.memory_space<vmem>>
    tpu.enqueue_dma source(%dma_start3A_146 : memref<256x128xf32, #tpu.memory_space<vmem>>) target(%dma_start3A_142 : memref<256x128xf32, #tpu.memory_space<hbm>>) target_semaphore(%dma_start3A_140 : memref<!tpu.dma_semaphore, #tpu.memory_space<semaphore_mem>>)
    %dma_start3A_147 = arith.constant 0 : i32
    %dma_start3A_148 = arith.constant 0 : i32
    %dma_start3A_149 = arith.constant 0 : i32
    %dma_start3A_150 = arith.constant 0 : i32
    %dma_start3A_151 = tpu.memref_slice %arg19[%dma_start3A_147, %dma_start3A_149, %dma_start3A_150] : memref<3x256x128xf32, #tpu.memory_space<vmem>> -> memref<1x256x128xf32, #tpu.memory_space<vmem>>
    %dma_start3A_152 = tpu.memref_squeeze %dma_start3A_151 : memref<1x256x128xf32, #tpu.memory_space<vmem>> -> memref<256x128xf32, #tpu.memory_space<vmem>>
    %dma_start3A_153 = arith.constant 0 : i32
    %dma_start3A_154 = tpu.memref_slice %arg9[%add3A_130, %dma_start3A_153] : memref<16384x128xf32, #tpu.memory_space<hbm>> -> memref<256x128xf32, #tpu.memory_space<hbm>>
    %dma_start3A_155 = tpu.memref_slice %arg21[%dma_start3A_148] : memref<3x!tpu.dma_semaphore, #tpu.memory_space<semaphore_mem>> -> memref<1x!tpu.dma_semaphore, #tpu.memory_space<semaphore_mem>>
    %dma_start3A_156 = tpu.memref_squeeze %dma_start3A_155 : memref<1x!tpu.dma_semaphore, #tpu.memory_space<semaphore_mem>> -> memref<!tpu.dma_semaphore, #tpu.memory_space<semaphore_mem>>
    %dma_start3A_157 = arith.constant 0 : i32
    %dma_start3A_158 = tpu.memref_slice %arg9[%add3A_130, %dma_start3A_157] : memref<16384x128xf32, #tpu.memory_space<hbm>> -> memref<256x128xf32, #tpu.memory_space<hbm>>
    %dma_start3A_159 = arith.constant 0 : i32
    %dma_start3A_160 = arith.constant 0 : i32
    %dma_start3A_161 = tpu.memref_slice %arg19[%dma_start3A_147, %dma_start3A_159, %dma_start3A_160] : memref<3x256x128xf32, #tpu.memory_space<vmem>> -> memref<1x256x128xf32, #tpu.memory_space<vmem>>
    %dma_start3A_162 = tpu.memref_squeeze %dma_start3A_161 : memref<1x256x128xf32, #tpu.memory_space<vmem>> -> memref<256x128xf32, #tpu.memory_space<vmem>>
    tpu.enqueue_dma source(%dma_start3A_162 : memref<256x128xf32, #tpu.memory_space<vmem>>) target(%dma_start3A_158 : memref<256x128xf32, #tpu.memory_space<hbm>>) target_semaphore(%dma_start3A_156 : memref<!tpu.dma_semaphore, #tpu.memory_space<semaphore_mem>>)
    %dma_start3A_163 = arith.constant 0 : i32
    %dma_start3A_164 = arith.constant 0 : i32
    %dma_start3A_165 = arith.constant 0 : i32
    %dma_start3A_166 = arith.constant 0 : i32
    %dma_start3A_167 = tpu.memref_slice %arg19[%dma_start3A_163, %dma_start3A_165, %dma_start3A_166] : memref<3x256x128xf32, #tpu.memory_space<vmem>> -> memref<1x256x128xf32, #tpu.memory_space<vmem>>
    %dma_start3A_168 = tpu.memref_squeeze %dma_start3A_167 : memref<1x256x128xf32, #tpu.memory_space<vmem>> -> memref<256x128xf32, #tpu.memory_space<vmem>>
    %dma_start3A_169 = arith.constant 0 : i32
    %dma_start3A_170 = tpu.memref_slice %arg12[%add3A_130, %dma_start3A_169] : memref<16384x128xf32, #tpu.memory_space<hbm>> -> memref<256x128xf32, #tpu.memory_space<hbm>>
    %dma_start3A_171 = tpu.memref_slice %arg21[%dma_start3A_164] : memref<3x!tpu.dma_semaphore, #tpu.memory_space<semaphore_mem>> -> memref<1x!tpu.dma_semaphore, #tpu.memory_space<semaphore_mem>>
    %dma_start3A_172 = tpu.memref_squeeze %dma_start3A_171 : memref<1x!tpu.dma_semaphore, #tpu.memory_space<semaphore_mem>> -> memref<!tpu.dma_semaphore, #tpu.memory_space<semaphore_mem>>
    %dma_start3A_173 = arith.constant 0 : i32
    %dma_start3A_174 = tpu.memref_slice %arg12[%add3A_130, %dma_start3A_173] : memref<16384x128xf32, #tpu.memory_space<hbm>> -> memref<256x128xf32, #tpu.memory_space<hbm>>
    %dma_start3A_175 = arith.constant 0 : i32
    %dma_start3A_176 = arith.constant 0 : i32
    %dma_start3A_177 = tpu.memref_slice %arg19[%dma_start3A_163, %dma_start3A_175, %dma_start3A_176] : memref<3x256x128xf32, #tpu.memory_space<vmem>> -> memref<1x256x128xf32, #tpu.memory_space<vmem>>
    %dma_start3A_178 = tpu.memref_squeeze %dma_start3A_177 : memref<1x256x128xf32, #tpu.memory_space<vmem>> -> memref<256x128xf32, #tpu.memory_space<vmem>>
    tpu.enqueue_dma source(%dma_start3A_178 : memref<256x128xf32, #tpu.memory_space<vmem>>) target(%dma_start3A_174 : memref<256x128xf32, #tpu.memory_space<hbm>>) target_semaphore(%dma_start3A_172 : memref<!tpu.dma_semaphore, #tpu.memory_space<semaphore_mem>>)
    %dma_start3A_179 = arith.constant 0 : i32
    %dma_start3A_180 = arith.constant 0 : i32
    %dma_start3A_181 = arith.constant 0 : i32
    %dma_start3A_182 = arith.constant 0 : i32
    %dma_start3A_183 = tpu.memref_slice %arg19[%dma_start3A_179, %dma_start3A_181, %dma_start3A_182] : memref<3x256x128xf32, #tpu.memory_space<vmem>> -> memref<1x256x128xf32, #tpu.memory_space<vmem>>
    %dma_start3A_184 = tpu.memref_squeeze %dma_start3A_183 : memref<1x256x128xf32, #tpu.memory_space<vmem>> -> memref<256x128xf32, #tpu.memory_space<vmem>>
    %dma_start3A_185 = arith.constant 0 : i32
    %dma_start3A_186 = tpu.memref_slice %arg15[%add3A_130, %dma_start3A_185] : memref<16384x128xf32, #tpu.memory_space<hbm>> -> memref<256x128xf32, #tpu.memory_space<hbm>>
    %dma_start3A_187 = tpu.memref_slice %arg21[%dma_start3A_180] : memref<3x!tpu.dma_semaphore, #tpu.memory_space<semaphore_mem>> -> memref<1x!tpu.dma_semaphore, #tpu.memory_space<semaphore_mem>>
    %dma_start3A_188 = tpu.memref_squeeze %dma_start3A_187 : memref<1x!tpu.dma_semaphore, #tpu.memory_space<semaphore_mem>> -> memref<!tpu.dma_semaphore, #tpu.memory_space<semaphore_mem>>
    %dma_start3A_189 = arith.constant 0 : i32
    %dma_start3A_190 = tpu.memref_slice %arg15[%add3A_130, %dma_start3A_189] : memref<16384x128xf32, #tpu.memory_space<hbm>> -> memref<256x128xf32, #tpu.memory_space<hbm>>
    %dma_start3A_191 = arith.constant 0 : i32
    %dma_start3A_192 = arith.constant 0 : i32
    %dma_start3A_193 = tpu.memref_slice %arg19[%dma_start3A_179, %dma_start3A_191, %dma_start3A_192] : memref<3x256x128xf32, #tpu.memory_space<vmem>> -> memref<1x256x128xf32, #tpu.memory_space<vmem>>
    %dma_start3A_194 = tpu.memref_squeeze %dma_start3A_193 : memref<1x256x128xf32, #tpu.memory_space<vmem>> -> memref<256x128xf32, #tpu.memory_space<vmem>>
    tpu.enqueue_dma source(%dma_start3A_194 : memref<256x128xf32, #tpu.memory_space<vmem>>) target(%dma_start3A_190 : memref<256x128xf32, #tpu.memory_space<hbm>>) target_semaphore(%dma_start3A_188 : memref<!tpu.dma_semaphore, #tpu.memory_space<semaphore_mem>>)
    %dma_start3A_195 = arith.constant 2 : i32
    %dma_start3A_196 = arith.constant 2 : i32
    %dma_start3A_197 = arith.constant 0 : i32
    %dma_start3A_198 = arith.constant 0 : i32
    %dma_start3A_199 = tpu.memref_slice %arg19[%dma_start3A_195, %dma_start3A_197, %dma_start3A_198] : memref<3x256x128xf32, #tpu.memory_space<vmem>> -> memref<1x256x128xf32, #tpu.memory_space<vmem>>
    %dma_start3A_200 = tpu.memref_squeeze %dma_start3A_199 : memref<1x256x128xf32, #tpu.memory_space<vmem>> -> memref<256x128xf32, #tpu.memory_space<vmem>>
    %dma_start3A_201 = arith.constant 0 : i32
    %dma_start3A_202 = arith.constant 0 : i32
    %dma_start3A_203 = tpu.memref_slice %dma_start3A_200[%dma_start3A_201, %dma_start3A_202] : memref<256x128xf32, #tpu.memory_space<vmem>> -> memref<128x128xf32, #tpu.memory_space<vmem>>
    %dma_start3A_204 = arith.constant 0 : i32
    %dma_start3A_205 = tpu.memref_slice %arg18[%dma_start3A_204] : memref<512xi32, #tpu.memory_space<vmem>> -> memref<128xi32, #tpu.memory_space<vmem>>
    %dma_start3A_206 = arith.constant 0 : i32
    %dma_start3A_207 = arith.constant 0 : i32
    %dma_start3A_208 = tpu.memref_slice %arg5[%dma_start3A_206, %dma_start3A_207] : memref<100000x128xf32, #tpu.memory_space<hbm>> -> memref<100000x128xf32, #tpu.memory_space<hbm>>
    %dma_start3A_209 = tpu.memref_slice %arg20[%dma_start3A_196] : memref<3x!tpu.dma_semaphore, #tpu.memory_space<semaphore_mem>> -> memref<1x!tpu.dma_semaphore, #tpu.memory_space<semaphore_mem>>
    %dma_start3A_210 = tpu.memref_squeeze %dma_start3A_209 : memref<1x!tpu.dma_semaphore, #tpu.memory_space<semaphore_mem>> -> memref<!tpu.dma_semaphore, #tpu.memory_space<semaphore_mem>>
    tpu.enqueue_indirect_dma source(%dma_start3A_208 : memref<100000x128xf32, #tpu.memory_space<hbm>>) target(%dma_start3A_203 : memref<128x128xf32, #tpu.memory_space<vmem>>) offsets(%dma_start3A_205 : memref<128xi32, #tpu.memory_space<vmem>>) semaphore(%dma_start3A_210 : memref<!tpu.dma_semaphore, #tpu.memory_space<semaphore_mem>>)
    %dma_start3A_211 = arith.constant 2 : i32
    %dma_start3A_212 = arith.constant 2 : i32
    %dma_start3A_213 = arith.constant 0 : i32
    %dma_start3A_214 = arith.constant 0 : i32
    %dma_start3A_215 = tpu.memref_slice %arg19[%dma_start3A_211, %dma_start3A_213, %dma_start3A_214] : memref<3x256x128xf32, #tpu.memory_space<vmem>> -> memref<1x256x128xf32, #tpu.memory_space<vmem>>
    %dma_start3A_216 = tpu.memref_squeeze %dma_start3A_215 : memref<1x256x128xf32, #tpu.memory_space<vmem>> -> memref<256x128xf32, #tpu.memory_space<vmem>>
    %dma_start3A_217 = arith.constant 128 : i32
    %dma_start3A_218 = arith.constant 0 : i32
    %dma_start3A_219 = tpu.memref_slice %dma_start3A_216[%dma_start3A_217, %dma_start3A_218] : memref<256x128xf32, #tpu.memory_space<vmem>> -> memref<128x128xf32, #tpu.memory_space<vmem>>
    %dma_start3A_220 = arith.constant 128 : i32
    %dma_start3A_221 = tpu.memref_slice %arg18[%dma_start3A_220] : memref<512xi32, #tpu.memory_space<vmem>> -> memref<128xi32, #tpu.memory_space<vmem>>
    %dma_start3A_222 = arith.constant 0 : i32
    %dma_start3A_223 = arith.constant 0 : i32
    %dma_start3A_224 = tpu.memref_slice %arg5[%dma_start3A_222, %dma_start3A_223] : memref<100000x128xf32, #tpu.memory_space<hbm>> -> memref<100000x128xf32, #tpu.memory_space<hbm>>
    %dma_start3A_225 = tpu.memref_slice %arg20[%dma_start3A_212] : memref<3x!tpu.dma_semaphore, #tpu.memory_space<semaphore_mem>> -> memref<1x!tpu.dma_semaphore, #tpu.memory_space<semaphore_mem>>
    %dma_start3A_226 = tpu.memref_squeeze %dma_start3A_225 : memref<1x!tpu.dma_semaphore, #tpu.memory_space<semaphore_mem>> -> memref<!tpu.dma_semaphore, #tpu.memory_space<semaphore_mem>>
    tpu.enqueue_indirect_dma source(%dma_start3A_224 : memref<100000x128xf32, #tpu.memory_space<hbm>>) target(%dma_start3A_219 : memref<128x128xf32, #tpu.memory_space<vmem>>) offsets(%dma_start3A_221 : memref<128xi32, #tpu.memory_space<vmem>>) semaphore(%dma_start3A_226 : memref<!tpu.dma_semaphore, #tpu.memory_space<semaphore_mem>>)
    %dma_wait3A_227 = arith.constant 1 : i32
    %dma_wait3A_228 = arith.constant 1 : i32
    %dma_wait3A_229 = arith.constant 0 : i32
    %dma_wait3A_230 = arith.constant 0 : i32
    %dma_wait3A_231 = tpu.memref_slice %arg19[%dma_wait3A_227, %dma_wait3A_229, %dma_wait3A_230] : memref<3x256x128xf32, #tpu.memory_space<vmem>> -> memref<1x256x128xf32, #tpu.memory_space<vmem>>
    %dma_wait3A_232 = tpu.memref_squeeze %dma_wait3A_231 : memref<1x256x128xf32, #tpu.memory_space<vmem>> -> memref<256x128xf32, #tpu.memory_space<vmem>>
    %dma_wait3A_233 = arith.constant 0 : i32
    %dma_wait3A_234 = arith.constant 0 : i32
    %dma_wait3A_235 = tpu.memref_slice %dma_wait3A_232[%dma_wait3A_233, %dma_wait3A_234] : memref<256x128xf32, #tpu.memory_space<vmem>> -> memref<128x128xf32, #tpu.memory_space<vmem>>
    %dma_wait3A_236 = arith.constant 0 : i32
    %dma_wait3A_237 = tpu.memref_slice %arg18[%dma_wait3A_236] : memref<512xi32, #tpu.memory_space<vmem>> -> memref<128xi32, #tpu.memory_space<vmem>>
    %dma_wait3A_238 = arith.constant 0 : i32
    %dma_wait3A_239 = arith.constant 0 : i32
    %dma_wait3A_240 = tpu.memref_slice %arg4[%dma_wait3A_238, %dma_wait3A_239] : memref<100000x128xf32, #tpu.memory_space<hbm>> -> memref<100000x128xf32, #tpu.memory_space<hbm>>
    %dma_wait3A_241 = tpu.memref_slice %arg20[%dma_wait3A_228] : memref<3x!tpu.dma_semaphore, #tpu.memory_space<semaphore_mem>> -> memref<1x!tpu.dma_semaphore, #tpu.memory_space<semaphore_mem>>
    %dma_wait3A_242 = tpu.memref_squeeze %dma_wait3A_241 : memref<1x!tpu.dma_semaphore, #tpu.memory_space<semaphore_mem>> -> memref<!tpu.dma_semaphore, #tpu.memory_space<semaphore_mem>>
    tpu.wait_indirect_dma semaphore(%dma_wait3A_242 : memref<!tpu.dma_semaphore, #tpu.memory_space<semaphore_mem>>) src(%dma_wait3A_240 : memref<100000x128xf32, #tpu.memory_space<hbm>>) dst(%dma_wait3A_235 : memref<128x128xf32, #tpu.memory_space<vmem>>)
    %dma_wait3A_243 = arith.constant 1 : i32
    %dma_wait3A_244 = arith.constant 1 : i32
    %dma_wait3A_245 = arith.constant 0 : i32
    %dma_wait3A_246 = arith.constant 0 : i32
    %dma_wait3A_247 = tpu.memref_slice %arg19[%dma_wait3A_243, %dma_wait3A_245, %dma_wait3A_246] : memref<3x256x128xf32, #tpu.memory_space<vmem>> -> memref<1x256x128xf32, #tpu.memory_space<vmem>>
    %dma_wait3A_248 = tpu.memref_squeeze %dma_wait3A_247 : memref<1x256x128xf32, #tpu.memory_space<vmem>> -> memref<256x128xf32, #tpu.memory_space<vmem>>
    %dma_wait3A_249 = arith.constant 128 : i32
    %dma_wait3A_250 = arith.constant 0 : i32
    %dma_wait3A_251 = tpu.memref_slice %dma_wait3A_248[%dma_wait3A_249, %dma_wait3A_250] : memref<256x128xf32, #tpu.memory_space<vmem>> -> memref<128x128xf32, #tpu.memory_space<vmem>>
    %dma_wait3A_252 = arith.constant 128 : i32
    %dma_wait3A_253 = tpu.memref_slice %arg18[%dma_wait3A_252] : memref<512xi32, #tpu.memory_space<vmem>> -> memref<128xi32, #tpu.memory_space<vmem>>
    %dma_wait3A_254 = arith.constant 0 : i32
    %dma_wait3A_255 = arith.constant 0 : i32
    %dma_wait3A_256 = tpu.memref_slice %arg4[%dma_wait3A_254, %dma_wait3A_255] : memref<100000x128xf32, #tpu.memory_space<hbm>> -> memref<100000x128xf32, #tpu.memory_space<hbm>>
    %dma_wait3A_257 = tpu.memref_slice %arg20[%dma_wait3A_244] : memref<3x!tpu.dma_semaphore, #tpu.memory_space<semaphore_mem>> -> memref<1x!tpu.dma_semaphore, #tpu.memory_space<semaphore_mem>>
    %dma_wait3A_258 = tpu.memref_squeeze %dma_wait3A_257 : memref<1x!tpu.dma_semaphore, #tpu.memory_space<semaphore_mem>> -> memref<!tpu.dma_semaphore, #tpu.memory_space<semaphore_mem>>
    tpu.wait_indirect_dma semaphore(%dma_wait3A_258 : memref<!tpu.dma_semaphore, #tpu.memory_space<semaphore_mem>>) src(%dma_wait3A_256 : memref<100000x128xf32, #tpu.memory_space<hbm>>) dst(%dma_wait3A_251 : memref<128x128xf32, #tpu.memory_space<vmem>>)
    %mul3A_259 = arith.constant 512 : i32
    %mul3A_260 = arith.muli %add3A, %mul3A_259 : i32
    %add3A_261 = arith.constant 0 : i32
    %add3A_262 = arith.addi %mul3A_260, %add3A_261 : i32
    %dma_start3A_263 = arith.constant 1 : i32
    %dma_start3A_264 = arith.constant 1 : i32
    %dma_start3A_265 = arith.constant 0 : i32
    %dma_start3A_266 = arith.constant 0 : i32
    %dma_start3A_267 = tpu.memref_slice %arg19[%dma_start3A_263, %dma_start3A_265, %dma_start3A_266] : memref<3x256x128xf32, #tpu.memory_space<vmem>> -> memref<1x256x128xf32, #tpu.memory_space<vmem>>
    %dma_start3A_268 = tpu.memref_squeeze %dma_start3A_267 : memref<1x256x128xf32, #tpu.memory_space<vmem>> -> memref<256x128xf32, #tpu.memory_space<vmem>>
    %dma_start3A_269 = arith.constant 0 : i32
    %dma_start3A_270 = tpu.memref_slice %arg7[%add3A_262, %dma_start3A_269] : memref<16384x128xf32, #tpu.memory_space<hbm>> -> memref<256x128xf32, #tpu.memory_space<hbm>>
    %dma_start3A_271 = tpu.memref_slice %arg21[%dma_start3A_264] : memref<3x!tpu.dma_semaphore, #tpu.memory_space<semaphore_mem>> -> memref<1x!tpu.dma_semaphore, #tpu.memory_space<semaphore_mem>>
    %dma_start3A_272 = tpu.memref_squeeze %dma_start3A_271 : memref<1x!tpu.dma_semaphore, #tpu.memory_space<semaphore_mem>> -> memref<!tpu.dma_semaphore, #tpu.memory_space<semaphore_mem>>
    %dma_start3A_273 = arith.constant 0 : i32
    %dma_start3A_274 = tpu.memref_slice %arg7[%add3A_262, %dma_start3A_273] : memref<16384x128xf32, #tpu.memory_space<hbm>> -> memref<256x128xf32, #tpu.memory_space<hbm>>
    %dma_start3A_275 = arith.constant 0 : i32
    %dma_start3A_276 = arith.constant 0 : i32
    %dma_start3A_277 = tpu.memref_slice %arg19[%dma_start3A_263, %dma_start3A_275, %dma_start3A_276] : memref<3x256x128xf32, #tpu.memory_space<vmem>> -> memref<1x256x128xf32, #tpu.memory_space<vmem>>
    %dma_start3A_278 = tpu.memref_squeeze %dma_start3A_277 : memref<1x256x128xf32, #tpu.memory_space<vmem>> -> memref<256x128xf32, #tpu.memory_space<vmem>>
    tpu.enqueue_dma source(%dma_start3A_278 : memref<256x128xf32, #tpu.memory_space<vmem>>) target(%dma_start3A_274 : memref<256x128xf32, #tpu.memory_space<hbm>>) target_semaphore(%dma_start3A_272 : memref<!tpu.dma_semaphore, #tpu.memory_space<semaphore_mem>>)
    %dma_start3A_279 = arith.constant 1 : i32
    %dma_start3A_280 = arith.constant 1 : i32
    %dma_start3A_281 = arith.constant 0 : i32
    %dma_start3A_282 = arith.constant 0 : i32
    %dma_start3A_283 = tpu.memref_slice %arg19[%dma_start3A_279, %dma_start3A_281, %dma_start3A_282] : memref<3x256x128xf32, #tpu.memory_space<vmem>> -> memref<1x256x128xf32, #tpu.memory_space<vmem>>
    %dma_start3A_284 = tpu.memref_squeeze %dma_start3A_283 : memref<1x256x128xf32, #tpu.memory_space<vmem>> -> memref<256x128xf32, #tpu.memory_space<vmem>>
    %dma_start3A_285 = arith.constant 0 : i32
    %dma_start3A_286 = tpu.memref_slice %arg10[%add3A_262, %dma_start3A_285] : memref<16384x128xf32, #tpu.memory_space<hbm>> -> memref<256x128xf32, #tpu.memory_space<hbm>>
    %dma_start3A_287 = tpu.memref_slice %arg21[%dma_start3A_280] : memref<3x!tpu.dma_semaphore, #tpu.memory_space<semaphore_mem>> -> memref<1x!tpu.dma_semaphore, #tpu.memory_space<semaphore_mem>>
    %dma_start3A_288 = tpu.memref_squeeze %dma_start3A_287 : memref<1x!tpu.dma_semaphore, #tpu.memory_space<semaphore_mem>> -> memref<!tpu.dma_semaphore, #tpu.memory_space<semaphore_mem>>
    %dma_start3A_289 = arith.constant 0 : i32
    %dma_start3A_290 = tpu.memref_slice %arg10[%add3A_262, %dma_start3A_289] : memref<16384x128xf32, #tpu.memory_space<hbm>> -> memref<256x128xf32, #tpu.memory_space<hbm>>
    %dma_start3A_291 = arith.constant 0 : i32
    %dma_start3A_292 = arith.constant 0 : i32
    %dma_start3A_293 = tpu.memref_slice %arg19[%dma_start3A_279, %dma_start3A_291, %dma_start3A_292] : memref<3x256x128xf32, #tpu.memory_space<vmem>> -> memref<1x256x128xf32, #tpu.memory_space<vmem>>
    %dma_start3A_294 = tpu.memref_squeeze %dma_start3A_293 : memref<1x256x128xf32, #tpu.memory_space<vmem>> -> memref<256x128xf32, #tpu.memory_space<vmem>>
    tpu.enqueue_dma source(%dma_start3A_294 : memref<256x128xf32, #tpu.memory_space<vmem>>) target(%dma_start3A_290 : memref<256x128xf32, #tpu.memory_space<hbm>>) target_semaphore(%dma_start3A_288 : memref<!tpu.dma_semaphore, #tpu.memory_space<semaphore_mem>>)
    %dma_start3A_295 = arith.constant 1 : i32
    %dma_start3A_296 = arith.constant 1 : i32
    %dma_start3A_297 = arith.constant 0 : i32
    %dma_start3A_298 = arith.constant 0 : i32
    %dma_start3A_299 = tpu.memref_slice %arg19[%dma_start3A_295, %dma_start3A_297, %dma_start3A_298] : memref<3x256x128xf32, #tpu.memory_space<vmem>> -> memref<1x256x128xf32, #tpu.memory_space<vmem>>
    %dma_start3A_300 = tpu.memref_squeeze %dma_start3A_299 : memref<1x256x128xf32, #tpu.memory_space<vmem>> -> memref<256x128xf32, #tpu.memory_space<vmem>>
    %dma_start3A_301 = arith.constant 0 : i32
    %dma_start3A_302 = tpu.memref_slice %arg13[%add3A_262, %dma_start3A_301] : memref<16384x128xf32, #tpu.memory_space<hbm>> -> memref<256x128xf32, #tpu.memory_space<hbm>>
    %dma_start3A_303 = tpu.memref_slice %arg21[%dma_start3A_296] : memref<3x!tpu.dma_semaphore, #tpu.memory_space<semaphore_mem>> -> memref<1x!tpu.dma_semaphore, #tpu.memory_space<semaphore_mem>>
    %dma_start3A_304 = tpu.memref_squeeze %dma_start3A_303 : memref<1x!tpu.dma_semaphore, #tpu.memory_space<semaphore_mem>> -> memref<!tpu.dma_semaphore, #tpu.memory_space<semaphore_mem>>
    %dma_start3A_305 = arith.constant 0 : i32
    %dma_start3A_306 = tpu.memref_slice %arg13[%add3A_262, %dma_start3A_305] : memref<16384x128xf32, #tpu.memory_space<hbm>> -> memref<256x128xf32, #tpu.memory_space<hbm>>
    %dma_start3A_307 = arith.constant 0 : i32
    %dma_start3A_308 = arith.constant 0 : i32
    %dma_start3A_309 = tpu.memref_slice %arg19[%dma_start3A_295, %dma_start3A_307, %dma_start3A_308] : memref<3x256x128xf32, #tpu.memory_space<vmem>> -> memref<1x256x128xf32, #tpu.memory_space<vmem>>
    %dma_start3A_310 = tpu.memref_squeeze %dma_start3A_309 : memref<1x256x128xf32, #tpu.memory_space<vmem>> -> memref<256x128xf32, #tpu.memory_space<vmem>>
    tpu.enqueue_dma source(%dma_start3A_310 : memref<256x128xf32, #tpu.memory_space<vmem>>) target(%dma_start3A_306 : memref<256x128xf32, #tpu.memory_space<hbm>>) target_semaphore(%dma_start3A_304 : memref<!tpu.dma_semaphore, #tpu.memory_space<semaphore_mem>>)
    %dma_start3A_311 = arith.constant 1 : i32
    %dma_start3A_312 = arith.constant 1 : i32
    %dma_start3A_313 = arith.constant 0 : i32
    %dma_start3A_314 = arith.constant 0 : i32
    %dma_start3A_315 = tpu.memref_slice %arg19[%dma_start3A_311, %dma_start3A_313, %dma_start3A_314] : memref<3x256x128xf32, #tpu.memory_space<vmem>> -> memref<1x256x128xf32, #tpu.memory_space<vmem>>
    %dma_start3A_316 = tpu.memref_squeeze %dma_start3A_315 : memref<1x256x128xf32, #tpu.memory_space<vmem>> -> memref<256x128xf32, #tpu.memory_space<vmem>>
    %dma_start3A_317 = arith.constant 0 : i32
    %dma_start3A_318 = tpu.memref_slice %arg16[%add3A_262, %dma_start3A_317] : memref<16384x128xf32, #tpu.memory_space<hbm>> -> memref<256x128xf32, #tpu.memory_space<hbm>>
    %dma_start3A_319 = tpu.memref_slice %arg21[%dma_start3A_312] : memref<3x!tpu.dma_semaphore, #tpu.memory_space<semaphore_mem>> -> memref<1x!tpu.dma_semaphore, #tpu.memory_space<semaphore_mem>>
    %dma_start3A_320 = tpu.memref_squeeze %dma_start3A_319 : memref<1x!tpu.dma_semaphore, #tpu.memory_space<semaphore_mem>> -> memref<!tpu.dma_semaphore, #tpu.memory_space<semaphore_mem>>
    %dma_start3A_321 = arith.constant 0 : i32
    %dma_start3A_322 = tpu.memref_slice %arg16[%add3A_262, %dma_start3A_321] : memref<16384x128xf32, #tpu.memory_space<hbm>> -> memref<256x128xf32, #tpu.memory_space<hbm>>
    %dma_start3A_323 = arith.constant 0 : i32
    %dma_start3A_324 = arith.constant 0 : i32
    %dma_start3A_325 = tpu.memref_slice %arg19[%dma_start3A_311, %dma_start3A_323, %dma_start3A_324] : memref<3x256x128xf32, #tpu.memory_space<vmem>> -> memref<1x256x128xf32, #tpu.memory_space<vmem>>
    %dma_start3A_326 = tpu.memref_squeeze %dma_start3A_325 : memref<1x256x128xf32, #tpu.memory_space<vmem>> -> memref<256x128xf32, #tpu.memory_space<vmem>>
    tpu.enqueue_dma source(%dma_start3A_326 : memref<256x128xf32, #tpu.memory_space<vmem>>) target(%dma_start3A_322 : memref<256x128xf32, #tpu.memory_space<hbm>>) target_semaphore(%dma_start3A_320 : memref<!tpu.dma_semaphore, #tpu.memory_space<semaphore_mem>>)
    %dma_wait3A_327 = arith.constant 0 : i32
    %dma_wait3A_328 = arith.constant 0 : i32
    %dma_wait3A_329 = arith.constant 0 : i32
    %dma_wait3A_330 = arith.constant 0 : i32
    %dma_wait3A_331 = tpu.memref_slice %arg19[%dma_wait3A_327, %dma_wait3A_329, %dma_wait3A_330] : memref<3x256x128xf32, #tpu.memory_space<vmem>> -> memref<1x256x128xf32, #tpu.memory_space<vmem>>
    %dma_wait3A_332 = tpu.memref_squeeze %dma_wait3A_331 : memref<1x256x128xf32, #tpu.memory_space<vmem>> -> memref<256x128xf32, #tpu.memory_space<vmem>>
    %dma_wait3A_333 = arith.constant 0 : i32
    %dma_wait3A_334 = tpu.memref_slice %arg6[%add3A_130, %dma_wait3A_333] : memref<16384x128xf32, #tpu.memory_space<hbm>> -> memref<256x128xf32, #tpu.memory_space<hbm>>
    %dma_wait3A_335 = tpu.memref_slice %arg21[%dma_wait3A_328] : memref<3x!tpu.dma_semaphore, #tpu.memory_space<semaphore_mem>> -> memref<1x!tpu.dma_semaphore, #tpu.memory_space<semaphore_mem>>
    %dma_wait3A_336 = tpu.memref_squeeze %dma_wait3A_335 : memref<1x!tpu.dma_semaphore, #tpu.memory_space<semaphore_mem>> -> memref<!tpu.dma_semaphore, #tpu.memory_space<semaphore_mem>>
    %dma_wait3A_337 = arith.constant 0 : i32
    %dma_wait3A_338 = tpu.memref_slice %arg6[%add3A_130, %dma_wait3A_337] : memref<16384x128xf32, #tpu.memory_space<hbm>> -> memref<256x128xf32, #tpu.memory_space<hbm>>
    %dma_wait3A_339 = arith.constant 0 : i32
    %dma_wait3A_340 = arith.constant 0 : i32
    %dma_wait3A_341 = tpu.memref_slice %arg19[%dma_wait3A_327, %dma_wait3A_339, %dma_wait3A_340] : memref<3x256x128xf32, #tpu.memory_space<vmem>> -> memref<1x256x128xf32, #tpu.memory_space<vmem>>
    %dma_wait3A_342 = tpu.memref_squeeze %dma_wait3A_341 : memref<1x256x128xf32, #tpu.memory_space<vmem>> -> memref<256x128xf32, #tpu.memory_space<vmem>>
    tpu.wait_dma2 semaphore(%dma_wait3A_336 : memref<!tpu.dma_semaphore, #tpu.memory_space<semaphore_mem>>) src(%dma_wait3A_342 : memref<256x128xf32, #tpu.memory_space<vmem>>) dst(%dma_wait3A_338 : memref<256x128xf32, #tpu.memory_space<hbm>>)
    %dma_wait3A_343 = arith.constant 0 : i32
    %dma_wait3A_344 = arith.constant 0 : i32
    %dma_wait3A_345 = arith.constant 0 : i32
    %dma_wait3A_346 = arith.constant 0 : i32
    %dma_wait3A_347 = tpu.memref_slice %arg19[%dma_wait3A_343, %dma_wait3A_345, %dma_wait3A_346] : memref<3x256x128xf32, #tpu.memory_space<vmem>> -> memref<1x256x128xf32, #tpu.memory_space<vmem>>
    %dma_wait3A_348 = tpu.memref_squeeze %dma_wait3A_347 : memref<1x256x128xf32, #tpu.memory_space<vmem>> -> memref<256x128xf32, #tpu.memory_space<vmem>>
    %dma_wait3A_349 = arith.constant 0 : i32
    %dma_wait3A_350 = tpu.memref_slice %arg9[%add3A_130, %dma_wait3A_349] : memref<16384x128xf32, #tpu.memory_space<hbm>> -> memref<256x128xf32, #tpu.memory_space<hbm>>
    %dma_wait3A_351 = tpu.memref_slice %arg21[%dma_wait3A_344] : memref<3x!tpu.dma_semaphore, #tpu.memory_space<semaphore_mem>> -> memref<1x!tpu.dma_semaphore, #tpu.memory_space<semaphore_mem>>
    %dma_wait3A_352 = tpu.memref_squeeze %dma_wait3A_351 : memref<1x!tpu.dma_semaphore, #tpu.memory_space<semaphore_mem>> -> memref<!tpu.dma_semaphore, #tpu.memory_space<semaphore_mem>>
    %dma_wait3A_353 = arith.constant 0 : i32
    %dma_wait3A_354 = tpu.memref_slice %arg9[%add3A_130, %dma_wait3A_353] : memref<16384x128xf32, #tpu.memory_space<hbm>> -> memref<256x128xf32, #tpu.memory_space<hbm>>
    %dma_wait3A_355 = arith.constant 0 : i32
    %dma_wait3A_356 = arith.constant 0 : i32
    %dma_wait3A_357 = tpu.memref_slice %arg19[%dma_wait3A_343, %dma_wait3A_355, %dma_wait3A_356] : memref<3x256x128xf32, #tpu.memory_space<vmem>> -> memref<1x256x128xf32, #tpu.memory_space<vmem>>
    %dma_wait3A_358 = tpu.memref_squeeze %dma_wait3A_357 : memref<1x256x128xf32, #tpu.memory_space<vmem>> -> memref<256x128xf32, #tpu.memory_space<vmem>>
    tpu.wait_dma2 semaphore(%dma_wait3A_352 : memref<!tpu.dma_semaphore, #tpu.memory_space<semaphore_mem>>) src(%dma_wait3A_358 : memref<256x128xf32, #tpu.memory_space<vmem>>) dst(%dma_wait3A_354 : memref<256x128xf32, #tpu.memory_space<hbm>>)
    %dma_wait3A_359 = arith.constant 0 : i32
    %dma_wait3A_360 = arith.constant 0 : i32
    %dma_wait3A_361 = arith.constant 0 : i32
    %dma_wait3A_362 = arith.constant 0 : i32
    %dma_wait3A_363 = tpu.memref_slice %arg19[%dma_wait3A_359, %dma_wait3A_361, %dma_wait3A_362] : memref<3x256x128xf32, #tpu.memory_space<vmem>> -> memref<1x256x128xf32, #tpu.memory_space<vmem>>
    %dma_wait3A_364 = tpu.memref_squeeze %dma_wait3A_363 : memref<1x256x128xf32, #tpu.memory_space<vmem>> -> memref<256x128xf32, #tpu.memory_space<vmem>>
    %dma_wait3A_365 = arith.constant 0 : i32
    %dma_wait3A_366 = tpu.memref_slice %arg12[%add3A_130, %dma_wait3A_365] : memref<16384x128xf32, #tpu.memory_space<hbm>> -> memref<256x128xf32, #tpu.memory_space<hbm>>
    %dma_wait3A_367 = tpu.memref_slice %arg21[%dma_wait3A_360] : memref<3x!tpu.dma_semaphore, #tpu.memory_space<semaphore_mem>> -> memref<1x!tpu.dma_semaphore, #tpu.memory_space<semaphore_mem>>
    %dma_wait3A_368 = tpu.memref_squeeze %dma_wait3A_367 : memref<1x!tpu.dma_semaphore, #tpu.memory_space<semaphore_mem>> -> memref<!tpu.dma_semaphore, #tpu.memory_space<semaphore_mem>>
    %dma_wait3A_369 = arith.constant 0 : i32
    %dma_wait3A_370 = tpu.memref_slice %arg12[%add3A_130, %dma_wait3A_369] : memref<16384x128xf32, #tpu.memory_space<hbm>> -> memref<256x128xf32, #tpu.memory_space<hbm>>
    %dma_wait3A_371 = arith.constant 0 : i32
    %dma_wait3A_372 = arith.constant 0 : i32
    %dma_wait3A_373 = tpu.memref_slice %arg19[%dma_wait3A_359, %dma_wait3A_371, %dma_wait3A_372] : memref<3x256x128xf32, #tpu.memory_space<vmem>> -> memref<1x256x128xf32, #tpu.memory_space<vmem>>
    %dma_wait3A_374 = tpu.memref_squeeze %dma_wait3A_373 : memref<1x256x128xf32, #tpu.memory_space<vmem>> -> memref<256x128xf32, #tpu.memory_space<vmem>>
    tpu.wait_dma2 semaphore(%dma_wait3A_368 : memref<!tpu.dma_semaphore, #tpu.memory_space<semaphore_mem>>) src(%dma_wait3A_374 : memref<256x128xf32, #tpu.memory_space<vmem>>) dst(%dma_wait3A_370 : memref<256x128xf32, #tpu.memory_space<hbm>>)
    %dma_wait3A_375 = arith.constant 0 : i32
    %dma_wait3A_376 = arith.constant 0 : i32
    %dma_wait3A_377 = arith.constant 0 : i32
    %dma_wait3A_378 = arith.constant 0 : i32
    %dma_wait3A_379 = tpu.memref_slice %arg19[%dma_wait3A_375, %dma_wait3A_377, %dma_wait3A_378] : memref<3x256x128xf32, #tpu.memory_space<vmem>> -> memref<1x256x128xf32, #tpu.memory_space<vmem>>
    %dma_wait3A_380 = tpu.memref_squeeze %dma_wait3A_379 : memref<1x256x128xf32, #tpu.memory_space<vmem>> -> memref<256x128xf32, #tpu.memory_space<vmem>>
    %dma_wait3A_381 = arith.constant 0 : i32
    %dma_wait3A_382 = tpu.memref_slice %arg15[%add3A_130, %dma_wait3A_381] : memref<16384x128xf32, #tpu.memory_space<hbm>> -> memref<256x128xf32, #tpu.memory_space<hbm>>
    %dma_wait3A_383 = tpu.memref_slice %arg21[%dma_wait3A_376] : memref<3x!tpu.dma_semaphore, #tpu.memory_space<semaphore_mem>> -> memref<1x!tpu.dma_semaphore, #tpu.memory_space<semaphore_mem>>
    %dma_wait3A_384 = tpu.memref_squeeze %dma_wait3A_383 : memref<1x!tpu.dma_semaphore, #tpu.memory_space<semaphore_mem>> -> memref<!tpu.dma_semaphore, #tpu.memory_space<semaphore_mem>>
    %dma_wait3A_385 = arith.constant 0 : i32
    %dma_wait3A_386 = tpu.memref_slice %arg15[%add3A_130, %dma_wait3A_385] : memref<16384x128xf32, #tpu.memory_space<hbm>> -> memref<256x128xf32, #tpu.memory_space<hbm>>
    %dma_wait3A_387 = arith.constant 0 : i32
    %dma_wait3A_388 = arith.constant 0 : i32
    %dma_wait3A_389 = tpu.memref_slice %arg19[%dma_wait3A_375, %dma_wait3A_387, %dma_wait3A_388] : memref<3x256x128xf32, #tpu.memory_space<vmem>> -> memref<1x256x128xf32, #tpu.memory_space<vmem>>
    %dma_wait3A_390 = tpu.memref_squeeze %dma_wait3A_389 : memref<1x256x128xf32, #tpu.memory_space<vmem>> -> memref<256x128xf32, #tpu.memory_space<vmem>>
    tpu.wait_dma2 semaphore(%dma_wait3A_384 : memref<!tpu.dma_semaphore, #tpu.memory_space<semaphore_mem>>) src(%dma_wait3A_390 : memref<256x128xf32, #tpu.memory_space<vmem>>) dst(%dma_wait3A_386 : memref<256x128xf32, #tpu.memory_space<hbm>>)
    %dma_start3A_391 = arith.constant 0 : i32
    %dma_start3A_392 = arith.constant 0 : i32
    %dma_start3A_393 = arith.constant 0 : i32
    %dma_start3A_394 = arith.constant 0 : i32
    %dma_start3A_395 = tpu.memref_slice %arg19[%dma_start3A_391, %dma_start3A_393, %dma_start3A_394] : memref<3x256x128xf32, #tpu.memory_space<vmem>> -> memref<1x256x128xf32, #tpu.memory_space<vmem>>
    %dma_start3A_396 = tpu.memref_squeeze %dma_start3A_395 : memref<1x256x128xf32, #tpu.memory_space<vmem>> -> memref<256x128xf32, #tpu.memory_space<vmem>>
    %dma_start3A_397 = arith.constant 0 : i32
    %dma_start3A_398 = arith.constant 0 : i32
    %dma_start3A_399 = tpu.memref_slice %dma_start3A_396[%dma_start3A_397, %dma_start3A_398] : memref<256x128xf32, #tpu.memory_space<vmem>> -> memref<128x128xf32, #tpu.memory_space<vmem>>
    %dma_start3A_400 = arith.constant 256 : i32
    %dma_start3A_401 = tpu.memref_slice %arg18[%dma_start3A_400] : memref<512xi32, #tpu.memory_space<vmem>> -> memref<128xi32, #tpu.memory_space<vmem>>
    %dma_start3A_402 = arith.constant 0 : i32
    %dma_start3A_403 = arith.constant 0 : i32
    %dma_start3A_404 = tpu.memref_slice %arg3[%dma_start3A_402, %dma_start3A_403] : memref<100000x128xf32, #tpu.memory_space<hbm>> -> memref<100000x128xf32, #tpu.memory_space<hbm>>
    %dma_start3A_405 = tpu.memref_slice %arg20[%dma_start3A_392] : memref<3x!tpu.dma_semaphore, #tpu.memory_space<semaphore_mem>> -> memref<1x!tpu.dma_semaphore, #tpu.memory_space<semaphore_mem>>
    %dma_start3A_406 = tpu.memref_squeeze %dma_start3A_405 : memref<1x!tpu.dma_semaphore, #tpu.memory_space<semaphore_mem>> -> memref<!tpu.dma_semaphore, #tpu.memory_space<semaphore_mem>>
    tpu.enqueue_indirect_dma source(%dma_start3A_404 : memref<100000x128xf32, #tpu.memory_space<hbm>>) target(%dma_start3A_399 : memref<128x128xf32, #tpu.memory_space<vmem>>) offsets(%dma_start3A_401 : memref<128xi32, #tpu.memory_space<vmem>>) semaphore(%dma_start3A_406 : memref<!tpu.dma_semaphore, #tpu.memory_space<semaphore_mem>>)
    %dma_start3A_407 = arith.constant 0 : i32
    %dma_start3A_408 = arith.constant 0 : i32
    %dma_start3A_409 = arith.constant 0 : i32
    %dma_start3A_410 = arith.constant 0 : i32
    %dma_start3A_411 = tpu.memref_slice %arg19[%dma_start3A_407, %dma_start3A_409, %dma_start3A_410] : memref<3x256x128xf32, #tpu.memory_space<vmem>> -> memref<1x256x128xf32, #tpu.memory_space<vmem>>
    %dma_start3A_412 = tpu.memref_squeeze %dma_start3A_411 : memref<1x256x128xf32, #tpu.memory_space<vmem>> -> memref<256x128xf32, #tpu.memory_space<vmem>>
    %dma_start3A_413 = arith.constant 128 : i32
    %dma_start3A_414 = arith.constant 0 : i32
    %dma_start3A_415 = tpu.memref_slice %dma_start3A_412[%dma_start3A_413, %dma_start3A_414] : memref<256x128xf32, #tpu.memory_space<vmem>> -> memref<128x128xf32, #tpu.memory_space<vmem>>
    %dma_start3A_416 = arith.constant 384 : i32
    %dma_start3A_417 = tpu.memref_slice %arg18[%dma_start3A_416] : memref<512xi32, #tpu.memory_space<vmem>> -> memref<128xi32, #tpu.memory_space<vmem>>
    %dma_start3A_418 = arith.constant 0 : i32
    %dma_start3A_419 = arith.constant 0 : i32
    %dma_start3A_420 = tpu.memref_slice %arg3[%dma_start3A_418, %dma_start3A_419] : memref<100000x128xf32, #tpu.memory_space<hbm>> -> memref<100000x128xf32, #tpu.memory_space<hbm>>
    %dma_start3A_421 = tpu.memref_slice %arg20[%dma_start3A_408] : memref<3x!tpu.dma_semaphore, #tpu.memory_space<semaphore_mem>> -> memref<1x!tpu.dma_semaphore, #tpu.memory_space<semaphore_mem>>
    %dma_start3A_422 = tpu.memref_squeeze %dma_start3A_421 : memref<1x!tpu.dma_semaphore, #tpu.memory_space<semaphore_mem>> -> memref<!tpu.dma_semaphore, #tpu.memory_space<semaphore_mem>>
    tpu.enqueue_indirect_dma source(%dma_start3A_420 : memref<100000x128xf32, #tpu.memory_space<hbm>>) target(%dma_start3A_415 : memref<128x128xf32, #tpu.memory_space<vmem>>) offsets(%dma_start3A_417 : memref<128xi32, #tpu.memory_space<vmem>>) semaphore(%dma_start3A_422 : memref<!tpu.dma_semaphore, #tpu.memory_space<semaphore_mem>>)
    %dma_wait3A_423 = arith.constant 2 : i32
    %dma_wait3A_424 = arith.constant 2 : i32
    %dma_wait3A_425 = arith.constant 0 : i32
    %dma_wait3A_426 = arith.constant 0 : i32
    %dma_wait3A_427 = tpu.memref_slice %arg19[%dma_wait3A_423, %dma_wait3A_425, %dma_wait3A_426] : memref<3x256x128xf32, #tpu.memory_space<vmem>> -> memref<1x256x128xf32, #tpu.memory_space<vmem>>
    %dma_wait3A_428 = tpu.memref_squeeze %dma_wait3A_427 : memref<1x256x128xf32, #tpu.memory_space<vmem>> -> memref<256x128xf32, #tpu.memory_space<vmem>>
    %dma_wait3A_429 = arith.constant 0 : i32
    %dma_wait3A_430 = arith.constant 0 : i32
    %dma_wait3A_431 = tpu.memref_slice %dma_wait3A_428[%dma_wait3A_429, %dma_wait3A_430] : memref<256x128xf32, #tpu.memory_space<vmem>> -> memref<128x128xf32, #tpu.memory_space<vmem>>
    %dma_wait3A_432 = arith.constant 0 : i32
    %dma_wait3A_433 = tpu.memref_slice %arg18[%dma_wait3A_432] : memref<512xi32, #tpu.memory_space<vmem>> -> memref<128xi32, #tpu.memory_space<vmem>>
    %dma_wait3A_434 = arith.constant 0 : i32
    %dma_wait3A_435 = arith.constant 0 : i32
    %dma_wait3A_436 = tpu.memref_slice %arg5[%dma_wait3A_434, %dma_wait3A_435] : memref<100000x128xf32, #tpu.memory_space<hbm>> -> memref<100000x128xf32, #tpu.memory_space<hbm>>
    %dma_wait3A_437 = tpu.memref_slice %arg20[%dma_wait3A_424] : memref<3x!tpu.dma_semaphore, #tpu.memory_space<semaphore_mem>> -> memref<1x!tpu.dma_semaphore, #tpu.memory_space<semaphore_mem>>
    %dma_wait3A_438 = tpu.memref_squeeze %dma_wait3A_437 : memref<1x!tpu.dma_semaphore, #tpu.memory_space<semaphore_mem>> -> memref<!tpu.dma_semaphore, #tpu.memory_space<semaphore_mem>>
    tpu.wait_indirect_dma semaphore(%dma_wait3A_438 : memref<!tpu.dma_semaphore, #tpu.memory_space<semaphore_mem>>) src(%dma_wait3A_436 : memref<100000x128xf32, #tpu.memory_space<hbm>>) dst(%dma_wait3A_431 : memref<128x128xf32, #tpu.memory_space<vmem>>)
    %dma_wait3A_439 = arith.constant 2 : i32
    %dma_wait3A_440 = arith.constant 2 : i32
    %dma_wait3A_441 = arith.constant 0 : i32
    %dma_wait3A_442 = arith.constant 0 : i32
    %dma_wait3A_443 = tpu.memref_slice %arg19[%dma_wait3A_439, %dma_wait3A_441, %dma_wait3A_442] : memref<3x256x128xf32, #tpu.memory_space<vmem>> -> memref<1x256x128xf32, #tpu.memory_space<vmem>>
    %dma_wait3A_444 = tpu.memref_squeeze %dma_wait3A_443 : memref<1x256x128xf32, #tpu.memory_space<vmem>> -> memref<256x128xf32, #tpu.memory_space<vmem>>
    %dma_wait3A_445 = arith.constant 128 : i32
    %dma_wait3A_446 = arith.constant 0 : i32
    %dma_wait3A_447 = tpu.memref_slice %dma_wait3A_444[%dma_wait3A_445, %dma_wait3A_446] : memref<256x128xf32, #tpu.memory_space<vmem>> -> memref<128x128xf32, #tpu.memory_space<vmem>>
    %dma_wait3A_448 = arith.constant 128 : i32
    %dma_wait3A_449 = tpu.memref_slice %arg18[%dma_wait3A_448] : memref<512xi32, #tpu.memory_space<vmem>> -> memref<128xi32, #tpu.memory_space<vmem>>
    %dma_wait3A_450 = arith.constant 0 : i32
    %dma_wait3A_451 = arith.constant 0 : i32
    %dma_wait3A_452 = tpu.memref_slice %arg5[%dma_wait3A_450, %dma_wait3A_451] : memref<100000x128xf32, #tpu.memory_space<hbm>> -> memref<100000x128xf32, #tpu.memory_space<hbm>>
    %dma_wait3A_453 = tpu.memref_slice %arg20[%dma_wait3A_440] : memref<3x!tpu.dma_semaphore, #tpu.memory_space<semaphore_mem>> -> memref<1x!tpu.dma_semaphore, #tpu.memory_space<semaphore_mem>>
    %dma_wait3A_454 = tpu.memref_squeeze %dma_wait3A_453 : memref<1x!tpu.dma_semaphore, #tpu.memory_space<semaphore_mem>> -> memref<!tpu.dma_semaphore, #tpu.memory_space<semaphore_mem>>
    tpu.wait_indirect_dma semaphore(%dma_wait3A_454 : memref<!tpu.dma_semaphore, #tpu.memory_space<semaphore_mem>>) src(%dma_wait3A_452 : memref<100000x128xf32, #tpu.memory_space<hbm>>) dst(%dma_wait3A_447 : memref<128x128xf32, #tpu.memory_space<vmem>>)
    %mul3A_455 = arith.constant 512 : i32
    %mul3A_456 = arith.muli %add3A, %mul3A_455 : i32
    %add3A_457 = arith.constant 0 : i32
    %add3A_458 = arith.addi %mul3A_456, %add3A_457 : i32
    %dma_start3A_459 = arith.constant 2 : i32
    %dma_start3A_460 = arith.constant 2 : i32
    %dma_start3A_461 = arith.constant 0 : i32
    %dma_start3A_462 = arith.constant 0 : i32
    %dma_start3A_463 = tpu.memref_slice %arg19[%dma_start3A_459, %dma_start3A_461, %dma_start3A_462] : memref<3x256x128xf32, #tpu.memory_space<vmem>> -> memref<1x256x128xf32, #tpu.memory_space<vmem>>
    %dma_start3A_464 = tpu.memref_squeeze %dma_start3A_463 : memref<1x256x128xf32, #tpu.memory_space<vmem>> -> memref<256x128xf32, #tpu.memory_space<vmem>>
    %dma_start3A_465 = arith.constant 0 : i32
    %dma_start3A_466 = tpu.memref_slice %arg8[%add3A_458, %dma_start3A_465] : memref<16384x128xf32, #tpu.memory_space<hbm>> -> memref<256x128xf32, #tpu.memory_space<hbm>>
    %dma_start3A_467 = tpu.memref_slice %arg21[%dma_start3A_460] : memref<3x!tpu.dma_semaphore, #tpu.memory_space<semaphore_mem>> -> memref<1x!tpu.dma_semaphore, #tpu.memory_space<semaphore_mem>>
    %dma_start3A_468 = tpu.memref_squeeze %dma_start3A_467 : memref<1x!tpu.dma_semaphore, #tpu.memory_space<semaphore_mem>> -> memref<!tpu.dma_semaphore, #tpu.memory_space<semaphore_mem>>
    %dma_start3A_469 = arith.constant 0 : i32
    %dma_start3A_470 = tpu.memref_slice %arg8[%add3A_458, %dma_start3A_469] : memref<16384x128xf32, #tpu.memory_space<hbm>> -> memref<256x128xf32, #tpu.memory_space<hbm>>
    %dma_start3A_471 = arith.constant 0 : i32
    %dma_start3A_472 = arith.constant 0 : i32
    %dma_start3A_473 = tpu.memref_slice %arg19[%dma_start3A_459, %dma_start3A_471, %dma_start3A_472] : memref<3x256x128xf32, #tpu.memory_space<vmem>> -> memref<1x256x128xf32, #tpu.memory_space<vmem>>
    %dma_start3A_474 = tpu.memref_squeeze %dma_start3A_473 : memref<1x256x128xf32, #tpu.memory_space<vmem>> -> memref<256x128xf32, #tpu.memory_space<vmem>>
    tpu.enqueue_dma source(%dma_start3A_474 : memref<256x128xf32, #tpu.memory_space<vmem>>) target(%dma_start3A_470 : memref<256x128xf32, #tpu.memory_space<hbm>>) target_semaphore(%dma_start3A_468 : memref<!tpu.dma_semaphore, #tpu.memory_space<semaphore_mem>>)
    %dma_start3A_475 = arith.constant 2 : i32
    %dma_start3A_476 = arith.constant 2 : i32
    %dma_start3A_477 = arith.constant 0 : i32
    %dma_start3A_478 = arith.constant 0 : i32
    %dma_start3A_479 = tpu.memref_slice %arg19[%dma_start3A_475, %dma_start3A_477, %dma_start3A_478] : memref<3x256x128xf32, #tpu.memory_space<vmem>> -> memref<1x256x128xf32, #tpu.memory_space<vmem>>
    %dma_start3A_480 = tpu.memref_squeeze %dma_start3A_479 : memref<1x256x128xf32, #tpu.memory_space<vmem>> -> memref<256x128xf32, #tpu.memory_space<vmem>>
    %dma_start3A_481 = arith.constant 0 : i32
    %dma_start3A_482 = tpu.memref_slice %arg11[%add3A_458, %dma_start3A_481] : memref<16384x128xf32, #tpu.memory_space<hbm>> -> memref<256x128xf32, #tpu.memory_space<hbm>>
    %dma_start3A_483 = tpu.memref_slice %arg21[%dma_start3A_476] : memref<3x!tpu.dma_semaphore, #tpu.memory_space<semaphore_mem>> -> memref<1x!tpu.dma_semaphore, #tpu.memory_space<semaphore_mem>>
    %dma_start3A_484 = tpu.memref_squeeze %dma_start3A_483 : memref<1x!tpu.dma_semaphore, #tpu.memory_space<semaphore_mem>> -> memref<!tpu.dma_semaphore, #tpu.memory_space<semaphore_mem>>
    %dma_start3A_485 = arith.constant 0 : i32
    %dma_start3A_486 = tpu.memref_slice %arg11[%add3A_458, %dma_start3A_485] : memref<16384x128xf32, #tpu.memory_space<hbm>> -> memref<256x128xf32, #tpu.memory_space<hbm>>
    %dma_start3A_487 = arith.constant 0 : i32
    %dma_start3A_488 = arith.constant 0 : i32
    %dma_start3A_489 = tpu.memref_slice %arg19[%dma_start3A_475, %dma_start3A_487, %dma_start3A_488] : memref<3x256x128xf32, #tpu.memory_space<vmem>> -> memref<1x256x128xf32, #tpu.memory_space<vmem>>
    %dma_start3A_490 = tpu.memref_squeeze %dma_start3A_489 : memref<1x256x128xf32, #tpu.memory_space<vmem>> -> memref<256x128xf32, #tpu.memory_space<vmem>>
    tpu.enqueue_dma source(%dma_start3A_490 : memref<256x128xf32, #tpu.memory_space<vmem>>) target(%dma_start3A_486 : memref<256x128xf32, #tpu.memory_space<hbm>>) target_semaphore(%dma_start3A_484 : memref<!tpu.dma_semaphore, #tpu.memory_space<semaphore_mem>>)
    %dma_start3A_491 = arith.constant 2 : i32
    %dma_start3A_492 = arith.constant 2 : i32
    %dma_start3A_493 = arith.constant 0 : i32
    %dma_start3A_494 = arith.constant 0 : i32
    %dma_start3A_495 = tpu.memref_slice %arg19[%dma_start3A_491, %dma_start3A_493, %dma_start3A_494] : memref<3x256x128xf32, #tpu.memory_space<vmem>> -> memref<1x256x128xf32, #tpu.memory_space<vmem>>
    %dma_start3A_496 = tpu.memref_squeeze %dma_start3A_495 : memref<1x256x128xf32, #tpu.memory_space<vmem>> -> memref<256x128xf32, #tpu.memory_space<vmem>>
    %dma_start3A_497 = arith.constant 0 : i32
    %dma_start3A_498 = tpu.memref_slice %arg14[%add3A_458, %dma_start3A_497] : memref<16384x128xf32, #tpu.memory_space<hbm>> -> memref<256x128xf32, #tpu.memory_space<hbm>>
    %dma_start3A_499 = tpu.memref_slice %arg21[%dma_start3A_492] : memref<3x!tpu.dma_semaphore, #tpu.memory_space<semaphore_mem>> -> memref<1x!tpu.dma_semaphore, #tpu.memory_space<semaphore_mem>>
    %dma_start3A_500 = tpu.memref_squeeze %dma_start3A_499 : memref<1x!tpu.dma_semaphore, #tpu.memory_space<semaphore_mem>> -> memref<!tpu.dma_semaphore, #tpu.memory_space<semaphore_mem>>
    %dma_start3A_501 = arith.constant 0 : i32
    %dma_start3A_502 = tpu.memref_slice %arg14[%add3A_458, %dma_start3A_501] : memref<16384x128xf32, #tpu.memory_space<hbm>> -> memref<256x128xf32, #tpu.memory_space<hbm>>
    %dma_start3A_503 = arith.constant 0 : i32
    %dma_start3A_504 = arith.constant 0 : i32
    %dma_start3A_505 = tpu.memref_slice %arg19[%dma_start3A_491, %dma_start3A_503, %dma_start3A_504] : memref<3x256x128xf32, #tpu.memory_space<vmem>> -> memref<1x256x128xf32, #tpu.memory_space<vmem>>
    %dma_start3A_506 = tpu.memref_squeeze %dma_start3A_505 : memref<1x256x128xf32, #tpu.memory_space<vmem>> -> memref<256x128xf32, #tpu.memory_space<vmem>>
    tpu.enqueue_dma source(%dma_start3A_506 : memref<256x128xf32, #tpu.memory_space<vmem>>) target(%dma_start3A_502 : memref<256x128xf32, #tpu.memory_space<hbm>>) target_semaphore(%dma_start3A_500 : memref<!tpu.dma_semaphore, #tpu.memory_space<semaphore_mem>>)
    %dma_start3A_507 = arith.constant 2 : i32
    %dma_start3A_508 = arith.constant 2 : i32
    %dma_start3A_509 = arith.constant 0 : i32
    %dma_start3A_510 = arith.constant 0 : i32
    %dma_start3A_511 = tpu.memref_slice %arg19[%dma_start3A_507, %dma_start3A_509, %dma_start3A_510] : memref<3x256x128xf32, #tpu.memory_space<vmem>> -> memref<1x256x128xf32, #tpu.memory_space<vmem>>
    %dma_start3A_512 = tpu.memref_squeeze %dma_start3A_511 : memref<1x256x128xf32, #tpu.memory_space<vmem>> -> memref<256x128xf32, #tpu.memory_space<vmem>>
    %dma_start3A_513 = arith.constant 0 : i32
    %dma_start3A_514 = tpu.memref_slice %arg17[%add3A_458, %dma_start3A_513] : memref<16384x128xf32, #tpu.memory_space<hbm>> -> memref<256x128xf32, #tpu.memory_space<hbm>>
    %dma_start3A_515 = tpu.memref_slice %arg21[%dma_start3A_508] : memref<3x!tpu.dma_semaphore, #tpu.memory_space<semaphore_mem>> -> memref<1x!tpu.dma_semaphore, #tpu.memory_space<semaphore_mem>>
    %dma_start3A_516 = tpu.memref_squeeze %dma_start3A_515 : memref<1x!tpu.dma_semaphore, #tpu.memory_space<semaphore_mem>> -> memref<!tpu.dma_semaphore, #tpu.memory_space<semaphore_mem>>
    %dma_start3A_517 = arith.constant 0 : i32
    %dma_start3A_518 = tpu.memref_slice %arg17[%add3A_458, %dma_start3A_517] : memref<16384x128xf32, #tpu.memory_space<hbm>> -> memref<256x128xf32, #tpu.memory_space<hbm>>
    %dma_start3A_519 = arith.constant 0 : i32
    %dma_start3A_520 = arith.constant 0 : i32
    %dma_start3A_521 = tpu.memref_slice %arg19[%dma_start3A_507, %dma_start3A_519, %dma_start3A_520] : memref<3x256x128xf32, #tpu.memory_space<vmem>> -> memref<1x256x128xf32, #tpu.memory_space<vmem>>
    %dma_start3A_522 = tpu.memref_squeeze %dma_start3A_521 : memref<1x256x128xf32, #tpu.memory_space<vmem>> -> memref<256x128xf32, #tpu.memory_space<vmem>>
    tpu.enqueue_dma source(%dma_start3A_522 : memref<256x128xf32, #tpu.memory_space<vmem>>) target(%dma_start3A_518 : memref<256x128xf32, #tpu.memory_space<hbm>>) target_semaphore(%dma_start3A_516 : memref<!tpu.dma_semaphore, #tpu.memory_space<semaphore_mem>>)
    %dma_wait3A_523 = arith.constant 1 : i32
    %dma_wait3A_524 = arith.constant 1 : i32
    %dma_wait3A_525 = arith.constant 0 : i32
    %dma_wait3A_526 = arith.constant 0 : i32
    %dma_wait3A_527 = tpu.memref_slice %arg19[%dma_wait3A_523, %dma_wait3A_525, %dma_wait3A_526] : memref<3x256x128xf32, #tpu.memory_space<vmem>> -> memref<1x256x128xf32, #tpu.memory_space<vmem>>
    %dma_wait3A_528 = tpu.memref_squeeze %dma_wait3A_527 : memref<1x256x128xf32, #tpu.memory_space<vmem>> -> memref<256x128xf32, #tpu.memory_space<vmem>>
    %dma_wait3A_529 = arith.constant 0 : i32
    %dma_wait3A_530 = tpu.memref_slice %arg7[%add3A_262, %dma_wait3A_529] : memref<16384x128xf32, #tpu.memory_space<hbm>> -> memref<256x128xf32, #tpu.memory_space<hbm>>
    %dma_wait3A_531 = tpu.memref_slice %arg21[%dma_wait3A_524] : memref<3x!tpu.dma_semaphore, #tpu.memory_space<semaphore_mem>> -> memref<1x!tpu.dma_semaphore, #tpu.memory_space<semaphore_mem>>
    %dma_wait3A_532 = tpu.memref_squeeze %dma_wait3A_531 : memref<1x!tpu.dma_semaphore, #tpu.memory_space<semaphore_mem>> -> memref<!tpu.dma_semaphore, #tpu.memory_space<semaphore_mem>>
    %dma_wait3A_533 = arith.constant 0 : i32
    %dma_wait3A_534 = tpu.memref_slice %arg7[%add3A_262, %dma_wait3A_533] : memref<16384x128xf32, #tpu.memory_space<hbm>> -> memref<256x128xf32, #tpu.memory_space<hbm>>
    %dma_wait3A_535 = arith.constant 0 : i32
    %dma_wait3A_536 = arith.constant 0 : i32
    %dma_wait3A_537 = tpu.memref_slice %arg19[%dma_wait3A_523, %dma_wait3A_535, %dma_wait3A_536] : memref<3x256x128xf32, #tpu.memory_space<vmem>> -> memref<1x256x128xf32, #tpu.memory_space<vmem>>
    %dma_wait3A_538 = tpu.memref_squeeze %dma_wait3A_537 : memref<1x256x128xf32, #tpu.memory_space<vmem>> -> memref<256x128xf32, #tpu.memory_space<vmem>>
    tpu.wait_dma2 semaphore(%dma_wait3A_532 : memref<!tpu.dma_semaphore, #tpu.memory_space<semaphore_mem>>) src(%dma_wait3A_538 : memref<256x128xf32, #tpu.memory_space<vmem>>) dst(%dma_wait3A_534 : memref<256x128xf32, #tpu.memory_space<hbm>>)
    %dma_wait3A_539 = arith.constant 1 : i32
    %dma_wait3A_540 = arith.constant 1 : i32
    %dma_wait3A_541 = arith.constant 0 : i32
    %dma_wait3A_542 = arith.constant 0 : i32
    %dma_wait3A_543 = tpu.memref_slice %arg19[%dma_wait3A_539, %dma_wait3A_541, %dma_wait3A_542] : memref<3x256x128xf32, #tpu.memory_space<vmem>> -> memref<1x256x128xf32, #tpu.memory_space<vmem>>
    %dma_wait3A_544 = tpu.memref_squeeze %dma_wait3A_543 : memref<1x256x128xf32, #tpu.memory_space<vmem>> -> memref<256x128xf32, #tpu.memory_space<vmem>>
    %dma_wait3A_545 = arith.constant 0 : i32
    %dma_wait3A_546 = tpu.memref_slice %arg10[%add3A_262, %dma_wait3A_545] : memref<16384x128xf32, #tpu.memory_space<hbm>> -> memref<256x128xf32, #tpu.memory_space<hbm>>
    %dma_wait3A_547 = tpu.memref_slice %arg21[%dma_wait3A_540] : memref<3x!tpu.dma_semaphore, #tpu.memory_space<semaphore_mem>> -> memref<1x!tpu.dma_semaphore, #tpu.memory_space<semaphore_mem>>
    %dma_wait3A_548 = tpu.memref_squeeze %dma_wait3A_547 : memref<1x!tpu.dma_semaphore, #tpu.memory_space<semaphore_mem>> -> memref<!tpu.dma_semaphore, #tpu.memory_space<semaphore_mem>>
    %dma_wait3A_549 = arith.constant 0 : i32
    %dma_wait3A_550 = tpu.memref_slice %arg10[%add3A_262, %dma_wait3A_549] : memref<16384x128xf32, #tpu.memory_space<hbm>> -> memref<256x128xf32, #tpu.memory_space<hbm>>
    %dma_wait3A_551 = arith.constant 0 : i32
    %dma_wait3A_552 = arith.constant 0 : i32
    %dma_wait3A_553 = tpu.memref_slice %arg19[%dma_wait3A_539, %dma_wait3A_551, %dma_wait3A_552] : memref<3x256x128xf32, #tpu.memory_space<vmem>> -> memref<1x256x128xf32, #tpu.memory_space<vmem>>
    %dma_wait3A_554 = tpu.memref_squeeze %dma_wait3A_553 : memref<1x256x128xf32, #tpu.memory_space<vmem>> -> memref<256x128xf32, #tpu.memory_space<vmem>>
    tpu.wait_dma2 semaphore(%dma_wait3A_548 : memref<!tpu.dma_semaphore, #tpu.memory_space<semaphore_mem>>) src(%dma_wait3A_554 : memref<256x128xf32, #tpu.memory_space<vmem>>) dst(%dma_wait3A_550 : memref<256x128xf32, #tpu.memory_space<hbm>>)
    %dma_wait3A_555 = arith.constant 1 : i32
    %dma_wait3A_556 = arith.constant 1 : i32
    %dma_wait3A_557 = arith.constant 0 : i32
    %dma_wait3A_558 = arith.constant 0 : i32
    %dma_wait3A_559 = tpu.memref_slice %arg19[%dma_wait3A_555, %dma_wait3A_557, %dma_wait3A_558] : memref<3x256x128xf32, #tpu.memory_space<vmem>> -> memref<1x256x128xf32, #tpu.memory_space<vmem>>
    %dma_wait3A_560 = tpu.memref_squeeze %dma_wait3A_559 : memref<1x256x128xf32, #tpu.memory_space<vmem>> -> memref<256x128xf32, #tpu.memory_space<vmem>>
    %dma_wait3A_561 = arith.constant 0 : i32
    %dma_wait3A_562 = tpu.memref_slice %arg13[%add3A_262, %dma_wait3A_561] : memref<16384x128xf32, #tpu.memory_space<hbm>> -> memref<256x128xf32, #tpu.memory_space<hbm>>
    %dma_wait3A_563 = tpu.memref_slice %arg21[%dma_wait3A_556] : memref<3x!tpu.dma_semaphore, #tpu.memory_space<semaphore_mem>> -> memref<1x!tpu.dma_semaphore, #tpu.memory_space<semaphore_mem>>
    %dma_wait3A_564 = tpu.memref_squeeze %dma_wait3A_563 : memref<1x!tpu.dma_semaphore, #tpu.memory_space<semaphore_mem>> -> memref<!tpu.dma_semaphore, #tpu.memory_space<semaphore_mem>>
    %dma_wait3A_565 = arith.constant 0 : i32
    %dma_wait3A_566 = tpu.memref_slice %arg13[%add3A_262, %dma_wait3A_565] : memref<16384x128xf32, #tpu.memory_space<hbm>> -> memref<256x128xf32, #tpu.memory_space<hbm>>
    %dma_wait3A_567 = arith.constant 0 : i32
    %dma_wait3A_568 = arith.constant 0 : i32
    %dma_wait3A_569 = tpu.memref_slice %arg19[%dma_wait3A_555, %dma_wait3A_567, %dma_wait3A_568] : memref<3x256x128xf32, #tpu.memory_space<vmem>> -> memref<1x256x128xf32, #tpu.memory_space<vmem>>
    %dma_wait3A_570 = tpu.memref_squeeze %dma_wait3A_569 : memref<1x256x128xf32, #tpu.memory_space<vmem>> -> memref<256x128xf32, #tpu.memory_space<vmem>>
    tpu.wait_dma2 semaphore(%dma_wait3A_564 : memref<!tpu.dma_semaphore, #tpu.memory_space<semaphore_mem>>) src(%dma_wait3A_570 : memref<256x128xf32, #tpu.memory_space<vmem>>) dst(%dma_wait3A_566 : memref<256x128xf32, #tpu.memory_space<hbm>>)
    %dma_wait3A_571 = arith.constant 1 : i32
    %dma_wait3A_572 = arith.constant 1 : i32
    %dma_wait3A_573 = arith.constant 0 : i32
    %dma_wait3A_574 = arith.constant 0 : i32
    %dma_wait3A_575 = tpu.memref_slice %arg19[%dma_wait3A_571, %dma_wait3A_573, %dma_wait3A_574] : memref<3x256x128xf32, #tpu.memory_space<vmem>> -> memref<1x256x128xf32, #tpu.memory_space<vmem>>
    %dma_wait3A_576 = tpu.memref_squeeze %dma_wait3A_575 : memref<1x256x128xf32, #tpu.memory_space<vmem>> -> memref<256x128xf32, #tpu.memory_space<vmem>>
    %dma_wait3A_577 = arith.constant 0 : i32
    %dma_wait3A_578 = tpu.memref_slice %arg16[%add3A_262, %dma_wait3A_577] : memref<16384x128xf32, #tpu.memory_space<hbm>> -> memref<256x128xf32, #tpu.memory_space<hbm>>
    %dma_wait3A_579 = tpu.memref_slice %arg21[%dma_wait3A_572] : memref<3x!tpu.dma_semaphore, #tpu.memory_space<semaphore_mem>> -> memref<1x!tpu.dma_semaphore, #tpu.memory_space<semaphore_mem>>
    %dma_wait3A_580 = tpu.memref_squeeze %dma_wait3A_579 : memref<1x!tpu.dma_semaphore, #tpu.memory_space<semaphore_mem>> -> memref<!tpu.dma_semaphore, #tpu.memory_space<semaphore_mem>>
    %dma_wait3A_581 = arith.constant 0 : i32
    %dma_wait3A_582 = tpu.memref_slice %arg16[%add3A_262, %dma_wait3A_581] : memref<16384x128xf32, #tpu.memory_space<hbm>> -> memref<256x128xf32, #tpu.memory_space<hbm>>
    %dma_wait3A_583 = arith.constant 0 : i32
    %dma_wait3A_584 = arith.constant 0 : i32
    %dma_wait3A_585 = tpu.memref_slice %arg19[%dma_wait3A_571, %dma_wait3A_583, %dma_wait3A_584] : memref<3x256x128xf32, #tpu.memory_space<vmem>> -> memref<1x256x128xf32, #tpu.memory_space<vmem>>
    %dma_wait3A_586 = tpu.memref_squeeze %dma_wait3A_585 : memref<1x256x128xf32, #tpu.memory_space<vmem>> -> memref<256x128xf32, #tpu.memory_space<vmem>>
    tpu.wait_dma2 semaphore(%dma_wait3A_580 : memref<!tpu.dma_semaphore, #tpu.memory_space<semaphore_mem>>) src(%dma_wait3A_586 : memref<256x128xf32, #tpu.memory_space<vmem>>) dst(%dma_wait3A_582 : memref<256x128xf32, #tpu.memory_space<hbm>>)
    %dma_start3A_587 = arith.constant 1 : i32
    %dma_start3A_588 = arith.constant 1 : i32
    %dma_start3A_589 = arith.constant 0 : i32
    %dma_start3A_590 = arith.constant 0 : i32
    %dma_start3A_591 = tpu.memref_slice %arg19[%dma_start3A_587, %dma_start3A_589, %dma_start3A_590] : memref<3x256x128xf32, #tpu.memory_space<vmem>> -> memref<1x256x128xf32, #tpu.memory_space<vmem>>
    %dma_start3A_592 = tpu.memref_squeeze %dma_start3A_591 : memref<1x256x128xf32, #tpu.memory_space<vmem>> -> memref<256x128xf32, #tpu.memory_space<vmem>>
    %dma_start3A_593 = arith.constant 0 : i32
    %dma_start3A_594 = arith.constant 0 : i32
    %dma_start3A_595 = tpu.memref_slice %dma_start3A_592[%dma_start3A_593, %dma_start3A_594] : memref<256x128xf32, #tpu.memory_space<vmem>> -> memref<128x128xf32, #tpu.memory_space<vmem>>
    %dma_start3A_596 = arith.constant 256 : i32
    %dma_start3A_597 = tpu.memref_slice %arg18[%dma_start3A_596] : memref<512xi32, #tpu.memory_space<vmem>> -> memref<128xi32, #tpu.memory_space<vmem>>
    %dma_start3A_598 = arith.constant 0 : i32
    %dma_start3A_599 = arith.constant 0 : i32
    %dma_start3A_600 = tpu.memref_slice %arg4[%dma_start3A_598, %dma_start3A_599] : memref<100000x128xf32, #tpu.memory_space<hbm>> -> memref<100000x128xf32, #tpu.memory_space<hbm>>
    %dma_start3A_601 = tpu.memref_slice %arg20[%dma_start3A_588] : memref<3x!tpu.dma_semaphore, #tpu.memory_space<semaphore_mem>> -> memref<1x!tpu.dma_semaphore, #tpu.memory_space<semaphore_mem>>
    %dma_start3A_602 = tpu.memref_squeeze %dma_start3A_601 : memref<1x!tpu.dma_semaphore, #tpu.memory_space<semaphore_mem>> -> memref<!tpu.dma_semaphore, #tpu.memory_space<semaphore_mem>>
    tpu.enqueue_indirect_dma source(%dma_start3A_600 : memref<100000x128xf32, #tpu.memory_space<hbm>>) target(%dma_start3A_595 : memref<128x128xf32, #tpu.memory_space<vmem>>) offsets(%dma_start3A_597 : memref<128xi32, #tpu.memory_space<vmem>>) semaphore(%dma_start3A_602 : memref<!tpu.dma_semaphore, #tpu.memory_space<semaphore_mem>>)
    %dma_start3A_603 = arith.constant 1 : i32
    %dma_start3A_604 = arith.constant 1 : i32
    %dma_start3A_605 = arith.constant 0 : i32
    %dma_start3A_606 = arith.constant 0 : i32
    %dma_start3A_607 = tpu.memref_slice %arg19[%dma_start3A_603, %dma_start3A_605, %dma_start3A_606] : memref<3x256x128xf32, #tpu.memory_space<vmem>> -> memref<1x256x128xf32, #tpu.memory_space<vmem>>
    %dma_start3A_608 = tpu.memref_squeeze %dma_start3A_607 : memref<1x256x128xf32, #tpu.memory_space<vmem>> -> memref<256x128xf32, #tpu.memory_space<vmem>>
    %dma_start3A_609 = arith.constant 128 : i32
    %dma_start3A_610 = arith.constant 0 : i32
    %dma_start3A_611 = tpu.memref_slice %dma_start3A_608[%dma_start3A_609, %dma_start3A_610] : memref<256x128xf32, #tpu.memory_space<vmem>> -> memref<128x128xf32, #tpu.memory_space<vmem>>
    %dma_start3A_612 = arith.constant 384 : i32
    %dma_start3A_613 = tpu.memref_slice %arg18[%dma_start3A_612] : memref<512xi32, #tpu.memory_space<vmem>> -> memref<128xi32, #tpu.memory_space<vmem>>
    %dma_start3A_614 = arith.constant 0 : i32
    %dma_start3A_615 = arith.constant 0 : i32
    %dma_start3A_616 = tpu.memref_slice %arg4[%dma_start3A_614, %dma_start3A_615] : memref<100000x128xf32, #tpu.memory_space<hbm>> -> memref<100000x128xf32, #tpu.memory_space<hbm>>
    %dma_start3A_617 = tpu.memref_slice %arg20[%dma_start3A_604] : memref<3x!tpu.dma_semaphore, #tpu.memory_space<semaphore_mem>> -> memref<1x!tpu.dma_semaphore, #tpu.memory_space<semaphore_mem>>
    %dma_start3A_618 = tpu.memref_squeeze %dma_start3A_617 : memref<1x!tpu.dma_semaphore, #tpu.memory_space<semaphore_mem>> -> memref<!tpu.dma_semaphore, #tpu.memory_space<semaphore_mem>>
    tpu.enqueue_indirect_dma source(%dma_start3A_616 : memref<100000x128xf32, #tpu.memory_space<hbm>>) target(%dma_start3A_611 : memref<128x128xf32, #tpu.memory_space<vmem>>) offsets(%dma_start3A_613 : memref<128xi32, #tpu.memory_space<vmem>>) semaphore(%dma_start3A_618 : memref<!tpu.dma_semaphore, #tpu.memory_space<semaphore_mem>>)
    %dma_wait3A_619 = arith.constant 0 : i32
    %dma_wait3A_620 = arith.constant 0 : i32
    %dma_wait3A_621 = arith.constant 0 : i32
    %dma_wait3A_622 = arith.constant 0 : i32
    %dma_wait3A_623 = tpu.memref_slice %arg19[%dma_wait3A_619, %dma_wait3A_621, %dma_wait3A_622] : memref<3x256x128xf32, #tpu.memory_space<vmem>> -> memref<1x256x128xf32, #tpu.memory_space<vmem>>
    %dma_wait3A_624 = tpu.memref_squeeze %dma_wait3A_623 : memref<1x256x128xf32, #tpu.memory_space<vmem>> -> memref<256x128xf32, #tpu.memory_space<vmem>>
    %dma_wait3A_625 = arith.constant 0 : i32
    %dma_wait3A_626 = arith.constant 0 : i32
    %dma_wait3A_627 = tpu.memref_slice %dma_wait3A_624[%dma_wait3A_625, %dma_wait3A_626] : memref<256x128xf32, #tpu.memory_space<vmem>> -> memref<128x128xf32, #tpu.memory_space<vmem>>
    %dma_wait3A_628 = arith.constant 256 : i32
    %dma_wait3A_629 = tpu.memref_slice %arg18[%dma_wait3A_628] : memref<512xi32, #tpu.memory_space<vmem>> -> memref<128xi32, #tpu.memory_space<vmem>>
    %dma_wait3A_630 = arith.constant 0 : i32
    %dma_wait3A_631 = arith.constant 0 : i32
    %dma_wait3A_632 = tpu.memref_slice %arg3[%dma_wait3A_630, %dma_wait3A_631] : memref<100000x128xf32, #tpu.memory_space<hbm>> -> memref<100000x128xf32, #tpu.memory_space<hbm>>
    %dma_wait3A_633 = tpu.memref_slice %arg20[%dma_wait3A_620] : memref<3x!tpu.dma_semaphore, #tpu.memory_space<semaphore_mem>> -> memref<1x!tpu.dma_semaphore, #tpu.memory_space<semaphore_mem>>
    %dma_wait3A_634 = tpu.memref_squeeze %dma_wait3A_633 : memref<1x!tpu.dma_semaphore, #tpu.memory_space<semaphore_mem>> -> memref<!tpu.dma_semaphore, #tpu.memory_space<semaphore_mem>>
    tpu.wait_indirect_dma semaphore(%dma_wait3A_634 : memref<!tpu.dma_semaphore, #tpu.memory_space<semaphore_mem>>) src(%dma_wait3A_632 : memref<100000x128xf32, #tpu.memory_space<hbm>>) dst(%dma_wait3A_627 : memref<128x128xf32, #tpu.memory_space<vmem>>)
    %dma_wait3A_635 = arith.constant 0 : i32
    %dma_wait3A_636 = arith.constant 0 : i32
    %dma_wait3A_637 = arith.constant 0 : i32
    %dma_wait3A_638 = arith.constant 0 : i32
    %dma_wait3A_639 = tpu.memref_slice %arg19[%dma_wait3A_635, %dma_wait3A_637, %dma_wait3A_638] : memref<3x256x128xf32, #tpu.memory_space<vmem>> -> memref<1x256x128xf32, #tpu.memory_space<vmem>>
    %dma_wait3A_640 = tpu.memref_squeeze %dma_wait3A_639 : memref<1x256x128xf32, #tpu.memory_space<vmem>> -> memref<256x128xf32, #tpu.memory_space<vmem>>
    %dma_wait3A_641 = arith.constant 128 : i32
    %dma_wait3A_642 = arith.constant 0 : i32
    %dma_wait3A_643 = tpu.memref_slice %dma_wait3A_640[%dma_wait3A_641, %dma_wait3A_642] : memref<256x128xf32, #tpu.memory_space<vmem>> -> memref<128x128xf32, #tpu.memory_space<vmem>>
    %dma_wait3A_644 = arith.constant 384 : i32
    %dma_wait3A_645 = tpu.memref_slice %arg18[%dma_wait3A_644] : memref<512xi32, #tpu.memory_space<vmem>> -> memref<128xi32, #tpu.memory_space<vmem>>
    %dma_wait3A_646 = arith.constant 0 : i32
    %dma_wait3A_647 = arith.constant 0 : i32
    %dma_wait3A_648 = tpu.memref_slice %arg3[%dma_wait3A_646, %dma_wait3A_647] : memref<100000x128xf32, #tpu.memory_space<hbm>> -> memref<100000x128xf32, #tpu.memory_space<hbm>>
    %dma_wait3A_649 = tpu.memref_slice %arg20[%dma_wait3A_636] : memref<3x!tpu.dma_semaphore, #tpu.memory_space<semaphore_mem>> -> memref<1x!tpu.dma_semaphore, #tpu.memory_space<semaphore_mem>>
    %dma_wait3A_650 = tpu.memref_squeeze %dma_wait3A_649 : memref<1x!tpu.dma_semaphore, #tpu.memory_space<semaphore_mem>> -> memref<!tpu.dma_semaphore, #tpu.memory_space<semaphore_mem>>
    tpu.wait_indirect_dma semaphore(%dma_wait3A_650 : memref<!tpu.dma_semaphore, #tpu.memory_space<semaphore_mem>>) src(%dma_wait3A_648 : memref<100000x128xf32, #tpu.memory_space<hbm>>) dst(%dma_wait3A_643 : memref<128x128xf32, #tpu.memory_space<vmem>>)
    %mul3A_651 = arith.constant 512 : i32
    %mul3A_652 = arith.muli %add3A, %mul3A_651 : i32
    %add3A_653 = arith.constant 256 : i32
    %add3A_654 = arith.addi %mul3A_652, %add3A_653 : i32
    %dma_start3A_655 = arith.constant 0 : i32
    %dma_start3A_656 = arith.constant 0 : i32
    %dma_start3A_657 = arith.constant 0 : i32
    %dma_start3A_658 = arith.constant 0 : i32
    %dma_start3A_659 = tpu.memref_slice %arg19[%dma_start3A_655, %dma_start3A_657, %dma_start3A_658] : memref<3x256x128xf32, #tpu.memory_space<vmem>> -> memref<1x256x128xf32, #tpu.memory_space<vmem>>
    %dma_start3A_660 = tpu.memref_squeeze %dma_start3A_659 : memref<1x256x128xf32, #tpu.memory_space<vmem>> -> memref<256x128xf32, #tpu.memory_space<vmem>>
    %dma_start3A_661 = arith.constant 0 : i32
    %dma_start3A_662 = tpu.memref_slice %arg6[%add3A_654, %dma_start3A_661] : memref<16384x128xf32, #tpu.memory_space<hbm>> -> memref<256x128xf32, #tpu.memory_space<hbm>>
    %dma_start3A_663 = tpu.memref_slice %arg21[%dma_start3A_656] : memref<3x!tpu.dma_semaphore, #tpu.memory_space<semaphore_mem>> -> memref<1x!tpu.dma_semaphore, #tpu.memory_space<semaphore_mem>>
    %dma_start3A_664 = tpu.memref_squeeze %dma_start3A_663 : memref<1x!tpu.dma_semaphore, #tpu.memory_space<semaphore_mem>> -> memref<!tpu.dma_semaphore, #tpu.memory_space<semaphore_mem>>
    %dma_start3A_665 = arith.constant 0 : i32
    %dma_start3A_666 = tpu.memref_slice %arg6[%add3A_654, %dma_start3A_665] : memref<16384x128xf32, #tpu.memory_space<hbm>> -> memref<256x128xf32, #tpu.memory_space<hbm>>
    %dma_start3A_667 = arith.constant 0 : i32
    %dma_start3A_668 = arith.constant 0 : i32
    %dma_start3A_669 = tpu.memref_slice %arg19[%dma_start3A_655, %dma_start3A_667, %dma_start3A_668] : memref<3x256x128xf32, #tpu.memory_space<vmem>> -> memref<1x256x128xf32, #tpu.memory_space<vmem>>
    %dma_start3A_670 = tpu.memref_squeeze %dma_start3A_669 : memref<1x256x128xf32, #tpu.memory_space<vmem>> -> memref<256x128xf32, #tpu.memory_space<vmem>>
    tpu.enqueue_dma source(%dma_start3A_670 : memref<256x128xf32, #tpu.memory_space<vmem>>) target(%dma_start3A_666 : memref<256x128xf32, #tpu.memory_space<hbm>>) target_semaphore(%dma_start3A_664 : memref<!tpu.dma_semaphore, #tpu.memory_space<semaphore_mem>>)
    %dma_start3A_671 = arith.constant 0 : i32
    %dma_start3A_672 = arith.constant 0 : i32
    %dma_start3A_673 = arith.constant 0 : i32
    %dma_start3A_674 = arith.constant 0 : i32
    %dma_start3A_675 = tpu.memref_slice %arg19[%dma_start3A_671, %dma_start3A_673, %dma_start3A_674] : memref<3x256x128xf32, #tpu.memory_space<vmem>> -> memref<1x256x128xf32, #tpu.memory_space<vmem>>
    %dma_start3A_676 = tpu.memref_squeeze %dma_start3A_675 : memref<1x256x128xf32, #tpu.memory_space<vmem>> -> memref<256x128xf32, #tpu.memory_space<vmem>>
    %dma_start3A_677 = arith.constant 0 : i32
    %dma_start3A_678 = tpu.memref_slice %arg9[%add3A_654, %dma_start3A_677] : memref<16384x128xf32, #tpu.memory_space<hbm>> -> memref<256x128xf32, #tpu.memory_space<hbm>>
    %dma_start3A_679 = tpu.memref_slice %arg21[%dma_start3A_672] : memref<3x!tpu.dma_semaphore, #tpu.memory_space<semaphore_mem>> -> memref<1x!tpu.dma_semaphore, #tpu.memory_space<semaphore_mem>>
    %dma_start3A_680 = tpu.memref_squeeze %dma_start3A_679 : memref<1x!tpu.dma_semaphore, #tpu.memory_space<semaphore_mem>> -> memref<!tpu.dma_semaphore, #tpu.memory_space<semaphore_mem>>
    %dma_start3A_681 = arith.constant 0 : i32
    %dma_start3A_682 = tpu.memref_slice %arg9[%add3A_654, %dma_start3A_681] : memref<16384x128xf32, #tpu.memory_space<hbm>> -> memref<256x128xf32, #tpu.memory_space<hbm>>
    %dma_start3A_683 = arith.constant 0 : i32
    %dma_start3A_684 = arith.constant 0 : i32
    %dma_start3A_685 = tpu.memref_slice %arg19[%dma_start3A_671, %dma_start3A_683, %dma_start3A_684] : memref<3x256x128xf32, #tpu.memory_space<vmem>> -> memref<1x256x128xf32, #tpu.memory_space<vmem>>
    %dma_start3A_686 = tpu.memref_squeeze %dma_start3A_685 : memref<1x256x128xf32, #tpu.memory_space<vmem>> -> memref<256x128xf32, #tpu.memory_space<vmem>>
    tpu.enqueue_dma source(%dma_start3A_686 : memref<256x128xf32, #tpu.memory_space<vmem>>) target(%dma_start3A_682 : memref<256x128xf32, #tpu.memory_space<hbm>>) target_semaphore(%dma_start3A_680 : memref<!tpu.dma_semaphore, #tpu.memory_space<semaphore_mem>>)
    %dma_start3A_687 = arith.constant 0 : i32
    %dma_start3A_688 = arith.constant 0 : i32
    %dma_start3A_689 = arith.constant 0 : i32
    %dma_start3A_690 = arith.constant 0 : i32
    %dma_start3A_691 = tpu.memref_slice %arg19[%dma_start3A_687, %dma_start3A_689, %dma_start3A_690] : memref<3x256x128xf32, #tpu.memory_space<vmem>> -> memref<1x256x128xf32, #tpu.memory_space<vmem>>
    %dma_start3A_692 = tpu.memref_squeeze %dma_start3A_691 : memref<1x256x128xf32, #tpu.memory_space<vmem>> -> memref<256x128xf32, #tpu.memory_space<vmem>>
    %dma_start3A_693 = arith.constant 0 : i32
    %dma_start3A_694 = tpu.memref_slice %arg12[%add3A_654, %dma_start3A_693] : memref<16384x128xf32, #tpu.memory_space<hbm>> -> memref<256x128xf32, #tpu.memory_space<hbm>>
    %dma_start3A_695 = tpu.memref_slice %arg21[%dma_start3A_688] : memref<3x!tpu.dma_semaphore, #tpu.memory_space<semaphore_mem>> -> memref<1x!tpu.dma_semaphore, #tpu.memory_space<semaphore_mem>>
    %dma_start3A_696 = tpu.memref_squeeze %dma_start3A_695 : memref<1x!tpu.dma_semaphore, #tpu.memory_space<semaphore_mem>> -> memref<!tpu.dma_semaphore, #tpu.memory_space<semaphore_mem>>
    %dma_start3A_697 = arith.constant 0 : i32
    %dma_start3A_698 = tpu.memref_slice %arg12[%add3A_654, %dma_start3A_697] : memref<16384x128xf32, #tpu.memory_space<hbm>> -> memref<256x128xf32, #tpu.memory_space<hbm>>
    %dma_start3A_699 = arith.constant 0 : i32
    %dma_start3A_700 = arith.constant 0 : i32
    %dma_start3A_701 = tpu.memref_slice %arg19[%dma_start3A_687, %dma_start3A_699, %dma_start3A_700] : memref<3x256x128xf32, #tpu.memory_space<vmem>> -> memref<1x256x128xf32, #tpu.memory_space<vmem>>
    %dma_start3A_702 = tpu.memref_squeeze %dma_start3A_701 : memref<1x256x128xf32, #tpu.memory_space<vmem>> -> memref<256x128xf32, #tpu.memory_space<vmem>>
    tpu.enqueue_dma source(%dma_start3A_702 : memref<256x128xf32, #tpu.memory_space<vmem>>) target(%dma_start3A_698 : memref<256x128xf32, #tpu.memory_space<hbm>>) target_semaphore(%dma_start3A_696 : memref<!tpu.dma_semaphore, #tpu.memory_space<semaphore_mem>>)
    %dma_start3A_703 = arith.constant 0 : i32
    %dma_start3A_704 = arith.constant 0 : i32
    %dma_start3A_705 = arith.constant 0 : i32
    %dma_start3A_706 = arith.constant 0 : i32
    %dma_start3A_707 = tpu.memref_slice %arg19[%dma_start3A_703, %dma_start3A_705, %dma_start3A_706] : memref<3x256x128xf32, #tpu.memory_space<vmem>> -> memref<1x256x128xf32, #tpu.memory_space<vmem>>
    %dma_start3A_708 = tpu.memref_squeeze %dma_start3A_707 : memref<1x256x128xf32, #tpu.memory_space<vmem>> -> memref<256x128xf32, #tpu.memory_space<vmem>>
    %dma_start3A_709 = arith.constant 0 : i32
    %dma_start3A_710 = tpu.memref_slice %arg15[%add3A_654, %dma_start3A_709] : memref<16384x128xf32, #tpu.memory_space<hbm>> -> memref<256x128xf32, #tpu.memory_space<hbm>>
    %dma_start3A_711 = tpu.memref_slice %arg21[%dma_start3A_704] : memref<3x!tpu.dma_semaphore, #tpu.memory_space<semaphore_mem>> -> memref<1x!tpu.dma_semaphore, #tpu.memory_space<semaphore_mem>>
    %dma_start3A_712 = tpu.memref_squeeze %dma_start3A_711 : memref<1x!tpu.dma_semaphore, #tpu.memory_space<semaphore_mem>> -> memref<!tpu.dma_semaphore, #tpu.memory_space<semaphore_mem>>
    %dma_start3A_713 = arith.constant 0 : i32
    %dma_start3A_714 = tpu.memref_slice %arg15[%add3A_654, %dma_start3A_713] : memref<16384x128xf32, #tpu.memory_space<hbm>> -> memref<256x128xf32, #tpu.memory_space<hbm>>
    %dma_start3A_715 = arith.constant 0 : i32
    %dma_start3A_716 = arith.constant 0 : i32
    %dma_start3A_717 = tpu.memref_slice %arg19[%dma_start3A_703, %dma_start3A_715, %dma_start3A_716] : memref<3x256x128xf32, #tpu.memory_space<vmem>> -> memref<1x256x128xf32, #tpu.memory_space<vmem>>
    %dma_start3A_718 = tpu.memref_squeeze %dma_start3A_717 : memref<1x256x128xf32, #tpu.memory_space<vmem>> -> memref<256x128xf32, #tpu.memory_space<vmem>>
    tpu.enqueue_dma source(%dma_start3A_718 : memref<256x128xf32, #tpu.memory_space<vmem>>) target(%dma_start3A_714 : memref<256x128xf32, #tpu.memory_space<hbm>>) target_semaphore(%dma_start3A_712 : memref<!tpu.dma_semaphore, #tpu.memory_space<semaphore_mem>>)
    %dma_wait3A_719 = arith.constant 2 : i32
    %dma_wait3A_720 = arith.constant 2 : i32
    %dma_wait3A_721 = arith.constant 0 : i32
    %dma_wait3A_722 = arith.constant 0 : i32
    %dma_wait3A_723 = tpu.memref_slice %arg19[%dma_wait3A_719, %dma_wait3A_721, %dma_wait3A_722] : memref<3x256x128xf32, #tpu.memory_space<vmem>> -> memref<1x256x128xf32, #tpu.memory_space<vmem>>
    %dma_wait3A_724 = tpu.memref_squeeze %dma_wait3A_723 : memref<1x256x128xf32, #tpu.memory_space<vmem>> -> memref<256x128xf32, #tpu.memory_space<vmem>>
    %dma_wait3A_725 = arith.constant 0 : i32
    %dma_wait3A_726 = tpu.memref_slice %arg8[%add3A_458, %dma_wait3A_725] : memref<16384x128xf32, #tpu.memory_space<hbm>> -> memref<256x128xf32, #tpu.memory_space<hbm>>
    %dma_wait3A_727 = tpu.memref_slice %arg21[%dma_wait3A_720] : memref<3x!tpu.dma_semaphore, #tpu.memory_space<semaphore_mem>> -> memref<1x!tpu.dma_semaphore, #tpu.memory_space<semaphore_mem>>
    %dma_wait3A_728 = tpu.memref_squeeze %dma_wait3A_727 : memref<1x!tpu.dma_semaphore, #tpu.memory_space<semaphore_mem>> -> memref<!tpu.dma_semaphore, #tpu.memory_space<semaphore_mem>>
    %dma_wait3A_729 = arith.constant 0 : i32
    %dma_wait3A_730 = tpu.memref_slice %arg8[%add3A_458, %dma_wait3A_729] : memref<16384x128xf32, #tpu.memory_space<hbm>> -> memref<256x128xf32, #tpu.memory_space<hbm>>
    %dma_wait3A_731 = arith.constant 0 : i32
    %dma_wait3A_732 = arith.constant 0 : i32
    %dma_wait3A_733 = tpu.memref_slice %arg19[%dma_wait3A_719, %dma_wait3A_731, %dma_wait3A_732] : memref<3x256x128xf32, #tpu.memory_space<vmem>> -> memref<1x256x128xf32, #tpu.memory_space<vmem>>
    %dma_wait3A_734 = tpu.memref_squeeze %dma_wait3A_733 : memref<1x256x128xf32, #tpu.memory_space<vmem>> -> memref<256x128xf32, #tpu.memory_space<vmem>>
    tpu.wait_dma2 semaphore(%dma_wait3A_728 : memref<!tpu.dma_semaphore, #tpu.memory_space<semaphore_mem>>) src(%dma_wait3A_734 : memref<256x128xf32, #tpu.memory_space<vmem>>) dst(%dma_wait3A_730 : memref<256x128xf32, #tpu.memory_space<hbm>>)
    %dma_wait3A_735 = arith.constant 2 : i32
    %dma_wait3A_736 = arith.constant 2 : i32
    %dma_wait3A_737 = arith.constant 0 : i32
    %dma_wait3A_738 = arith.constant 0 : i32
    %dma_wait3A_739 = tpu.memref_slice %arg19[%dma_wait3A_735, %dma_wait3A_737, %dma_wait3A_738] : memref<3x256x128xf32, #tpu.memory_space<vmem>> -> memref<1x256x128xf32, #tpu.memory_space<vmem>>
    %dma_wait3A_740 = tpu.memref_squeeze %dma_wait3A_739 : memref<1x256x128xf32, #tpu.memory_space<vmem>> -> memref<256x128xf32, #tpu.memory_space<vmem>>
    %dma_wait3A_741 = arith.constant 0 : i32
    %dma_wait3A_742 = tpu.memref_slice %arg11[%add3A_458, %dma_wait3A_741] : memref<16384x128xf32, #tpu.memory_space<hbm>> -> memref<256x128xf32, #tpu.memory_space<hbm>>
    %dma_wait3A_743 = tpu.memref_slice %arg21[%dma_wait3A_736] : memref<3x!tpu.dma_semaphore, #tpu.memory_space<semaphore_mem>> -> memref<1x!tpu.dma_semaphore, #tpu.memory_space<semaphore_mem>>
    %dma_wait3A_744 = tpu.memref_squeeze %dma_wait3A_743 : memref<1x!tpu.dma_semaphore, #tpu.memory_space<semaphore_mem>> -> memref<!tpu.dma_semaphore, #tpu.memory_space<semaphore_mem>>
    %dma_wait3A_745 = arith.constant 0 : i32
    %dma_wait3A_746 = tpu.memref_slice %arg11[%add3A_458, %dma_wait3A_745] : memref<16384x128xf32, #tpu.memory_space<hbm>> -> memref<256x128xf32, #tpu.memory_space<hbm>>
    %dma_wait3A_747 = arith.constant 0 : i32
    %dma_wait3A_748 = arith.constant 0 : i32
    %dma_wait3A_749 = tpu.memref_slice %arg19[%dma_wait3A_735, %dma_wait3A_747, %dma_wait3A_748] : memref<3x256x128xf32, #tpu.memory_space<vmem>> -> memref<1x256x128xf32, #tpu.memory_space<vmem>>
    %dma_wait3A_750 = tpu.memref_squeeze %dma_wait3A_749 : memref<1x256x128xf32, #tpu.memory_space<vmem>> -> memref<256x128xf32, #tpu.memory_space<vmem>>
    tpu.wait_dma2 semaphore(%dma_wait3A_744 : memref<!tpu.dma_semaphore, #tpu.memory_space<semaphore_mem>>) src(%dma_wait3A_750 : memref<256x128xf32, #tpu.memory_space<vmem>>) dst(%dma_wait3A_746 : memref<256x128xf32, #tpu.memory_space<hbm>>)
    %dma_wait3A_751 = arith.constant 2 : i32
    %dma_wait3A_752 = arith.constant 2 : i32
    %dma_wait3A_753 = arith.constant 0 : i32
    %dma_wait3A_754 = arith.constant 0 : i32
    %dma_wait3A_755 = tpu.memref_slice %arg19[%dma_wait3A_751, %dma_wait3A_753, %dma_wait3A_754] : memref<3x256x128xf32, #tpu.memory_space<vmem>> -> memref<1x256x128xf32, #tpu.memory_space<vmem>>
    %dma_wait3A_756 = tpu.memref_squeeze %dma_wait3A_755 : memref<1x256x128xf32, #tpu.memory_space<vmem>> -> memref<256x128xf32, #tpu.memory_space<vmem>>
    %dma_wait3A_757 = arith.constant 0 : i32
    %dma_wait3A_758 = tpu.memref_slice %arg14[%add3A_458, %dma_wait3A_757] : memref<16384x128xf32, #tpu.memory_space<hbm>> -> memref<256x128xf32, #tpu.memory_space<hbm>>
    %dma_wait3A_759 = tpu.memref_slice %arg21[%dma_wait3A_752] : memref<3x!tpu.dma_semaphore, #tpu.memory_space<semaphore_mem>> -> memref<1x!tpu.dma_semaphore, #tpu.memory_space<semaphore_mem>>
    %dma_wait3A_760 = tpu.memref_squeeze %dma_wait3A_759 : memref<1x!tpu.dma_semaphore, #tpu.memory_space<semaphore_mem>> -> memref<!tpu.dma_semaphore, #tpu.memory_space<semaphore_mem>>
    %dma_wait3A_761 = arith.constant 0 : i32
    %dma_wait3A_762 = tpu.memref_slice %arg14[%add3A_458, %dma_wait3A_761] : memref<16384x128xf32, #tpu.memory_space<hbm>> -> memref<256x128xf32, #tpu.memory_space<hbm>>
    %dma_wait3A_763 = arith.constant 0 : i32
    %dma_wait3A_764 = arith.constant 0 : i32
    %dma_wait3A_765 = tpu.memref_slice %arg19[%dma_wait3A_751, %dma_wait3A_763, %dma_wait3A_764] : memref<3x256x128xf32, #tpu.memory_space<vmem>> -> memref<1x256x128xf32, #tpu.memory_space<vmem>>
    %dma_wait3A_766 = tpu.memref_squeeze %dma_wait3A_765 : memref<1x256x128xf32, #tpu.memory_space<vmem>> -> memref<256x128xf32, #tpu.memory_space<vmem>>
    tpu.wait_dma2 semaphore(%dma_wait3A_760 : memref<!tpu.dma_semaphore, #tpu.memory_space<semaphore_mem>>) src(%dma_wait3A_766 : memref<256x128xf32, #tpu.memory_space<vmem>>) dst(%dma_wait3A_762 : memref<256x128xf32, #tpu.memory_space<hbm>>)
    %dma_wait3A_767 = arith.constant 2 : i32
    %dma_wait3A_768 = arith.constant 2 : i32
    %dma_wait3A_769 = arith.constant 0 : i32
    %dma_wait3A_770 = arith.constant 0 : i32
    %dma_wait3A_771 = tpu.memref_slice %arg19[%dma_wait3A_767, %dma_wait3A_769, %dma_wait3A_770] : memref<3x256x128xf32, #tpu.memory_space<vmem>> -> memref<1x256x128xf32, #tpu.memory_space<vmem>>
    %dma_wait3A_772 = tpu.memref_squeeze %dma_wait3A_771 : memref<1x256x128xf32, #tpu.memory_space<vmem>> -> memref<256x128xf32, #tpu.memory_space<vmem>>
    %dma_wait3A_773 = arith.constant 0 : i32
    %dma_wait3A_774 = tpu.memref_slice %arg17[%add3A_458, %dma_wait3A_773] : memref<16384x128xf32, #tpu.memory_space<hbm>> -> memref<256x128xf32, #tpu.memory_space<hbm>>
    %dma_wait3A_775 = tpu.memref_slice %arg21[%dma_wait3A_768] : memref<3x!tpu.dma_semaphore, #tpu.memory_space<semaphore_mem>> -> memref<1x!tpu.dma_semaphore, #tpu.memory_space<semaphore_mem>>
    %dma_wait3A_776 = tpu.memref_squeeze %dma_wait3A_775 : memref<1x!tpu.dma_semaphore, #tpu.memory_space<semaphore_mem>> -> memref<!tpu.dma_semaphore, #tpu.memory_space<semaphore_mem>>
    %dma_wait3A_777 = arith.constant 0 : i32
    %dma_wait3A_778 = tpu.memref_slice %arg17[%add3A_458, %dma_wait3A_777] : memref<16384x128xf32, #tpu.memory_space<hbm>> -> memref<256x128xf32, #tpu.memory_space<hbm>>
    %dma_wait3A_779 = arith.constant 0 : i32
    %dma_wait3A_780 = arith.constant 0 : i32
    %dma_wait3A_781 = tpu.memref_slice %arg19[%dma_wait3A_767, %dma_wait3A_779, %dma_wait3A_780] : memref<3x256x128xf32, #tpu.memory_space<vmem>> -> memref<1x256x128xf32, #tpu.memory_space<vmem>>
    %dma_wait3A_782 = tpu.memref_squeeze %dma_wait3A_781 : memref<1x256x128xf32, #tpu.memory_space<vmem>> -> memref<256x128xf32, #tpu.memory_space<vmem>>
    tpu.wait_dma2 semaphore(%dma_wait3A_776 : memref<!tpu.dma_semaphore, #tpu.memory_space<semaphore_mem>>) src(%dma_wait3A_782 : memref<256x128xf32, #tpu.memory_space<vmem>>) dst(%dma_wait3A_778 : memref<256x128xf32, #tpu.memory_space<hbm>>)
    %dma_start3A_783 = arith.constant 2 : i32
    %dma_start3A_784 = arith.constant 2 : i32
    %dma_start3A_785 = arith.constant 0 : i32
    %dma_start3A_786 = arith.constant 0 : i32
    %dma_start3A_787 = tpu.memref_slice %arg19[%dma_start3A_783, %dma_start3A_785, %dma_start3A_786] : memref<3x256x128xf32, #tpu.memory_space<vmem>> -> memref<1x256x128xf32, #tpu.memory_space<vmem>>
    %dma_start3A_788 = tpu.memref_squeeze %dma_start3A_787 : memref<1x256x128xf32, #tpu.memory_space<vmem>> -> memref<256x128xf32, #tpu.memory_space<vmem>>
    %dma_start3A_789 = arith.constant 0 : i32
    %dma_start3A_790 = arith.constant 0 : i32
    %dma_start3A_791 = tpu.memref_slice %dma_start3A_788[%dma_start3A_789, %dma_start3A_790] : memref<256x128xf32, #tpu.memory_space<vmem>> -> memref<128x128xf32, #tpu.memory_space<vmem>>
    %dma_start3A_792 = arith.constant 256 : i32
    %dma_start3A_793 = tpu.memref_slice %arg18[%dma_start3A_792] : memref<512xi32, #tpu.memory_space<vmem>> -> memref<128xi32, #tpu.memory_space<vmem>>
    %dma_start3A_794 = arith.constant 0 : i32
    %dma_start3A_795 = arith.constant 0 : i32
    %dma_start3A_796 = tpu.memref_slice %arg5[%dma_start3A_794, %dma_start3A_795] : memref<100000x128xf32, #tpu.memory_space<hbm>> -> memref<100000x128xf32, #tpu.memory_space<hbm>>
    %dma_start3A_797 = tpu.memref_slice %arg20[%dma_start3A_784] : memref<3x!tpu.dma_semaphore, #tpu.memory_space<semaphore_mem>> -> memref<1x!tpu.dma_semaphore, #tpu.memory_space<semaphore_mem>>
    %dma_start3A_798 = tpu.memref_squeeze %dma_start3A_797 : memref<1x!tpu.dma_semaphore, #tpu.memory_space<semaphore_mem>> -> memref<!tpu.dma_semaphore, #tpu.memory_space<semaphore_mem>>
    tpu.enqueue_indirect_dma source(%dma_start3A_796 : memref<100000x128xf32, #tpu.memory_space<hbm>>) target(%dma_start3A_791 : memref<128x128xf32, #tpu.memory_space<vmem>>) offsets(%dma_start3A_793 : memref<128xi32, #tpu.memory_space<vmem>>) semaphore(%dma_start3A_798 : memref<!tpu.dma_semaphore, #tpu.memory_space<semaphore_mem>>)
    %dma_start3A_799 = arith.constant 2 : i32
    %dma_start3A_800 = arith.constant 2 : i32
    %dma_start3A_801 = arith.constant 0 : i32
    %dma_start3A_802 = arith.constant 0 : i32
    %dma_start3A_803 = tpu.memref_slice %arg19[%dma_start3A_799, %dma_start3A_801, %dma_start3A_802] : memref<3x256x128xf32, #tpu.memory_space<vmem>> -> memref<1x256x128xf32, #tpu.memory_space<vmem>>
    %dma_start3A_804 = tpu.memref_squeeze %dma_start3A_803 : memref<1x256x128xf32, #tpu.memory_space<vmem>> -> memref<256x128xf32, #tpu.memory_space<vmem>>
    %dma_start3A_805 = arith.constant 128 : i32
    %dma_start3A_806 = arith.constant 0 : i32
    %dma_start3A_807 = tpu.memref_slice %dma_start3A_804[%dma_start3A_805, %dma_start3A_806] : memref<256x128xf32, #tpu.memory_space<vmem>> -> memref<128x128xf32, #tpu.memory_space<vmem>>
    %dma_start3A_808 = arith.constant 384 : i32
    %dma_start3A_809 = tpu.memref_slice %arg18[%dma_start3A_808] : memref<512xi32, #tpu.memory_space<vmem>> -> memref<128xi32, #tpu.memory_space<vmem>>
    %dma_start3A_810 = arith.constant 0 : i32
    %dma_start3A_811 = arith.constant 0 : i32
    %dma_start3A_812 = tpu.memref_slice %arg5[%dma_start3A_810, %dma_start3A_811] : memref<100000x128xf32, #tpu.memory_space<hbm>> -> memref<100000x128xf32, #tpu.memory_space<hbm>>
    %dma_start3A_813 = tpu.memref_slice %arg20[%dma_start3A_800] : memref<3x!tpu.dma_semaphore, #tpu.memory_space<semaphore_mem>> -> memref<1x!tpu.dma_semaphore, #tpu.memory_space<semaphore_mem>>
    %dma_start3A_814 = tpu.memref_squeeze %dma_start3A_813 : memref<1x!tpu.dma_semaphore, #tpu.memory_space<semaphore_mem>> -> memref<!tpu.dma_semaphore, #tpu.memory_space<semaphore_mem>>
    tpu.enqueue_indirect_dma source(%dma_start3A_812 : memref<100000x128xf32, #tpu.memory_space<hbm>>) target(%dma_start3A_807 : memref<128x128xf32, #tpu.memory_space<vmem>>) offsets(%dma_start3A_809 : memref<128xi32, #tpu.memory_space<vmem>>) semaphore(%dma_start3A_814 : memref<!tpu.dma_semaphore, #tpu.memory_space<semaphore_mem>>)
    %dma_wait3A_815 = arith.constant 1 : i32
    %dma_wait3A_816 = arith.constant 1 : i32
    %dma_wait3A_817 = arith.constant 0 : i32
    %dma_wait3A_818 = arith.constant 0 : i32
    %dma_wait3A_819 = tpu.memref_slice %arg19[%dma_wait3A_815, %dma_wait3A_817, %dma_wait3A_818] : memref<3x256x128xf32, #tpu.memory_space<vmem>> -> memref<1x256x128xf32, #tpu.memory_space<vmem>>
    %dma_wait3A_820 = tpu.memref_squeeze %dma_wait3A_819 : memref<1x256x128xf32, #tpu.memory_space<vmem>> -> memref<256x128xf32, #tpu.memory_space<vmem>>
    %dma_wait3A_821 = arith.constant 0 : i32
    %dma_wait3A_822 = arith.constant 0 : i32
    %dma_wait3A_823 = tpu.memref_slice %dma_wait3A_820[%dma_wait3A_821, %dma_wait3A_822] : memref<256x128xf32, #tpu.memory_space<vmem>> -> memref<128x128xf32, #tpu.memory_space<vmem>>
    %dma_wait3A_824 = arith.constant 256 : i32
    %dma_wait3A_825 = tpu.memref_slice %arg18[%dma_wait3A_824] : memref<512xi32, #tpu.memory_space<vmem>> -> memref<128xi32, #tpu.memory_space<vmem>>
    %dma_wait3A_826 = arith.constant 0 : i32
    %dma_wait3A_827 = arith.constant 0 : i32
    %dma_wait3A_828 = tpu.memref_slice %arg4[%dma_wait3A_826, %dma_wait3A_827] : memref<100000x128xf32, #tpu.memory_space<hbm>> -> memref<100000x128xf32, #tpu.memory_space<hbm>>
    %dma_wait3A_829 = tpu.memref_slice %arg20[%dma_wait3A_816] : memref<3x!tpu.dma_semaphore, #tpu.memory_space<semaphore_mem>> -> memref<1x!tpu.dma_semaphore, #tpu.memory_space<semaphore_mem>>
    %dma_wait3A_830 = tpu.memref_squeeze %dma_wait3A_829 : memref<1x!tpu.dma_semaphore, #tpu.memory_space<semaphore_mem>> -> memref<!tpu.dma_semaphore, #tpu.memory_space<semaphore_mem>>
    tpu.wait_indirect_dma semaphore(%dma_wait3A_830 : memref<!tpu.dma_semaphore, #tpu.memory_space<semaphore_mem>>) src(%dma_wait3A_828 : memref<100000x128xf32, #tpu.memory_space<hbm>>) dst(%dma_wait3A_823 : memref<128x128xf32, #tpu.memory_space<vmem>>)
    %dma_wait3A_831 = arith.constant 1 : i32
    %dma_wait3A_832 = arith.constant 1 : i32
    %dma_wait3A_833 = arith.constant 0 : i32
    %dma_wait3A_834 = arith.constant 0 : i32
    %dma_wait3A_835 = tpu.memref_slice %arg19[%dma_wait3A_831, %dma_wait3A_833, %dma_wait3A_834] : memref<3x256x128xf32, #tpu.memory_space<vmem>> -> memref<1x256x128xf32, #tpu.memory_space<vmem>>
    %dma_wait3A_836 = tpu.memref_squeeze %dma_wait3A_835 : memref<1x256x128xf32, #tpu.memory_space<vmem>> -> memref<256x128xf32, #tpu.memory_space<vmem>>
    %dma_wait3A_837 = arith.constant 128 : i32
    %dma_wait3A_838 = arith.constant 0 : i32
    %dma_wait3A_839 = tpu.memref_slice %dma_wait3A_836[%dma_wait3A_837, %dma_wait3A_838] : memref<256x128xf32, #tpu.memory_space<vmem>> -> memref<128x128xf32, #tpu.memory_space<vmem>>
    %dma_wait3A_840 = arith.constant 384 : i32
    %dma_wait3A_841 = tpu.memref_slice %arg18[%dma_wait3A_840] : memref<512xi32, #tpu.memory_space<vmem>> -> memref<128xi32, #tpu.memory_space<vmem>>
    %dma_wait3A_842 = arith.constant 0 : i32
    %dma_wait3A_843 = arith.constant 0 : i32
    %dma_wait3A_844 = tpu.memref_slice %arg4[%dma_wait3A_842, %dma_wait3A_843] : memref<100000x128xf32, #tpu.memory_space<hbm>> -> memref<100000x128xf32, #tpu.memory_space<hbm>>
    %dma_wait3A_845 = tpu.memref_slice %arg20[%dma_wait3A_832] : memref<3x!tpu.dma_semaphore, #tpu.memory_space<semaphore_mem>> -> memref<1x!tpu.dma_semaphore, #tpu.memory_space<semaphore_mem>>
    %dma_wait3A_846 = tpu.memref_squeeze %dma_wait3A_845 : memref<1x!tpu.dma_semaphore, #tpu.memory_space<semaphore_mem>> -> memref<!tpu.dma_semaphore, #tpu.memory_space<semaphore_mem>>
    tpu.wait_indirect_dma semaphore(%dma_wait3A_846 : memref<!tpu.dma_semaphore, #tpu.memory_space<semaphore_mem>>) src(%dma_wait3A_844 : memref<100000x128xf32, #tpu.memory_space<hbm>>) dst(%dma_wait3A_839 : memref<128x128xf32, #tpu.memory_space<vmem>>)
    %mul3A_847 = arith.constant 512 : i32
    %mul3A_848 = arith.muli %add3A, %mul3A_847 : i32
    %add3A_849 = arith.constant 256 : i32
    %add3A_850 = arith.addi %mul3A_848, %add3A_849 : i32
    %dma_start3A_851 = arith.constant 1 : i32
    %dma_start3A_852 = arith.constant 1 : i32
    %dma_start3A_853 = arith.constant 0 : i32
    %dma_start3A_854 = arith.constant 0 : i32
    %dma_start3A_855 = tpu.memref_slice %arg19[%dma_start3A_851, %dma_start3A_853, %dma_start3A_854] : memref<3x256x128xf32, #tpu.memory_space<vmem>> -> memref<1x256x128xf32, #tpu.memory_space<vmem>>
    %dma_start3A_856 = tpu.memref_squeeze %dma_start3A_855 : memref<1x256x128xf32, #tpu.memory_space<vmem>> -> memref<256x128xf32, #tpu.memory_space<vmem>>
    %dma_start3A_857 = arith.constant 0 : i32
    %dma_start3A_858 = tpu.memref_slice %arg7[%add3A_850, %dma_start3A_857] : memref<16384x128xf32, #tpu.memory_space<hbm>> -> memref<256x128xf32, #tpu.memory_space<hbm>>
    %dma_start3A_859 = tpu.memref_slice %arg21[%dma_start3A_852] : memref<3x!tpu.dma_semaphore, #tpu.memory_space<semaphore_mem>> -> memref<1x!tpu.dma_semaphore, #tpu.memory_space<semaphore_mem>>
    %dma_start3A_860 = tpu.memref_squeeze %dma_start3A_859 : memref<1x!tpu.dma_semaphore, #tpu.memory_space<semaphore_mem>> -> memref<!tpu.dma_semaphore, #tpu.memory_space<semaphore_mem>>
    %dma_start3A_861 = arith.constant 0 : i32
    %dma_start3A_862 = tpu.memref_slice %arg7[%add3A_850, %dma_start3A_861] : memref<16384x128xf32, #tpu.memory_space<hbm>> -> memref<256x128xf32, #tpu.memory_space<hbm>>
    %dma_start3A_863 = arith.constant 0 : i32
    %dma_start3A_864 = arith.constant 0 : i32
    %dma_start3A_865 = tpu.memref_slice %arg19[%dma_start3A_851, %dma_start3A_863, %dma_start3A_864] : memref<3x256x128xf32, #tpu.memory_space<vmem>> -> memref<1x256x128xf32, #tpu.memory_space<vmem>>
    %dma_start3A_866 = tpu.memref_squeeze %dma_start3A_865 : memref<1x256x128xf32, #tpu.memory_space<vmem>> -> memref<256x128xf32, #tpu.memory_space<vmem>>
    tpu.enqueue_dma source(%dma_start3A_866 : memref<256x128xf32, #tpu.memory_space<vmem>>) target(%dma_start3A_862 : memref<256x128xf32, #tpu.memory_space<hbm>>) target_semaphore(%dma_start3A_860 : memref<!tpu.dma_semaphore, #tpu.memory_space<semaphore_mem>>)
    %dma_start3A_867 = arith.constant 1 : i32
    %dma_start3A_868 = arith.constant 1 : i32
    %dma_start3A_869 = arith.constant 0 : i32
    %dma_start3A_870 = arith.constant 0 : i32
    %dma_start3A_871 = tpu.memref_slice %arg19[%dma_start3A_867, %dma_start3A_869, %dma_start3A_870] : memref<3x256x128xf32, #tpu.memory_space<vmem>> -> memref<1x256x128xf32, #tpu.memory_space<vmem>>
    %dma_start3A_872 = tpu.memref_squeeze %dma_start3A_871 : memref<1x256x128xf32, #tpu.memory_space<vmem>> -> memref<256x128xf32, #tpu.memory_space<vmem>>
    %dma_start3A_873 = arith.constant 0 : i32
    %dma_start3A_874 = tpu.memref_slice %arg10[%add3A_850, %dma_start3A_873] : memref<16384x128xf32, #tpu.memory_space<hbm>> -> memref<256x128xf32, #tpu.memory_space<hbm>>
    %dma_start3A_875 = tpu.memref_slice %arg21[%dma_start3A_868] : memref<3x!tpu.dma_semaphore, #tpu.memory_space<semaphore_mem>> -> memref<1x!tpu.dma_semaphore, #tpu.memory_space<semaphore_mem>>
    %dma_start3A_876 = tpu.memref_squeeze %dma_start3A_875 : memref<1x!tpu.dma_semaphore, #tpu.memory_space<semaphore_mem>> -> memref<!tpu.dma_semaphore, #tpu.memory_space<semaphore_mem>>
    %dma_start3A_877 = arith.constant 0 : i32
    %dma_start3A_878 = tpu.memref_slice %arg10[%add3A_850, %dma_start3A_877] : memref<16384x128xf32, #tpu.memory_space<hbm>> -> memref<256x128xf32, #tpu.memory_space<hbm>>
    %dma_start3A_879 = arith.constant 0 : i32
    %dma_start3A_880 = arith.constant 0 : i32
    %dma_start3A_881 = tpu.memref_slice %arg19[%dma_start3A_867, %dma_start3A_879, %dma_start3A_880] : memref<3x256x128xf32, #tpu.memory_space<vmem>> -> memref<1x256x128xf32, #tpu.memory_space<vmem>>
    %dma_start3A_882 = tpu.memref_squeeze %dma_start3A_881 : memref<1x256x128xf32, #tpu.memory_space<vmem>> -> memref<256x128xf32, #tpu.memory_space<vmem>>
    tpu.enqueue_dma source(%dma_start3A_882 : memref<256x128xf32, #tpu.memory_space<vmem>>) target(%dma_start3A_878 : memref<256x128xf32, #tpu.memory_space<hbm>>) target_semaphore(%dma_start3A_876 : memref<!tpu.dma_semaphore, #tpu.memory_space<semaphore_mem>>)
    %dma_start3A_883 = arith.constant 1 : i32
    %dma_start3A_884 = arith.constant 1 : i32
    %dma_start3A_885 = arith.constant 0 : i32
    %dma_start3A_886 = arith.constant 0 : i32
    %dma_start3A_887 = tpu.memref_slice %arg19[%dma_start3A_883, %dma_start3A_885, %dma_start3A_886] : memref<3x256x128xf32, #tpu.memory_space<vmem>> -> memref<1x256x128xf32, #tpu.memory_space<vmem>>
    %dma_start3A_888 = tpu.memref_squeeze %dma_start3A_887 : memref<1x256x128xf32, #tpu.memory_space<vmem>> -> memref<256x128xf32, #tpu.memory_space<vmem>>
    %dma_start3A_889 = arith.constant 0 : i32
    %dma_start3A_890 = tpu.memref_slice %arg13[%add3A_850, %dma_start3A_889] : memref<16384x128xf32, #tpu.memory_space<hbm>> -> memref<256x128xf32, #tpu.memory_space<hbm>>
    %dma_start3A_891 = tpu.memref_slice %arg21[%dma_start3A_884] : memref<3x!tpu.dma_semaphore, #tpu.memory_space<semaphore_mem>> -> memref<1x!tpu.dma_semaphore, #tpu.memory_space<semaphore_mem>>
    %dma_start3A_892 = tpu.memref_squeeze %dma_start3A_891 : memref<1x!tpu.dma_semaphore, #tpu.memory_space<semaphore_mem>> -> memref<!tpu.dma_semaphore, #tpu.memory_space<semaphore_mem>>
    %dma_start3A_893 = arith.constant 0 : i32
    %dma_start3A_894 = tpu.memref_slice %arg13[%add3A_850, %dma_start3A_893] : memref<16384x128xf32, #tpu.memory_space<hbm>> -> memref<256x128xf32, #tpu.memory_space<hbm>>
    %dma_start3A_895 = arith.constant 0 : i32
    %dma_start3A_896 = arith.constant 0 : i32
    %dma_start3A_897 = tpu.memref_slice %arg19[%dma_start3A_883, %dma_start3A_895, %dma_start3A_896] : memref<3x256x128xf32, #tpu.memory_space<vmem>> -> memref<1x256x128xf32, #tpu.memory_space<vmem>>
    %dma_start3A_898 = tpu.memref_squeeze %dma_start3A_897 : memref<1x256x128xf32, #tpu.memory_space<vmem>> -> memref<256x128xf32, #tpu.memory_space<vmem>>
    tpu.enqueue_dma source(%dma_start3A_898 : memref<256x128xf32, #tpu.memory_space<vmem>>) target(%dma_start3A_894 : memref<256x128xf32, #tpu.memory_space<hbm>>) target_semaphore(%dma_start3A_892 : memref<!tpu.dma_semaphore, #tpu.memory_space<semaphore_mem>>)
    %dma_start3A_899 = arith.constant 1 : i32
    %dma_start3A_900 = arith.constant 1 : i32
    %dma_start3A_901 = arith.constant 0 : i32
    %dma_start3A_902 = arith.constant 0 : i32
    %dma_start3A_903 = tpu.memref_slice %arg19[%dma_start3A_899, %dma_start3A_901, %dma_start3A_902] : memref<3x256x128xf32, #tpu.memory_space<vmem>> -> memref<1x256x128xf32, #tpu.memory_space<vmem>>
    %dma_start3A_904 = tpu.memref_squeeze %dma_start3A_903 : memref<1x256x128xf32, #tpu.memory_space<vmem>> -> memref<256x128xf32, #tpu.memory_space<vmem>>
    %dma_start3A_905 = arith.constant 0 : i32
    %dma_start3A_906 = tpu.memref_slice %arg16[%add3A_850, %dma_start3A_905] : memref<16384x128xf32, #tpu.memory_space<hbm>> -> memref<256x128xf32, #tpu.memory_space<hbm>>
    %dma_start3A_907 = tpu.memref_slice %arg21[%dma_start3A_900] : memref<3x!tpu.dma_semaphore, #tpu.memory_space<semaphore_mem>> -> memref<1x!tpu.dma_semaphore, #tpu.memory_space<semaphore_mem>>
    %dma_start3A_908 = tpu.memref_squeeze %dma_start3A_907 : memref<1x!tpu.dma_semaphore, #tpu.memory_space<semaphore_mem>> -> memref<!tpu.dma_semaphore, #tpu.memory_space<semaphore_mem>>
    %dma_start3A_909 = arith.constant 0 : i32
    %dma_start3A_910 = tpu.memref_slice %arg16[%add3A_850, %dma_start3A_909] : memref<16384x128xf32, #tpu.memory_space<hbm>> -> memref<256x128xf32, #tpu.memory_space<hbm>>
    %dma_start3A_911 = arith.constant 0 : i32
    %dma_start3A_912 = arith.constant 0 : i32
    %dma_start3A_913 = tpu.memref_slice %arg19[%dma_start3A_899, %dma_start3A_911, %dma_start3A_912] : memref<3x256x128xf32, #tpu.memory_space<vmem>> -> memref<1x256x128xf32, #tpu.memory_space<vmem>>
    %dma_start3A_914 = tpu.memref_squeeze %dma_start3A_913 : memref<1x256x128xf32, #tpu.memory_space<vmem>> -> memref<256x128xf32, #tpu.memory_space<vmem>>
    tpu.enqueue_dma source(%dma_start3A_914 : memref<256x128xf32, #tpu.memory_space<vmem>>) target(%dma_start3A_910 : memref<256x128xf32, #tpu.memory_space<hbm>>) target_semaphore(%dma_start3A_908 : memref<!tpu.dma_semaphore, #tpu.memory_space<semaphore_mem>>)
    %dma_wait3A_915 = arith.constant 2 : i32
    %dma_wait3A_916 = arith.constant 2 : i32
    %dma_wait3A_917 = arith.constant 0 : i32
    %dma_wait3A_918 = arith.constant 0 : i32
    %dma_wait3A_919 = tpu.memref_slice %arg19[%dma_wait3A_915, %dma_wait3A_917, %dma_wait3A_918] : memref<3x256x128xf32, #tpu.memory_space<vmem>> -> memref<1x256x128xf32, #tpu.memory_space<vmem>>
    %dma_wait3A_920 = tpu.memref_squeeze %dma_wait3A_919 : memref<1x256x128xf32, #tpu.memory_space<vmem>> -> memref<256x128xf32, #tpu.memory_space<vmem>>
    %dma_wait3A_921 = arith.constant 0 : i32
    %dma_wait3A_922 = arith.constant 0 : i32
    %dma_wait3A_923 = tpu.memref_slice %dma_wait3A_920[%dma_wait3A_921, %dma_wait3A_922] : memref<256x128xf32, #tpu.memory_space<vmem>> -> memref<128x128xf32, #tpu.memory_space<vmem>>
    %dma_wait3A_924 = arith.constant 256 : i32
    %dma_wait3A_925 = tpu.memref_slice %arg18[%dma_wait3A_924] : memref<512xi32, #tpu.memory_space<vmem>> -> memref<128xi32, #tpu.memory_space<vmem>>
    %dma_wait3A_926 = arith.constant 0 : i32
    %dma_wait3A_927 = arith.constant 0 : i32
    %dma_wait3A_928 = tpu.memref_slice %arg5[%dma_wait3A_926, %dma_wait3A_927] : memref<100000x128xf32, #tpu.memory_space<hbm>> -> memref<100000x128xf32, #tpu.memory_space<hbm>>
    %dma_wait3A_929 = tpu.memref_slice %arg20[%dma_wait3A_916] : memref<3x!tpu.dma_semaphore, #tpu.memory_space<semaphore_mem>> -> memref<1x!tpu.dma_semaphore, #tpu.memory_space<semaphore_mem>>
    %dma_wait3A_930 = tpu.memref_squeeze %dma_wait3A_929 : memref<1x!tpu.dma_semaphore, #tpu.memory_space<semaphore_mem>> -> memref<!tpu.dma_semaphore, #tpu.memory_space<semaphore_mem>>
    tpu.wait_indirect_dma semaphore(%dma_wait3A_930 : memref<!tpu.dma_semaphore, #tpu.memory_space<semaphore_mem>>) src(%dma_wait3A_928 : memref<100000x128xf32, #tpu.memory_space<hbm>>) dst(%dma_wait3A_923 : memref<128x128xf32, #tpu.memory_space<vmem>>)
    %dma_wait3A_931 = arith.constant 2 : i32
    %dma_wait3A_932 = arith.constant 2 : i32
    %dma_wait3A_933 = arith.constant 0 : i32
    %dma_wait3A_934 = arith.constant 0 : i32
    %dma_wait3A_935 = tpu.memref_slice %arg19[%dma_wait3A_931, %dma_wait3A_933, %dma_wait3A_934] : memref<3x256x128xf32, #tpu.memory_space<vmem>> -> memref<1x256x128xf32, #tpu.memory_space<vmem>>
    %dma_wait3A_936 = tpu.memref_squeeze %dma_wait3A_935 : memref<1x256x128xf32, #tpu.memory_space<vmem>> -> memref<256x128xf32, #tpu.memory_space<vmem>>
    %dma_wait3A_937 = arith.constant 128 : i32
    %dma_wait3A_938 = arith.constant 0 : i32
    %dma_wait3A_939 = tpu.memref_slice %dma_wait3A_936[%dma_wait3A_937, %dma_wait3A_938] : memref<256x128xf32, #tpu.memory_space<vmem>> -> memref<128x128xf32, #tpu.memory_space<vmem>>
    %dma_wait3A_940 = arith.constant 384 : i32
    %dma_wait3A_941 = tpu.memref_slice %arg18[%dma_wait3A_940] : memref<512xi32, #tpu.memory_space<vmem>> -> memref<128xi32, #tpu.memory_space<vmem>>
    %dma_wait3A_942 = arith.constant 0 : i32
    %dma_wait3A_943 = arith.constant 0 : i32
    %dma_wait3A_944 = tpu.memref_slice %arg5[%dma_wait3A_942, %dma_wait3A_943] : memref<100000x128xf32, #tpu.memory_space<hbm>> -> memref<100000x128xf32, #tpu.memory_space<hbm>>
    %dma_wait3A_945 = tpu.memref_slice %arg20[%dma_wait3A_932] : memref<3x!tpu.dma_semaphore, #tpu.memory_space<semaphore_mem>> -> memref<1x!tpu.dma_semaphore, #tpu.memory_space<semaphore_mem>>
    %dma_wait3A_946 = tpu.memref_squeeze %dma_wait3A_945 : memref<1x!tpu.dma_semaphore, #tpu.memory_space<semaphore_mem>> -> memref<!tpu.dma_semaphore, #tpu.memory_space<semaphore_mem>>
    tpu.wait_indirect_dma semaphore(%dma_wait3A_946 : memref<!tpu.dma_semaphore, #tpu.memory_space<semaphore_mem>>) src(%dma_wait3A_944 : memref<100000x128xf32, #tpu.memory_space<hbm>>) dst(%dma_wait3A_939 : memref<128x128xf32, #tpu.memory_space<vmem>>)
    %mul3A_947 = arith.constant 512 : i32
    %mul3A_948 = arith.muli %add3A, %mul3A_947 : i32
    %add3A_949 = arith.constant 256 : i32
    %add3A_950 = arith.addi %mul3A_948, %add3A_949 : i32
    %dma_start3A_951 = arith.constant 2 : i32
    %dma_start3A_952 = arith.constant 2 : i32
    %dma_start3A_953 = arith.constant 0 : i32
    %dma_start3A_954 = arith.constant 0 : i32
    %dma_start3A_955 = tpu.memref_slice %arg19[%dma_start3A_951, %dma_start3A_953, %dma_start3A_954] : memref<3x256x128xf32, #tpu.memory_space<vmem>> -> memref<1x256x128xf32, #tpu.memory_space<vmem>>
    %dma_start3A_956 = tpu.memref_squeeze %dma_start3A_955 : memref<1x256x128xf32, #tpu.memory_space<vmem>> -> memref<256x128xf32, #tpu.memory_space<vmem>>
    %dma_start3A_957 = arith.constant 0 : i32
    %dma_start3A_958 = tpu.memref_slice %arg8[%add3A_950, %dma_start3A_957] : memref<16384x128xf32, #tpu.memory_space<hbm>> -> memref<256x128xf32, #tpu.memory_space<hbm>>
    %dma_start3A_959 = tpu.memref_slice %arg21[%dma_start3A_952] : memref<3x!tpu.dma_semaphore, #tpu.memory_space<semaphore_mem>> -> memref<1x!tpu.dma_semaphore, #tpu.memory_space<semaphore_mem>>
    %dma_start3A_960 = tpu.memref_squeeze %dma_start3A_959 : memref<1x!tpu.dma_semaphore, #tpu.memory_space<semaphore_mem>> -> memref<!tpu.dma_semaphore, #tpu.memory_space<semaphore_mem>>
    %dma_start3A_961 = arith.constant 0 : i32
    %dma_start3A_962 = tpu.memref_slice %arg8[%add3A_950, %dma_start3A_961] : memref<16384x128xf32, #tpu.memory_space<hbm>> -> memref<256x128xf32, #tpu.memory_space<hbm>>
    %dma_start3A_963 = arith.constant 0 : i32
    %dma_start3A_964 = arith.constant 0 : i32
    %dma_start3A_965 = tpu.memref_slice %arg19[%dma_start3A_951, %dma_start3A_963, %dma_start3A_964] : memref<3x256x128xf32, #tpu.memory_space<vmem>> -> memref<1x256x128xf32, #tpu.memory_space<vmem>>
    %dma_start3A_966 = tpu.memref_squeeze %dma_start3A_965 : memref<1x256x128xf32, #tpu.memory_space<vmem>> -> memref<256x128xf32, #tpu.memory_space<vmem>>
    tpu.enqueue_dma source(%dma_start3A_966 : memref<256x128xf32, #tpu.memory_space<vmem>>) target(%dma_start3A_962 : memref<256x128xf32, #tpu.memory_space<hbm>>) target_semaphore(%dma_start3A_960 : memref<!tpu.dma_semaphore, #tpu.memory_space<semaphore_mem>>)
    %dma_start3A_967 = arith.constant 2 : i32
    %dma_start3A_968 = arith.constant 2 : i32
    %dma_start3A_969 = arith.constant 0 : i32
    %dma_start3A_970 = arith.constant 0 : i32
    %dma_start3A_971 = tpu.memref_slice %arg19[%dma_start3A_967, %dma_start3A_969, %dma_start3A_970] : memref<3x256x128xf32, #tpu.memory_space<vmem>> -> memref<1x256x128xf32, #tpu.memory_space<vmem>>
    %dma_start3A_972 = tpu.memref_squeeze %dma_start3A_971 : memref<1x256x128xf32, #tpu.memory_space<vmem>> -> memref<256x128xf32, #tpu.memory_space<vmem>>
    %dma_start3A_973 = arith.constant 0 : i32
    %dma_start3A_974 = tpu.memref_slice %arg11[%add3A_950, %dma_start3A_973] : memref<16384x128xf32, #tpu.memory_space<hbm>> -> memref<256x128xf32, #tpu.memory_space<hbm>>
    %dma_start3A_975 = tpu.memref_slice %arg21[%dma_start3A_968] : memref<3x!tpu.dma_semaphore, #tpu.memory_space<semaphore_mem>> -> memref<1x!tpu.dma_semaphore, #tpu.memory_space<semaphore_mem>>
    %dma_start3A_976 = tpu.memref_squeeze %dma_start3A_975 : memref<1x!tpu.dma_semaphore, #tpu.memory_space<semaphore_mem>> -> memref<!tpu.dma_semaphore, #tpu.memory_space<semaphore_mem>>
    %dma_start3A_977 = arith.constant 0 : i32
    %dma_start3A_978 = tpu.memref_slice %arg11[%add3A_950, %dma_start3A_977] : memref<16384x128xf32, #tpu.memory_space<hbm>> -> memref<256x128xf32, #tpu.memory_space<hbm>>
    %dma_start3A_979 = arith.constant 0 : i32
    %dma_start3A_980 = arith.constant 0 : i32
    %dma_start3A_981 = tpu.memref_slice %arg19[%dma_start3A_967, %dma_start3A_979, %dma_start3A_980] : memref<3x256x128xf32, #tpu.memory_space<vmem>> -> memref<1x256x128xf32, #tpu.memory_space<vmem>>
    %dma_start3A_982 = tpu.memref_squeeze %dma_start3A_981 : memref<1x256x128xf32, #tpu.memory_space<vmem>> -> memref<256x128xf32, #tpu.memory_space<vmem>>
    tpu.enqueue_dma source(%dma_start3A_982 : memref<256x128xf32, #tpu.memory_space<vmem>>) target(%dma_start3A_978 : memref<256x128xf32, #tpu.memory_space<hbm>>) target_semaphore(%dma_start3A_976 : memref<!tpu.dma_semaphore, #tpu.memory_space<semaphore_mem>>)
    %dma_start3A_983 = arith.constant 2 : i32
    %dma_start3A_984 = arith.constant 2 : i32
    %dma_start3A_985 = arith.constant 0 : i32
    %dma_start3A_986 = arith.constant 0 : i32
    %dma_start3A_987 = tpu.memref_slice %arg19[%dma_start3A_983, %dma_start3A_985, %dma_start3A_986] : memref<3x256x128xf32, #tpu.memory_space<vmem>> -> memref<1x256x128xf32, #tpu.memory_space<vmem>>
    %dma_start3A_988 = tpu.memref_squeeze %dma_start3A_987 : memref<1x256x128xf32, #tpu.memory_space<vmem>> -> memref<256x128xf32, #tpu.memory_space<vmem>>
    %dma_start3A_989 = arith.constant 0 : i32
    %dma_start3A_990 = tpu.memref_slice %arg14[%add3A_950, %dma_start3A_989] : memref<16384x128xf32, #tpu.memory_space<hbm>> -> memref<256x128xf32, #tpu.memory_space<hbm>>
    %dma_start3A_991 = tpu.memref_slice %arg21[%dma_start3A_984] : memref<3x!tpu.dma_semaphore, #tpu.memory_space<semaphore_mem>> -> memref<1x!tpu.dma_semaphore, #tpu.memory_space<semaphore_mem>>
    %dma_start3A_992 = tpu.memref_squeeze %dma_start3A_991 : memref<1x!tpu.dma_semaphore, #tpu.memory_space<semaphore_mem>> -> memref<!tpu.dma_semaphore, #tpu.memory_space<semaphore_mem>>
    %dma_start3A_993 = arith.constant 0 : i32
    %dma_start3A_994 = tpu.memref_slice %arg14[%add3A_950, %dma_start3A_993] : memref<16384x128xf32, #tpu.memory_space<hbm>> -> memref<256x128xf32, #tpu.memory_space<hbm>>
    %dma_start3A_995 = arith.constant 0 : i32
    %dma_start3A_996 = arith.constant 0 : i32
    %dma_start3A_997 = tpu.memref_slice %arg19[%dma_start3A_983, %dma_start3A_995, %dma_start3A_996] : memref<3x256x128xf32, #tpu.memory_space<vmem>> -> memref<1x256x128xf32, #tpu.memory_space<vmem>>
    %dma_start3A_998 = tpu.memref_squeeze %dma_start3A_997 : memref<1x256x128xf32, #tpu.memory_space<vmem>> -> memref<256x128xf32, #tpu.memory_space<vmem>>
    tpu.enqueue_dma source(%dma_start3A_998 : memref<256x128xf32, #tpu.memory_space<vmem>>) target(%dma_start3A_994 : memref<256x128xf32, #tpu.memory_space<hbm>>) target_semaphore(%dma_start3A_992 : memref<!tpu.dma_semaphore, #tpu.memory_space<semaphore_mem>>)
    %dma_start3A_999 = arith.constant 2 : i32
    %dma_start3A_1000 = arith.constant 2 : i32
    %dma_start3A_1001 = arith.constant 0 : i32
    %dma_start3A_1002 = arith.constant 0 : i32
    %dma_start3A_1003 = tpu.memref_slice %arg19[%dma_start3A_999, %dma_start3A_1001, %dma_start3A_1002] : memref<3x256x128xf32, #tpu.memory_space<vmem>> -> memref<1x256x128xf32, #tpu.memory_space<vmem>>
    %dma_start3A_1004 = tpu.memref_squeeze %dma_start3A_1003 : memref<1x256x128xf32, #tpu.memory_space<vmem>> -> memref<256x128xf32, #tpu.memory_space<vmem>>
    %dma_start3A_1005 = arith.constant 0 : i32
    %dma_start3A_1006 = tpu.memref_slice %arg17[%add3A_950, %dma_start3A_1005] : memref<16384x128xf32, #tpu.memory_space<hbm>> -> memref<256x128xf32, #tpu.memory_space<hbm>>
    %dma_start3A_1007 = tpu.memref_slice %arg21[%dma_start3A_1000] : memref<3x!tpu.dma_semaphore, #tpu.memory_space<semaphore_mem>> -> memref<1x!tpu.dma_semaphore, #tpu.memory_space<semaphore_mem>>
    %dma_start3A_1008 = tpu.memref_squeeze %dma_start3A_1007 : memref<1x!tpu.dma_semaphore, #tpu.memory_space<semaphore_mem>> -> memref<!tpu.dma_semaphore, #tpu.memory_space<semaphore_mem>>
    %dma_start3A_1009 = arith.constant 0 : i32
    %dma_start3A_1010 = tpu.memref_slice %arg17[%add3A_950, %dma_start3A_1009] : memref<16384x128xf32, #tpu.memory_space<hbm>> -> memref<256x128xf32, #tpu.memory_space<hbm>>
    %dma_start3A_1011 = arith.constant 0 : i32
    %dma_start3A_1012 = arith.constant 0 : i32
    %dma_start3A_1013 = tpu.memref_slice %arg19[%dma_start3A_999, %dma_start3A_1011, %dma_start3A_1012] : memref<3x256x128xf32, #tpu.memory_space<vmem>> -> memref<1x256x128xf32, #tpu.memory_space<vmem>>
    %dma_start3A_1014 = tpu.memref_squeeze %dma_start3A_1013 : memref<1x256x128xf32, #tpu.memory_space<vmem>> -> memref<256x128xf32, #tpu.memory_space<vmem>>
    tpu.enqueue_dma source(%dma_start3A_1014 : memref<256x128xf32, #tpu.memory_space<vmem>>) target(%dma_start3A_1010 : memref<256x128xf32, #tpu.memory_space<hbm>>) target_semaphore(%dma_start3A_1008 : memref<!tpu.dma_semaphore, #tpu.memory_space<semaphore_mem>>)
    %dma_wait3A_1015 = arith.constant 0 : i32
    %dma_wait3A_1016 = arith.constant 0 : i32
    %dma_wait3A_1017 = arith.constant 0 : i32
    %dma_wait3A_1018 = arith.constant 0 : i32
    %dma_wait3A_1019 = tpu.memref_slice %arg19[%dma_wait3A_1015, %dma_wait3A_1017, %dma_wait3A_1018] : memref<3x256x128xf32, #tpu.memory_space<vmem>> -> memref<1x256x128xf32, #tpu.memory_space<vmem>>
    %dma_wait3A_1020 = tpu.memref_squeeze %dma_wait3A_1019 : memref<1x256x128xf32, #tpu.memory_space<vmem>> -> memref<256x128xf32, #tpu.memory_space<vmem>>
    %dma_wait3A_1021 = arith.constant 0 : i32
    %dma_wait3A_1022 = tpu.memref_slice %arg6[%add3A_654, %dma_wait3A_1021] : memref<16384x128xf32, #tpu.memory_space<hbm>> -> memref<256x128xf32, #tpu.memory_space<hbm>>
    %dma_wait3A_1023 = tpu.memref_slice %arg21[%dma_wait3A_1016] : memref<3x!tpu.dma_semaphore, #tpu.memory_space<semaphore_mem>> -> memref<1x!tpu.dma_semaphore, #tpu.memory_space<semaphore_mem>>
    %dma_wait3A_1024 = tpu.memref_squeeze %dma_wait3A_1023 : memref<1x!tpu.dma_semaphore, #tpu.memory_space<semaphore_mem>> -> memref<!tpu.dma_semaphore, #tpu.memory_space<semaphore_mem>>
    %dma_wait3A_1025 = arith.constant 0 : i32
    %dma_wait3A_1026 = tpu.memref_slice %arg6[%add3A_654, %dma_wait3A_1025] : memref<16384x128xf32, #tpu.memory_space<hbm>> -> memref<256x128xf32, #tpu.memory_space<hbm>>
    %dma_wait3A_1027 = arith.constant 0 : i32
    %dma_wait3A_1028 = arith.constant 0 : i32
    %dma_wait3A_1029 = tpu.memref_slice %arg19[%dma_wait3A_1015, %dma_wait3A_1027, %dma_wait3A_1028] : memref<3x256x128xf32, #tpu.memory_space<vmem>> -> memref<1x256x128xf32, #tpu.memory_space<vmem>>
    %dma_wait3A_1030 = tpu.memref_squeeze %dma_wait3A_1029 : memref<1x256x128xf32, #tpu.memory_space<vmem>> -> memref<256x128xf32, #tpu.memory_space<vmem>>
    tpu.wait_dma2 semaphore(%dma_wait3A_1024 : memref<!tpu.dma_semaphore, #tpu.memory_space<semaphore_mem>>) src(%dma_wait3A_1030 : memref<256x128xf32, #tpu.memory_space<vmem>>) dst(%dma_wait3A_1026 : memref<256x128xf32, #tpu.memory_space<hbm>>)
    %dma_wait3A_1031 = arith.constant 0 : i32
    %dma_wait3A_1032 = arith.constant 0 : i32
    %dma_wait3A_1033 = arith.constant 0 : i32
    %dma_wait3A_1034 = arith.constant 0 : i32
    %dma_wait3A_1035 = tpu.memref_slice %arg19[%dma_wait3A_1031, %dma_wait3A_1033, %dma_wait3A_1034] : memref<3x256x128xf32, #tpu.memory_space<vmem>> -> memref<1x256x128xf32, #tpu.memory_space<vmem>>
    %dma_wait3A_1036 = tpu.memref_squeeze %dma_wait3A_1035 : memref<1x256x128xf32, #tpu.memory_space<vmem>> -> memref<256x128xf32, #tpu.memory_space<vmem>>
    %dma_wait3A_1037 = arith.constant 0 : i32
    %dma_wait3A_1038 = tpu.memref_slice %arg9[%add3A_654, %dma_wait3A_1037] : memref<16384x128xf32, #tpu.memory_space<hbm>> -> memref<256x128xf32, #tpu.memory_space<hbm>>
    %dma_wait3A_1039 = tpu.memref_slice %arg21[%dma_wait3A_1032] : memref<3x!tpu.dma_semaphore, #tpu.memory_space<semaphore_mem>> -> memref<1x!tpu.dma_semaphore, #tpu.memory_space<semaphore_mem>>
    %dma_wait3A_1040 = tpu.memref_squeeze %dma_wait3A_1039 : memref<1x!tpu.dma_semaphore, #tpu.memory_space<semaphore_mem>> -> memref<!tpu.dma_semaphore, #tpu.memory_space<semaphore_mem>>
    %dma_wait3A_1041 = arith.constant 0 : i32
    %dma_wait3A_1042 = tpu.memref_slice %arg9[%add3A_654, %dma_wait3A_1041] : memref<16384x128xf32, #tpu.memory_space<hbm>> -> memref<256x128xf32, #tpu.memory_space<hbm>>
    %dma_wait3A_1043 = arith.constant 0 : i32
    %dma_wait3A_1044 = arith.constant 0 : i32
    %dma_wait3A_1045 = tpu.memref_slice %arg19[%dma_wait3A_1031, %dma_wait3A_1043, %dma_wait3A_1044] : memref<3x256x128xf32, #tpu.memory_space<vmem>> -> memref<1x256x128xf32, #tpu.memory_space<vmem>>
    %dma_wait3A_1046 = tpu.memref_squeeze %dma_wait3A_1045 : memref<1x256x128xf32, #tpu.memory_space<vmem>> -> memref<256x128xf32, #tpu.memory_space<vmem>>
    tpu.wait_dma2 semaphore(%dma_wait3A_1040 : memref<!tpu.dma_semaphore, #tpu.memory_space<semaphore_mem>>) src(%dma_wait3A_1046 : memref<256x128xf32, #tpu.memory_space<vmem>>) dst(%dma_wait3A_1042 : memref<256x128xf32, #tpu.memory_space<hbm>>)
    %dma_wait3A_1047 = arith.constant 0 : i32
    %dma_wait3A_1048 = arith.constant 0 : i32
    %dma_wait3A_1049 = arith.constant 0 : i32
    %dma_wait3A_1050 = arith.constant 0 : i32
    %dma_wait3A_1051 = tpu.memref_slice %arg19[%dma_wait3A_1047, %dma_wait3A_1049, %dma_wait3A_1050] : memref<3x256x128xf32, #tpu.memory_space<vmem>> -> memref<1x256x128xf32, #tpu.memory_space<vmem>>
    %dma_wait3A_1052 = tpu.memref_squeeze %dma_wait3A_1051 : memref<1x256x128xf32, #tpu.memory_space<vmem>> -> memref<256x128xf32, #tpu.memory_space<vmem>>
    %dma_wait3A_1053 = arith.constant 0 : i32
    %dma_wait3A_1054 = tpu.memref_slice %arg12[%add3A_654, %dma_wait3A_1053] : memref<16384x128xf32, #tpu.memory_space<hbm>> -> memref<256x128xf32, #tpu.memory_space<hbm>>
    %dma_wait3A_1055 = tpu.memref_slice %arg21[%dma_wait3A_1048] : memref<3x!tpu.dma_semaphore, #tpu.memory_space<semaphore_mem>> -> memref<1x!tpu.dma_semaphore, #tpu.memory_space<semaphore_mem>>
    %dma_wait3A_1056 = tpu.memref_squeeze %dma_wait3A_1055 : memref<1x!tpu.dma_semaphore, #tpu.memory_space<semaphore_mem>> -> memref<!tpu.dma_semaphore, #tpu.memory_space<semaphore_mem>>
    %dma_wait3A_1057 = arith.constant 0 : i32
    %dma_wait3A_1058 = tpu.memref_slice %arg12[%add3A_654, %dma_wait3A_1057] : memref<16384x128xf32, #tpu.memory_space<hbm>> -> memref<256x128xf32, #tpu.memory_space<hbm>>
    %dma_wait3A_1059 = arith.constant 0 : i32
    %dma_wait3A_1060 = arith.constant 0 : i32
    %dma_wait3A_1061 = tpu.memref_slice %arg19[%dma_wait3A_1047, %dma_wait3A_1059, %dma_wait3A_1060] : memref<3x256x128xf32, #tpu.memory_space<vmem>> -> memref<1x256x128xf32, #tpu.memory_space<vmem>>
    %dma_wait3A_1062 = tpu.memref_squeeze %dma_wait3A_1061 : memref<1x256x128xf32, #tpu.memory_space<vmem>> -> memref<256x128xf32, #tpu.memory_space<vmem>>
    tpu.wait_dma2 semaphore(%dma_wait3A_1056 : memref<!tpu.dma_semaphore, #tpu.memory_space<semaphore_mem>>) src(%dma_wait3A_1062 : memref<256x128xf32, #tpu.memory_space<vmem>>) dst(%dma_wait3A_1058 : memref<256x128xf32, #tpu.memory_space<hbm>>)
    %dma_wait3A_1063 = arith.constant 0 : i32
    %dma_wait3A_1064 = arith.constant 0 : i32
    %dma_wait3A_1065 = arith.constant 0 : i32
    %dma_wait3A_1066 = arith.constant 0 : i32
    %dma_wait3A_1067 = tpu.memref_slice %arg19[%dma_wait3A_1063, %dma_wait3A_1065, %dma_wait3A_1066] : memref<3x256x128xf32, #tpu.memory_space<vmem>> -> memref<1x256x128xf32, #tpu.memory_space<vmem>>
    %dma_wait3A_1068 = tpu.memref_squeeze %dma_wait3A_1067 : memref<1x256x128xf32, #tpu.memory_space<vmem>> -> memref<256x128xf32, #tpu.memory_space<vmem>>
    %dma_wait3A_1069 = arith.constant 0 : i32
    %dma_wait3A_1070 = tpu.memref_slice %arg15[%add3A_654, %dma_wait3A_1069] : memref<16384x128xf32, #tpu.memory_space<hbm>> -> memref<256x128xf32, #tpu.memory_space<hbm>>
    %dma_wait3A_1071 = tpu.memref_slice %arg21[%dma_wait3A_1064] : memref<3x!tpu.dma_semaphore, #tpu.memory_space<semaphore_mem>> -> memref<1x!tpu.dma_semaphore, #tpu.memory_space<semaphore_mem>>
    %dma_wait3A_1072 = tpu.memref_squeeze %dma_wait3A_1071 : memref<1x!tpu.dma_semaphore, #tpu.memory_space<semaphore_mem>> -> memref<!tpu.dma_semaphore, #tpu.memory_space<semaphore_mem>>
    %dma_wait3A_1073 = arith.constant 0 : i32
    %dma_wait3A_1074 = tpu.memref_slice %arg15[%add3A_654, %dma_wait3A_1073] : memref<16384x128xf32, #tpu.memory_space<hbm>> -> memref<256x128xf32, #tpu.memory_space<hbm>>
    %dma_wait3A_1075 = arith.constant 0 : i32
    %dma_wait3A_1076 = arith.constant 0 : i32
    %dma_wait3A_1077 = tpu.memref_slice %arg19[%dma_wait3A_1063, %dma_wait3A_1075, %dma_wait3A_1076] : memref<3x256x128xf32, #tpu.memory_space<vmem>> -> memref<1x256x128xf32, #tpu.memory_space<vmem>>
    %dma_wait3A_1078 = tpu.memref_squeeze %dma_wait3A_1077 : memref<1x256x128xf32, #tpu.memory_space<vmem>> -> memref<256x128xf32, #tpu.memory_space<vmem>>
    tpu.wait_dma2 semaphore(%dma_wait3A_1072 : memref<!tpu.dma_semaphore, #tpu.memory_space<semaphore_mem>>) src(%dma_wait3A_1078 : memref<256x128xf32, #tpu.memory_space<vmem>>) dst(%dma_wait3A_1074 : memref<256x128xf32, #tpu.memory_space<hbm>>)
    %dma_wait3A_1079 = arith.constant 1 : i32
    %dma_wait3A_1080 = arith.constant 1 : i32
    %dma_wait3A_1081 = arith.constant 0 : i32
    %dma_wait3A_1082 = arith.constant 0 : i32
    %dma_wait3A_1083 = tpu.memref_slice %arg19[%dma_wait3A_1079, %dma_wait3A_1081, %dma_wait3A_1082] : memref<3x256x128xf32, #tpu.memory_space<vmem>> -> memref<1x256x128xf32, #tpu.memory_space<vmem>>
    %dma_wait3A_1084 = tpu.memref_squeeze %dma_wait3A_1083 : memref<1x256x128xf32, #tpu.memory_space<vmem>> -> memref<256x128xf32, #tpu.memory_space<vmem>>
    %dma_wait3A_1085 = arith.constant 0 : i32
    %dma_wait3A_1086 = tpu.memref_slice %arg7[%add3A_850, %dma_wait3A_1085] : memref<16384x128xf32, #tpu.memory_space<hbm>> -> memref<256x128xf32, #tpu.memory_space<hbm>>
    %dma_wait3A_1087 = tpu.memref_slice %arg21[%dma_wait3A_1080] : memref<3x!tpu.dma_semaphore, #tpu.memory_space<semaphore_mem>> -> memref<1x!tpu.dma_semaphore, #tpu.memory_space<semaphore_mem>>
    %dma_wait3A_1088 = tpu.memref_squeeze %dma_wait3A_1087 : memref<1x!tpu.dma_semaphore, #tpu.memory_space<semaphore_mem>> -> memref<!tpu.dma_semaphore, #tpu.memory_space<semaphore_mem>>
    %dma_wait3A_1089 = arith.constant 0 : i32
    %dma_wait3A_1090 = tpu.memref_slice %arg7[%add3A_850, %dma_wait3A_1089] : memref<16384x128xf32, #tpu.memory_space<hbm>> -> memref<256x128xf32, #tpu.memory_space<hbm>>
    %dma_wait3A_1091 = arith.constant 0 : i32
    %dma_wait3A_1092 = arith.constant 0 : i32
    %dma_wait3A_1093 = tpu.memref_slice %arg19[%dma_wait3A_1079, %dma_wait3A_1091, %dma_wait3A_1092] : memref<3x256x128xf32, #tpu.memory_space<vmem>> -> memref<1x256x128xf32, #tpu.memory_space<vmem>>
    %dma_wait3A_1094 = tpu.memref_squeeze %dma_wait3A_1093 : memref<1x256x128xf32, #tpu.memory_space<vmem>> -> memref<256x128xf32, #tpu.memory_space<vmem>>
    tpu.wait_dma2 semaphore(%dma_wait3A_1088 : memref<!tpu.dma_semaphore, #tpu.memory_space<semaphore_mem>>) src(%dma_wait3A_1094 : memref<256x128xf32, #tpu.memory_space<vmem>>) dst(%dma_wait3A_1090 : memref<256x128xf32, #tpu.memory_space<hbm>>)
    %dma_wait3A_1095 = arith.constant 1 : i32
    %dma_wait3A_1096 = arith.constant 1 : i32
    %dma_wait3A_1097 = arith.constant 0 : i32
    %dma_wait3A_1098 = arith.constant 0 : i32
    %dma_wait3A_1099 = tpu.memref_slice %arg19[%dma_wait3A_1095, %dma_wait3A_1097, %dma_wait3A_1098] : memref<3x256x128xf32, #tpu.memory_space<vmem>> -> memref<1x256x128xf32, #tpu.memory_space<vmem>>
    %dma_wait3A_1100 = tpu.memref_squeeze %dma_wait3A_1099 : memref<1x256x128xf32, #tpu.memory_space<vmem>> -> memref<256x128xf32, #tpu.memory_space<vmem>>
    %dma_wait3A_1101 = arith.constant 0 : i32
    %dma_wait3A_1102 = tpu.memref_slice %arg10[%add3A_850, %dma_wait3A_1101] : memref<16384x128xf32, #tpu.memory_space<hbm>> -> memref<256x128xf32, #tpu.memory_space<hbm>>
    %dma_wait3A_1103 = tpu.memref_slice %arg21[%dma_wait3A_1096] : memref<3x!tpu.dma_semaphore, #tpu.memory_space<semaphore_mem>> -> memref<1x!tpu.dma_semaphore, #tpu.memory_space<semaphore_mem>>
    %dma_wait3A_1104 = tpu.memref_squeeze %dma_wait3A_1103 : memref<1x!tpu.dma_semaphore, #tpu.memory_space<semaphore_mem>> -> memref<!tpu.dma_semaphore, #tpu.memory_space<semaphore_mem>>
    %dma_wait3A_1105 = arith.constant 0 : i32
    %dma_wait3A_1106 = tpu.memref_slice %arg10[%add3A_850, %dma_wait3A_1105] : memref<16384x128xf32, #tpu.memory_space<hbm>> -> memref<256x128xf32, #tpu.memory_space<hbm>>
    %dma_wait3A_1107 = arith.constant 0 : i32
    %dma_wait3A_1108 = arith.constant 0 : i32
    %dma_wait3A_1109 = tpu.memref_slice %arg19[%dma_wait3A_1095, %dma_wait3A_1107, %dma_wait3A_1108] : memref<3x256x128xf32, #tpu.memory_space<vmem>> -> memref<1x256x128xf32, #tpu.memory_space<vmem>>
    %dma_wait3A_1110 = tpu.memref_squeeze %dma_wait3A_1109 : memref<1x256x128xf32, #tpu.memory_space<vmem>> -> memref<256x128xf32, #tpu.memory_space<vmem>>
    tpu.wait_dma2 semaphore(%dma_wait3A_1104 : memref<!tpu.dma_semaphore, #tpu.memory_space<semaphore_mem>>) src(%dma_wait3A_1110 : memref<256x128xf32, #tpu.memory_space<vmem>>) dst(%dma_wait3A_1106 : memref<256x128xf32, #tpu.memory_space<hbm>>)
    %dma_wait3A_1111 = arith.constant 1 : i32
    %dma_wait3A_1112 = arith.constant 1 : i32
    %dma_wait3A_1113 = arith.constant 0 : i32
    %dma_wait3A_1114 = arith.constant 0 : i32
    %dma_wait3A_1115 = tpu.memref_slice %arg19[%dma_wait3A_1111, %dma_wait3A_1113, %dma_wait3A_1114] : memref<3x256x128xf32, #tpu.memory_space<vmem>> -> memref<1x256x128xf32, #tpu.memory_space<vmem>>
    %dma_wait3A_1116 = tpu.memref_squeeze %dma_wait3A_1115 : memref<1x256x128xf32, #tpu.memory_space<vmem>> -> memref<256x128xf32, #tpu.memory_space<vmem>>
    %dma_wait3A_1117 = arith.constant 0 : i32
    %dma_wait3A_1118 = tpu.memref_slice %arg13[%add3A_850, %dma_wait3A_1117] : memref<16384x128xf32, #tpu.memory_space<hbm>> -> memref<256x128xf32, #tpu.memory_space<hbm>>
    %dma_wait3A_1119 = tpu.memref_slice %arg21[%dma_wait3A_1112] : memref<3x!tpu.dma_semaphore, #tpu.memory_space<semaphore_mem>> -> memref<1x!tpu.dma_semaphore, #tpu.memory_space<semaphore_mem>>
    %dma_wait3A_1120 = tpu.memref_squeeze %dma_wait3A_1119 : memref<1x!tpu.dma_semaphore, #tpu.memory_space<semaphore_mem>> -> memref<!tpu.dma_semaphore, #tpu.memory_space<semaphore_mem>>
    %dma_wait3A_1121 = arith.constant 0 : i32
    %dma_wait3A_1122 = tpu.memref_slice %arg13[%add3A_850, %dma_wait3A_1121] : memref<16384x128xf32, #tpu.memory_space<hbm>> -> memref<256x128xf32, #tpu.memory_space<hbm>>
    %dma_wait3A_1123 = arith.constant 0 : i32
    %dma_wait3A_1124 = arith.constant 0 : i32
    %dma_wait3A_1125 = tpu.memref_slice %arg19[%dma_wait3A_1111, %dma_wait3A_1123, %dma_wait3A_1124] : memref<3x256x128xf32, #tpu.memory_space<vmem>> -> memref<1x256x128xf32, #tpu.memory_space<vmem>>
    %dma_wait3A_1126 = tpu.memref_squeeze %dma_wait3A_1125 : memref<1x256x128xf32, #tpu.memory_space<vmem>> -> memref<256x128xf32, #tpu.memory_space<vmem>>
    tpu.wait_dma2 semaphore(%dma_wait3A_1120 : memref<!tpu.dma_semaphore, #tpu.memory_space<semaphore_mem>>) src(%dma_wait3A_1126 : memref<256x128xf32, #tpu.memory_space<vmem>>) dst(%dma_wait3A_1122 : memref<256x128xf32, #tpu.memory_space<hbm>>)
    %dma_wait3A_1127 = arith.constant 1 : i32
    %dma_wait3A_1128 = arith.constant 1 : i32
    %dma_wait3A_1129 = arith.constant 0 : i32
    %dma_wait3A_1130 = arith.constant 0 : i32
    %dma_wait3A_1131 = tpu.memref_slice %arg19[%dma_wait3A_1127, %dma_wait3A_1129, %dma_wait3A_1130] : memref<3x256x128xf32, #tpu.memory_space<vmem>> -> memref<1x256x128xf32, #tpu.memory_space<vmem>>
    %dma_wait3A_1132 = tpu.memref_squeeze %dma_wait3A_1131 : memref<1x256x128xf32, #tpu.memory_space<vmem>> -> memref<256x128xf32, #tpu.memory_space<vmem>>
    %dma_wait3A_1133 = arith.constant 0 : i32
    %dma_wait3A_1134 = tpu.memref_slice %arg16[%add3A_850, %dma_wait3A_1133] : memref<16384x128xf32, #tpu.memory_space<hbm>> -> memref<256x128xf32, #tpu.memory_space<hbm>>
    %dma_wait3A_1135 = tpu.memref_slice %arg21[%dma_wait3A_1128] : memref<3x!tpu.dma_semaphore, #tpu.memory_space<semaphore_mem>> -> memref<1x!tpu.dma_semaphore, #tpu.memory_space<semaphore_mem>>
    %dma_wait3A_1136 = tpu.memref_squeeze %dma_wait3A_1135 : memref<1x!tpu.dma_semaphore, #tpu.memory_space<semaphore_mem>> -> memref<!tpu.dma_semaphore, #tpu.memory_space<semaphore_mem>>
    %dma_wait3A_1137 = arith.constant 0 : i32
    %dma_wait3A_1138 = tpu.memref_slice %arg16[%add3A_850, %dma_wait3A_1137] : memref<16384x128xf32, #tpu.memory_space<hbm>> -> memref<256x128xf32, #tpu.memory_space<hbm>>
    %dma_wait3A_1139 = arith.constant 0 : i32
    %dma_wait3A_1140 = arith.constant 0 : i32
    %dma_wait3A_1141 = tpu.memref_slice %arg19[%dma_wait3A_1127, %dma_wait3A_1139, %dma_wait3A_1140] : memref<3x256x128xf32, #tpu.memory_space<vmem>> -> memref<1x256x128xf32, #tpu.memory_space<vmem>>
    %dma_wait3A_1142 = tpu.memref_squeeze %dma_wait3A_1141 : memref<1x256x128xf32, #tpu.memory_space<vmem>> -> memref<256x128xf32, #tpu.memory_space<vmem>>
    tpu.wait_dma2 semaphore(%dma_wait3A_1136 : memref<!tpu.dma_semaphore, #tpu.memory_space<semaphore_mem>>) src(%dma_wait3A_1142 : memref<256x128xf32, #tpu.memory_space<vmem>>) dst(%dma_wait3A_1138 : memref<256x128xf32, #tpu.memory_space<hbm>>)
    %dma_wait3A_1143 = arith.constant 2 : i32
    %dma_wait3A_1144 = arith.constant 2 : i32
    %dma_wait3A_1145 = arith.constant 0 : i32
    %dma_wait3A_1146 = arith.constant 0 : i32
    %dma_wait3A_1147 = tpu.memref_slice %arg19[%dma_wait3A_1143, %dma_wait3A_1145, %dma_wait3A_1146] : memref<3x256x128xf32, #tpu.memory_space<vmem>> -> memref<1x256x128xf32, #tpu.memory_space<vmem>>
    %dma_wait3A_1148 = tpu.memref_squeeze %dma_wait3A_1147 : memref<1x256x128xf32, #tpu.memory_space<vmem>> -> memref<256x128xf32, #tpu.memory_space<vmem>>
    %dma_wait3A_1149 = arith.constant 0 : i32
    %dma_wait3A_1150 = tpu.memref_slice %arg8[%add3A_950, %dma_wait3A_1149] : memref<16384x128xf32, #tpu.memory_space<hbm>> -> memref<256x128xf32, #tpu.memory_space<hbm>>
    %dma_wait3A_1151 = tpu.memref_slice %arg21[%dma_wait3A_1144] : memref<3x!tpu.dma_semaphore, #tpu.memory_space<semaphore_mem>> -> memref<1x!tpu.dma_semaphore, #tpu.memory_space<semaphore_mem>>
    %dma_wait3A_1152 = tpu.memref_squeeze %dma_wait3A_1151 : memref<1x!tpu.dma_semaphore, #tpu.memory_space<semaphore_mem>> -> memref<!tpu.dma_semaphore, #tpu.memory_space<semaphore_mem>>
    %dma_wait3A_1153 = arith.constant 0 : i32
    %dma_wait3A_1154 = tpu.memref_slice %arg8[%add3A_950, %dma_wait3A_1153] : memref<16384x128xf32, #tpu.memory_space<hbm>> -> memref<256x128xf32, #tpu.memory_space<hbm>>
    %dma_wait3A_1155 = arith.constant 0 : i32
    %dma_wait3A_1156 = arith.constant 0 : i32
    %dma_wait3A_1157 = tpu.memref_slice %arg19[%dma_wait3A_1143, %dma_wait3A_1155, %dma_wait3A_1156] : memref<3x256x128xf32, #tpu.memory_space<vmem>> -> memref<1x256x128xf32, #tpu.memory_space<vmem>>
    %dma_wait3A_1158 = tpu.memref_squeeze %dma_wait3A_1157 : memref<1x256x128xf32, #tpu.memory_space<vmem>> -> memref<256x128xf32, #tpu.memory_space<vmem>>
    tpu.wait_dma2 semaphore(%dma_wait3A_1152 : memref<!tpu.dma_semaphore, #tpu.memory_space<semaphore_mem>>) src(%dma_wait3A_1158 : memref<256x128xf32, #tpu.memory_space<vmem>>) dst(%dma_wait3A_1154 : memref<256x128xf32, #tpu.memory_space<hbm>>)
    %dma_wait3A_1159 = arith.constant 2 : i32
    %dma_wait3A_1160 = arith.constant 2 : i32
    %dma_wait3A_1161 = arith.constant 0 : i32
    %dma_wait3A_1162 = arith.constant 0 : i32
    %dma_wait3A_1163 = tpu.memref_slice %arg19[%dma_wait3A_1159, %dma_wait3A_1161, %dma_wait3A_1162] : memref<3x256x128xf32, #tpu.memory_space<vmem>> -> memref<1x256x128xf32, #tpu.memory_space<vmem>>
    %dma_wait3A_1164 = tpu.memref_squeeze %dma_wait3A_1163 : memref<1x256x128xf32, #tpu.memory_space<vmem>> -> memref<256x128xf32, #tpu.memory_space<vmem>>
    %dma_wait3A_1165 = arith.constant 0 : i32
    %dma_wait3A_1166 = tpu.memref_slice %arg11[%add3A_950, %dma_wait3A_1165] : memref<16384x128xf32, #tpu.memory_space<hbm>> -> memref<256x128xf32, #tpu.memory_space<hbm>>
    %dma_wait3A_1167 = tpu.memref_slice %arg21[%dma_wait3A_1160] : memref<3x!tpu.dma_semaphore, #tpu.memory_space<semaphore_mem>> -> memref<1x!tpu.dma_semaphore, #tpu.memory_space<semaphore_mem>>
    %dma_wait3A_1168 = tpu.memref_squeeze %dma_wait3A_1167 : memref<1x!tpu.dma_semaphore, #tpu.memory_space<semaphore_mem>> -> memref<!tpu.dma_semaphore, #tpu.memory_space<semaphore_mem>>
    %dma_wait3A_1169 = arith.constant 0 : i32
    %dma_wait3A_1170 = tpu.memref_slice %arg11[%add3A_950, %dma_wait3A_1169] : memref<16384x128xf32, #tpu.memory_space<hbm>> -> memref<256x128xf32, #tpu.memory_space<hbm>>
    %dma_wait3A_1171 = arith.constant 0 : i32
    %dma_wait3A_1172 = arith.constant 0 : i32
    %dma_wait3A_1173 = tpu.memref_slice %arg19[%dma_wait3A_1159, %dma_wait3A_1171, %dma_wait3A_1172] : memref<3x256x128xf32, #tpu.memory_space<vmem>> -> memref<1x256x128xf32, #tpu.memory_space<vmem>>
    %dma_wait3A_1174 = tpu.memref_squeeze %dma_wait3A_1173 : memref<1x256x128xf32, #tpu.memory_space<vmem>> -> memref<256x128xf32, #tpu.memory_space<vmem>>
    tpu.wait_dma2 semaphore(%dma_wait3A_1168 : memref<!tpu.dma_semaphore, #tpu.memory_space<semaphore_mem>>) src(%dma_wait3A_1174 : memref<256x128xf32, #tpu.memory_space<vmem>>) dst(%dma_wait3A_1170 : memref<256x128xf32, #tpu.memory_space<hbm>>)
    %dma_wait3A_1175 = arith.constant 2 : i32
    %dma_wait3A_1176 = arith.constant 2 : i32
    %dma_wait3A_1177 = arith.constant 0 : i32
    %dma_wait3A_1178 = arith.constant 0 : i32
    %dma_wait3A_1179 = tpu.memref_slice %arg19[%dma_wait3A_1175, %dma_wait3A_1177, %dma_wait3A_1178] : memref<3x256x128xf32, #tpu.memory_space<vmem>> -> memref<1x256x128xf32, #tpu.memory_space<vmem>>
    %dma_wait3A_1180 = tpu.memref_squeeze %dma_wait3A_1179 : memref<1x256x128xf32, #tpu.memory_space<vmem>> -> memref<256x128xf32, #tpu.memory_space<vmem>>
    %dma_wait3A_1181 = arith.constant 0 : i32
    %dma_wait3A_1182 = tpu.memref_slice %arg14[%add3A_950, %dma_wait3A_1181] : memref<16384x128xf32, #tpu.memory_space<hbm>> -> memref<256x128xf32, #tpu.memory_space<hbm>>
    %dma_wait3A_1183 = tpu.memref_slice %arg21[%dma_wait3A_1176] : memref<3x!tpu.dma_semaphore, #tpu.memory_space<semaphore_mem>> -> memref<1x!tpu.dma_semaphore, #tpu.memory_space<semaphore_mem>>
    %dma_wait3A_1184 = tpu.memref_squeeze %dma_wait3A_1183 : memref<1x!tpu.dma_semaphore, #tpu.memory_space<semaphore_mem>> -> memref<!tpu.dma_semaphore, #tpu.memory_space<semaphore_mem>>
    %dma_wait3A_1185 = arith.constant 0 : i32
    %dma_wait3A_1186 = tpu.memref_slice %arg14[%add3A_950, %dma_wait3A_1185] : memref<16384x128xf32, #tpu.memory_space<hbm>> -> memref<256x128xf32, #tpu.memory_space<hbm>>
    %dma_wait3A_1187 = arith.constant 0 : i32
    %dma_wait3A_1188 = arith.constant 0 : i32
    %dma_wait3A_1189 = tpu.memref_slice %arg19[%dma_wait3A_1175, %dma_wait3A_1187, %dma_wait3A_1188] : memref<3x256x128xf32, #tpu.memory_space<vmem>> -> memref<1x256x128xf32, #tpu.memory_space<vmem>>
    %dma_wait3A_1190 = tpu.memref_squeeze %dma_wait3A_1189 : memref<1x256x128xf32, #tpu.memory_space<vmem>> -> memref<256x128xf32, #tpu.memory_space<vmem>>
    tpu.wait_dma2 semaphore(%dma_wait3A_1184 : memref<!tpu.dma_semaphore, #tpu.memory_space<semaphore_mem>>) src(%dma_wait3A_1190 : memref<256x128xf32, #tpu.memory_space<vmem>>) dst(%dma_wait3A_1186 : memref<256x128xf32, #tpu.memory_space<hbm>>)
    %dma_wait3A_1191 = arith.constant 2 : i32
    %dma_wait3A_1192 = arith.constant 2 : i32
    %dma_wait3A_1193 = arith.constant 0 : i32
    %dma_wait3A_1194 = arith.constant 0 : i32
    %dma_wait3A_1195 = tpu.memref_slice %arg19[%dma_wait3A_1191, %dma_wait3A_1193, %dma_wait3A_1194] : memref<3x256x128xf32, #tpu.memory_space<vmem>> -> memref<1x256x128xf32, #tpu.memory_space<vmem>>
    %dma_wait3A_1196 = tpu.memref_squeeze %dma_wait3A_1195 : memref<1x256x128xf32, #tpu.memory_space<vmem>> -> memref<256x128xf32, #tpu.memory_space<vmem>>
    %dma_wait3A_1197 = arith.constant 0 : i32
    %dma_wait3A_1198 = tpu.memref_slice %arg17[%add3A_950, %dma_wait3A_1197] : memref<16384x128xf32, #tpu.memory_space<hbm>> -> memref<256x128xf32, #tpu.memory_space<hbm>>
    %dma_wait3A_1199 = tpu.memref_slice %arg21[%dma_wait3A_1192] : memref<3x!tpu.dma_semaphore, #tpu.memory_space<semaphore_mem>> -> memref<1x!tpu.dma_semaphore, #tpu.memory_space<semaphore_mem>>
    %dma_wait3A_1200 = tpu.memref_squeeze %dma_wait3A_1199 : memref<1x!tpu.dma_semaphore, #tpu.memory_space<semaphore_mem>> -> memref<!tpu.dma_semaphore, #tpu.memory_space<semaphore_mem>>
    %dma_wait3A_1201 = arith.constant 0 : i32
    %dma_wait3A_1202 = tpu.memref_slice %arg17[%add3A_950, %dma_wait3A_1201] : memref<16384x128xf32, #tpu.memory_space<hbm>> -> memref<256x128xf32, #tpu.memory_space<hbm>>
    %dma_wait3A_1203 = arith.constant 0 : i32
    %dma_wait3A_1204 = arith.constant 0 : i32
    %dma_wait3A_1205 = tpu.memref_slice %arg19[%dma_wait3A_1191, %dma_wait3A_1203, %dma_wait3A_1204] : memref<3x256x128xf32, #tpu.memory_space<vmem>> -> memref<1x256x128xf32, #tpu.memory_space<vmem>>
    %dma_wait3A_1206 = tpu.memref_squeeze %dma_wait3A_1205 : memref<1x256x128xf32, #tpu.memory_space<vmem>> -> memref<256x128xf32, #tpu.memory_space<vmem>>
    tpu.wait_dma2 semaphore(%dma_wait3A_1200 : memref<!tpu.dma_semaphore, #tpu.memory_space<semaphore_mem>>) src(%dma_wait3A_1206 : memref<256x128xf32, #tpu.memory_space<vmem>>) dst(%dma_wait3A_1202 : memref<256x128xf32, #tpu.memory_space<hbm>>)
    return
  }
}

</mosaic_0001>

<sc_bundles>
// kernel: kernel.3.cloned.1.call-start
scs
__scs_entry_jumppad:
0x0: {  	(pc) =	sbr.rel $0x88, $3  }
0x1: {  	(tag) =	ssettag $0x0;
	lr =	simm.s32 $0x1  }
0x2: {  	[smem:$0x3F9D] =	sst lr;
	_ =	strace $0xD0000000  }
0x3: {  	_ = 	snop  }
0x4: {  	_ = 	snop  }
0x5: {  	_ = 	snop  }
0x6: {  	_ = 	snop  }
0x7: {  	_ = 	snop  }
__scs_overlays_trampoline_lowered:
0x8: {  	[smem:$0x3FAC] =	sst s0  }
0x9: {  	[smem:$0x3FAD] =	sst s1  }
0xa: {  	[smem:$0x3FAE] =	sst s2  }
0xb: {  	[smem:$0x3FAF] =	sst s3  }
0xc: {  	[smem:$0x3FB0] =	sst s4  }
0xd: {  	[smem:$0x3FB1] =	sst s5  }
0xe: {  	[smem:$0x3FB2] =	sst s6  }
0xf: {  	[smem:$0x3FB3] =	sst s7  }
0x10: {  	[smem:$0x3FB4] =	sst s8  }
0x11: {  	[smem:$0x3FB5] =	sst s9;
	s0 =	simm.s32 @!p0 $0x0  }
0x12: {  	s1 =	sld [smem:$0x3F9B];
	s0 =	simm.s32 @p0 $0x1  }
0x13: {  	[smem:$0x3FB6] =	sst s0;
	s0 =	simm.s32 @!p1 $0x0  }
0x14: {  	s2 =	sld [smem:$0x3F9A];
	s0 =	simm.s32 @p1 $0x1  }
0x15: {  	[smem:$0x3FB7] =	sst s0;
	s0 =	simm.s32 @!p2 $0x0  }
0x16: {  	s3 =	sld [smem:$0x3FDB];
	s0 =	simm.s32 @p2 $0x1  }
0x17: {  	s4 =	simm.s32 $0x1BF5;
	[smem:$0x3FB9] =	sst s0  }
0x18: {  	s0 =	sld [smem:$0x3F9C];
	_ =	swait.ge [sflag:s4], $0x0  }
0x19: {  	s7 =	sld [smem:$0x3F9D]  }
0x1a: {  	s8 =	sadd.s32 $0xFFFFE003, lr  }
0x1b: {  	s9 =	sadd.s32 $0xFFFFFEF7, lr;
	s5 =	simm.s32 $0xFFFFFFFF;
	p2 =	slt.u32 s8, $0xFFFFF086  }
0x1c: {  	p1 =	slt.u32 s9, $0xF7A;
	s5 =	simm.s32 @!p2 $0x0  }
0x1d: {  	s5 =	simm.s32 @p1 $0x1;
	p0 =	seq.s32 s7, s2  }
0x1e: {  	s7 =	smul.u32 @!p0 $0xF7A, s2;
	p2 =	seq.s32 @!p0 s5, $0x0  }
0x1f: {  	s9 =	smul.u32 $0xF7A, s1;
	s8 =	simm.s32 @!p0 $0x1BF5;
	p2 =	por !p2, p0  }
0x20: {  	[sflag:s8] =	ssyncset.s32 @!p0 $0xFFFFF086;
	s6 =	sadd.s32 @!p0 s3, s7;
	s7 =	simm.s32 @!p0 $0x108  }
0x21: {  	s3 =	sadd.s32 s3, s9;
	s6 =	sadd.s32 @!p0 $0x88, s6;
	s7 =	simm.s32 @p2 $0x1082  }
0x22: {  	[simem:s7], [sflag:s8] =	dma.local @!p0 [hbm:s6], $0xF7A  }
0x23: {  	s9 =	sor.u32 $0xD0000000, s2;
	s6 =	simm.s32 $0x108;
	_ =	swait.ge @!p0 [sflag:s8], $0x0  }
0x24: {  	s3 =	sadd.s32 $0x88, s3;
	s6 =	simm.s32 @!p1 $0x1082;
	[sflag:s4] =	ssyncset.s32 $0xFFFFF086  }
0x25: {  	[simem:s6], [sflag:s4] =	dma.local [hbm:s3], $0xF7A  }
0x26: {  	[smem:$0x3F9D] =	sst s1;
	(tag) =	ssettag s2;
	_ =	strace s9  }
0x27: {  	s1 =	sld [smem:$0x3FAD]  }
0x28: {  	s2 =	sld [smem:$0x3FAE]  }
0x29: {  	s4 =	sld [smem:$0x3FB0]  }
0x2a: {  	p0 =	seq.s32 s5, $0x0;
	s5 =	sld [smem:$0x3FB1]  }
0x2b: {  	s6 =	sld [smem:$0x3FB2]  }
0x2c: {  	s7 =	sld [smem:$0x3FB3]  }
0x2d: {  	s3 =	simm.s32 $0x108;
	s8 =	sld [smem:$0x3FB4]  }
0x2e: {  	s3 =	simm.s32 @!p0 $0x1082;
	s9 =	sld [smem:$0x3FB5]  }
0x2f: {  	lr =	sadd.s32 s0, s3;
	s0 =	sld [smem:$0x3FAC]  }
0x30: {  	s3 =	sld [smem:$0x3FAF]  }
0x31: {  	[smem:$0x3FB8] =	sst s10  }
0x32: {  	s10 =	sld [smem:$0x3FB6];
	_ =	sdelay $0x3  }
0x33: {  	p0 =	seq.s32 s10, $0x1;
	s10 =	sld [smem:$0x3FB8];
	_ =	sdelay $0x3  }
0x34: {  	[smem:$0x3FB8] =	sst s10  }
0x35: {  	s10 =	sld [smem:$0x3FB7];
	_ =	sdelay $0x3  }
0x36: {  	p1 =	seq.s32 s10, $0x1;
	s10 =	sld [smem:$0x3FB8];
	_ =	sdelay $0x3  }
0x37: {  	[smem:$0x3FB8] =	sst s10  }
0x38: {  	s10 =	sld [smem:$0x3FB9]  }
0x39: {  	_ = 	snop;
	(pc) =	sbr.ind lr, $3  }
0x3a: {  	_ = 	snop  }
0x3b: {  	_ = 	snop  }
0x3c: {  	p2 =	seq.s32 s10, $0x1;
	s10 =	sld [smem:$0x3FB8]  }
0x3d: {  	_ =	shalt  }
0x3e: {  	_ =	shalt  }
0x3f: {  	_ =	shalt  }
0x40: {  	_ =	shalt  }
0x41: {  	_ =	shalt  }
0x42: {  	_ =	shalt  }
0x43: {  	_ =	shalt  }
0x44: {  	_ =	shalt  }
0x45: {  	_ =	shalt  }
0x46: {  	_ =	shalt  }
0x47: {  	_ =	shalt  }
0x48: {  	_ =	shalt  }
0x49: {  	_ =	shalt  }
0x4a: {  	_ =	shalt  }
0x4b: {  	_ =	shalt  }
0x4c: {  	_ =	shalt  }
0x4d: {  	_ =	shalt  }
0x4e: {  	_ =	shalt  }
0x4f: {  	_ =	shalt  }
0x50: {  	_ =	shalt  }
0x51: {  	_ =	shalt  }
0x52: {  	_ =	shalt  }
0x53: {  	_ =	shalt  }
0x54: {  	_ =	shalt  }
0x55: {  	_ =	shalt  }
0x56: {  	_ =	shalt  }
0x57: {  	_ =	shalt  }
0x58: {  	_ =	shalt  }
0x59: {  	_ =	shalt  }
0x5a: {  	_ =	shalt  }
0x5b: {  	_ =	shalt  }
0x5c: {  	_ =	shalt  }
0x5d: {  	_ =	shalt  }
0x5e: {  	_ =	shalt  }
0x5f: {  	_ =	shalt  }
0x60: {  	_ =	shalt  }
0x61: {  	_ =	shalt  }
0x62: {  	_ =	shalt  }
0x63: {  	_ =	shalt  }
0x64: {  	_ =	shalt  }
0x65: {  	_ =	shalt  }
0x66: {  	_ =	shalt  }
0x67: {  	_ =	shalt  }
0x68: {  	_ =	shalt  }
0x69: {  	_ =	shalt  }
0x6a: {  	_ =	shalt  }
0x6b: {  	_ =	shalt  }
0x6c: {  	_ =	shalt  }
0x6d: {  	_ =	shalt  }
0x6e: {  	_ =	shalt  }
0x6f: {  	_ =	shalt  }
0x70: {  	_ =	shalt  }
0x71: {  	_ =	shalt  }
0x72: {  	_ =	shalt  }
0x73: {  	_ =	shalt  }
0x74: {  	_ =	shalt  }
0x75: {  	_ =	shalt  }
0x76: {  	_ =	shalt  }
0x77: {  	_ =	shalt  }
0x78: {  	_ =	shalt  }
0x79: {  	_ =	shalt  }
0x7a: {  	_ =	shalt  }
0x7b: {  	_ =	shalt  }
0x7c: {  	_ =	shalt  }
0x7d: {  	_ =	shalt  }
0x7e: {  	_ =	shalt  }
0x7f: {  	_ =	shalt  }
0x80: {  	_ =	shalt  }
0x81: {  	_ =	shalt  }
0x82: {  	_ =	shalt  }
0x83: {  	_ =	shalt  }
0x84: {  	_ =	shalt  }
0x85: {  	_ =	shalt  }
0x86: {  	_ =	shalt  }
0x87: {  	_ =	shalt  }
.Lfunc_end0:
.L_simem_size_0:
called_computation_lowered:
.L_overlay_start_0:
0x88: {  	s2 =	sld [smem:$0x3FD9]  }
0x89: {  	s3 =	sld [smem:$0x3FFE];
	_ =	sdelay $0x1  }
0x8a: {  	s1 =	srdreg.scid  }
0x8b: {  	s0 =	sand.u32 $0x1, s1  }
0x8c: {  	s22 =	sshll.u32 s0, $0xA;
	s2 =	sadd.s32 s3, s2  }
0x8d: {  	s2 =	sadd.s32 s2, s22  }
0x8e: {  	[smem:$0x3FC4] =	sst s2  }
0x8f: {  	_ = 	snop  }
0x90: {  	s2 =	sld [smem:$0x3FC9]  }
0x91: {  	s14 =	sld [smem:$0x3FD0]  }
0x92: {  	s3 =	sld [smem:$0x3FC8]  }
0x93: {  	s4 =	sld [smem:$0x3FC7]  }
0x94: {  	s16 =	simm.s32 $0xA;
	s15 =	simm.s32 $0x10;
	s5 =	sld [smem:$0x3FC6]  }
0x95: {  	[smem:s15], [sflag:s16] =	dma.local [hbm:s14], $0x1  }
0x96: {  	_ =	swait.eq [sflag:s16], $0x1  }
0x97: {  	s6 =	sld [smem:$0x10]  }
0x98: {  	s7 =	sld [smem:$0x11]  }
0x99: {  	s8 =	sld [smem:$0x12]  }
0x9a: {  	s9 =	sld [smem:$0x13]  }
0x9b: {  	s10 =	sld [smem:$0x14]  }
0x9c: {  	s11 =	sld [smem:$0x15];
	[sflag:s16] =	ssyncset.done $0x0  }
0x9d: {  	s12 =	sld [smem:$0x16];
	[sflag:s16] =	ssyncadd.s32 $0xFFFFFFFF  }
0x9e: {  	s14 =	sadd.s32 $0x1, s14;
	s13 =	sld [smem:$0x17]  }
0x9f: {  	[smem:s15], [sflag:s16] =	dma.local [hbm:s14], $0x1  }
0xa0: {  	_ =	swait.eq [sflag:s16], $0x1  }
0xa1: {  	s14 =	sld [smem:$0x10]  }
0xa2: {  	s15 =	sld [smem:$0x11];
	[sflag:s16] =	ssyncset.done $0x0  }
0xa3: {  	s17 =	sld [smem:$0x12];
	[sflag:s16] =	ssyncadd.s32 $0xFFFFFFFF  }
0xa4: {  	s18 =	sld [smem:$0x13];
	(tm) =	ssettm $0x1  }
0xa5: {  	s23 =	sld [smem:$0x3FFB];
	_ =	sdelay $0x3  }
0xa6: {  	_ =	strace s23  }
0xa7: {  	s16 =	sld [smem:$0x3FFC];
	_ =	sdelay $0x3  }
0xa8: {  	_ =	strace s16  }
0xa9: {  	s16 =	sld [smem:$0x3FFD];
	_ =	sdelay $0x3  }
0xaa: {  	_ =	strace s16  }
0xab: {  	_ =	strace $0x8FFFFFFF  }
0xac: {  	s24 =	sld [smem:$0x3FDB];
	_ =	sdelay $0x1  }
0xad: {  	s19 =	simm.s32 $_scs_section_size  }
0xae: {  	s20 =	simm.s32 $_size__tile_task_arg_handler_lowered;
	s21 =	simm.s32 $_tile_task_arg_handler_lowered  }
0xaf: {  	s28 =	simm.s32 $0x1BFF;
	s26 =	sshll.u32 s21, $0x1;
	s19 =	sadd.s32 s19, s24  }
0xb0: {  	s25 =	sshll.u32 s20, $0x1;
	s22 =	simm.s32 $0x60;
	s20 =	sadd.s32 s26, s19  }
0xb1: {  	[timem:s22], [sflag:s28] =	dma.local [hbm:s20], s25  }
0xb2: {  	_ =	swait.ge [sflag:s28], s25  }
0xb3: {  	s29 =	simm.s32 $_tile_overlayer_lowered;
	s16 =	ssub.s32 $0x0, s25;
	[sflag:s28] =	ssyncset.done $0x0  }
0xb4: {  	s30 =	simm.s32 $_size__tile_overlayer_lowered;
	s20 =	sshll.u32 s29, $0x1;
	[sflag:s28] =	ssyncadd.s32 s16  }
0xb5: {  	s31 =	sshll.u32 s30, $0x1;
	s20 =	sadd.s32 s20, s19;
	s16 =	simm.s32 $0x0  }
0xb6: {  	[timem:s16], [sflag:s28] =	dma.local [hbm:s20], s31  }
0xb7: {  	_ =	swait.ge [sflag:s28], s31  }
0xb8: {  	s23 =	ssub.s32 $0x0, s31;
	[sflag:s28] =	ssyncset.done $0x0  }
0xb9: {  	[sflag:s28] =	ssyncadd.s32 s23;
	_ =	sdelay $0x1  }
0xba: {  	s24 =	simm.s32 $0x1B8B  }
0xbb: {  	_ =	swait.ge [sflag:s24], $0x1  }
0xbc: {  	[sflag:s24] =	ssyncset.done $0x0  }
0xbd: {  	s25 =	simm.s32 $0x1B8E;
	[sflag:s24] =	ssyncadd.s32 $0xFFFFFFFF  }
0xbe: {  	s26 =	simm.s32 $execute0_lowered;
	[smem:$0x3FD2] =	sst s25  }
0xbf: {  	s20 =	sshll.u32 s26, $0x1;
	_ =	strace $0x80000046;
	[dreg:$0x1] =	wrdreg $0xFFFFFFFF  }
0xc0: {  	s19 =	sadd.s32 s19, s20;
	s28 =	simm.s32 $_size_execute0_lowered;
	[dreg:$0x0] =	wrdreg $0x0  }
0xc1: {  	s20 =	sshll.u32 s28, $0x1;
	[dreg:$0x2] =	wrdreg s19  }
0xc2: {  	[dreg:$0x3] =	wrdreg s20  }
0xc3: {  	[dreg:$0x4] =	wrdreg $0xC0  }
0xc4: {  	_ =	task [dreg:s16], $0x5FFFF  }
0xc5: {  	[dreg:$0x1] =	wrdreg $0xFFFFFFFF  }
0xc6: {  	[dreg:$0x0] =	wrdreg $0x30  }
0xc7: {  	[dreg:$0x2] =	wrdreg $0x0  }
0xc8: {  	[dreg:$0x3] =	wrdreg s17  }
0xc9: {  	[dreg:$0x4] =	wrdreg s18  }
0xca: {  	[dreg:$0x5] =	wrdreg $0x9  }
0xcb: {  	_ =	task [dreg:s16], $0x6FFFF  }
0xcc: {  	[dreg:$0x1] =	wrdreg $0xFFFFFFFF  }
0xcd: {  	[dreg:$0x0] =	wrdreg $0x60  }
0xce: {  	[dreg:$0x2] =	wrdreg s2  }
0xcf: {  	[dreg:$0x3] =	wrdreg s3  }
0xd0: {  	[dreg:$0x4] =	wrdreg s4  }
0xd1: {  	[dreg:$0x5] =	wrdreg s5  }
0xd2: {  	[dreg:$0x6] =	wrdreg s6  }
0xd3: {  	[dreg:$0x7] =	wrdreg s7  }
0xd4: {  	[dreg:$0x8] =	wrdreg s8  }
0xd5: {  	[dreg:$0x9] =	wrdreg s9  }
0xd6: {  	[dreg:$0xa] =	wrdreg s10  }
0xd7: {  	[dreg:$0xb] =	wrdreg s11  }
0xd8: {  	[dreg:$0xc] =	wrdreg s12  }
0xd9: {  	[dreg:$0xd] =	wrdreg s13  }
0xda: {  	[dreg:$0xe] =	wrdreg s14  }
0xdb: {  	[dreg:$0xf] =	wrdreg s15  }
0xdc: {  	_ =	task.clear_ibuf [dreg:s16], $0x10FFFF;
	_ =	strace $0x90000046  }
0xdd: {  	s29 =	simm.s32 $0x9;
	_ =	strace $0x80000048  }
0xde: {  	_ =	swait.ge [sflag:s29], $0x1  }
0xdf: {  	[sflag:s29] =	ssyncadd.s32 $0xFFFFFFFF  }
0xe0: {  	_ =	strace $0x90000048  }
0xe1: {  	_ =	sfence  }
0xe2: {  	s30 =	sld [smem:$0x0];
	_ =	sdelay $0x2  }
0xe3: {  	s31 =	sshll.u32 s1, $0xD;
	s1 =	sshrl.u32 s1, $0x2  }
0xe4: {  	s3 =	sand.u32 $0x4000, s31;
	s1 =	sadd.s32 s1, s30  }
0xe5: {  	s0 =	sor.u32 s3, s0;
	s1 =	sshll.u32 s1, $0x11  }
0xe6: {  	s0 =	sor.u32 s1, s0  }
0xe7: {  	s0 =	sadd.s32 $0x8F2B, s0  }
0xe8: {  	[sflag:s0] =	ssyncadd.remote.s32 $0x1  }
0xe9: {  	_ =	sfence.sel $0xFFFF  }
0xea: {  	[dreg:$0x0] =	wrdreg $0xFFFFFFFF;
	(pc) =	sbr.abs _section_cstart, $3  }
0xeb: {  	[dreg:$0x1] =	wrdreg $0xFFFFFFFF  }
0xec: {  	_ =	task.clear_ibuf [dreg:s16], $0x2FFFF;
	_ =	strace $0x9FFFFFFF  }
0xed: {  	(tm) =	ssettm $0x7FFFFFFF  }
tec
_tile_task_arg_handler_lowered:
.L_overlay_start_1:
0x0: {  	(tag) =	ssettag $0x1  }
0x1: {  	s0 =	rddreg [dreg:$0x0]  }
0x2: {  	s1 =	rddreg [dreg:$0x1]  }
0x3: {  	s2 =	rddreg [dreg:$0x2]  }
0x4: {  	s3 =	rddreg [dreg:$0x3]  }
0x5: {  	s4 =	rddreg [dreg:$0x4]  }
0x6: {  	s5 =	rddreg [dreg:$0x5]  }
0x7: {  	s6 =	rddreg [dreg:$0x6]  }
0x8: {  	s7 =	rddreg [dreg:$0x7]  }
0x9: {  	s8 =	rddreg [dreg:$0x8]  }
0xa: {  	s9 =	rddreg [dreg:$0x9]  }
0xb: {  	s10 =	rddreg [dreg:$0xa]  }
0xc: {  	s11 =	rddreg [dreg:$0xb]  }
0xd: {  	s12 =	rddreg [dreg:$0xc]  }
0xe: {  	s13 =	rddreg [dreg:$0xd]  }
0xf: {  	[smem:s0] =	sst s1  }
0x10: {  	[smem:s0+$0x1] =	sst s2  }
0x11: {  	[smem:s0+$0x2] =	sst s3  }
0x12: {  	[smem:s0+$0x3] =	sst s4  }
0x13: {  	[smem:s0+$0x4] =	sst s5  }
0x14: {  	[smem:s0+$0x5] =	sst s6  }
0x15: {  	[smem:s0+$0x6] =	sst s7  }
0x16: {  	[smem:s0+$0x7] =	sst s8  }
0x17: {  	[smem:s0+$0x8] =	sst s9  }
0x18: {  	[smem:s0+$0x9] =	sst s10  }
0x19: {  	[smem:s0+$0xA] =	sst s11  }
0x1a: {  	[smem:s0+$0xB] =	sst s12  }
0x1b: {  	[smem:s0+$0xC] =	sst s13;
	_ =	shalt  }
.Lfunc_end2:
execute0_lowered:
.L_overlay_start_2:
0x1c: {  	(tag) =	ssettag $0x2  }
0x1d: {  	s1 =	rddreg [dreg:$0x0]  }
0x1e: {  	s6 =	rddreg [dreg:$0x1]  }
0x1f: {  	s4 =	rddreg [dreg:$0x2]  }
0x20: {  	s2 =	rddreg [dreg:$0x3]  }
0x21: {  	s9 =	rddreg [dreg:$0x4]  }
0x22: {  	s5 =	rddreg [dreg:$0x5]  }
0x23: {  	s0 =	rddreg [dreg:$0x6]  }
0x24: {  	s10 =	rddreg [dreg:$0x7]  }
0x25: {  	s3 =	srdreg.scid;
	s8 =	rddreg [dreg:$0x8]  }
0x26: {  	s16 =	rddreg [dreg:$0xa];
	s13 =	sand.u32 $0x1, s3  }
0x27: {  	s7 =	stileid.u32;
	s12 =	rddreg [dreg:$0xb];
	s3 =	sshll.u32 s13, $0x4  }
0x28: {  	s17 =	simm.s32 $0x1;
	s15 =	sand.u32 $0x7, s7;
	s14 =	sor.u32 s7, s3  }
0x29: {  	s11 =	rddreg [dreg:$0xc];
	p1 =	sne.s32 s15, $0x0;
	p0 =	seq.s32 s14, $0x0  }
0x2a: {  	s19 =	rddreg [dreg:$0xd];
	s3 =	simm.s32 $0x0;
	p0 =	por !p1, !p0  }
0x2b: {  	s28 =	simm.s32 $0x200;
	[smem:$0x7FF] =	sst s3;
	p0 =	por !p0, !p0  }
0x2c: {  	s18 =	sshrl.u32 s14, $0x3;
	s21 =	sld [smem:$0x2];
	s17 =	simm.s32 @!p0 $0x0  }
0x2d: {  	s31 =	simm.s32 $0x7;
	s7 =	rddreg [dreg:$0x9];
	s17 =	ssub.s32 s18, s17  }
0x2e: {  	s15 =	sshll.u32 s15, $0xB;
	s20 =	sld [smem:$0x0];
	s18 =	sshll.u32 s17, $0xC  }
0x2f: {  	s14 =	sshll.u32 s14, $0xD;
	[dreg:$0x1e] =	wrdreg s21;
	s18 =	sand.u32 $0xFFFFC000, s18  }
0x30: {  	s22 =	sadd.s32 s9, s14;
	s15 =	sor.u32 s15, s18;
	s18 =	sld [smem:$0x1]  }
0x31: {  	s23 =	sadd.s32 s10, s14;
	_ =	strace $0x80000047;
	[dreg:$0xf] =	wrdreg s22  }
0x32: {  	s30 =	simm.s32 $0x4200;
	s24 =	sadd.s32 s16, s14;
	[dreg:$0x10] =	wrdreg s23  }
0x33: {  	s29 =	simm.s32 $0xC200;
	s25 =	sadd.s32 s19, s14;
	[dreg:$0x11] =	wrdreg s24  }
0x34: {  	s13 =	ssub.s32 $0x2, s13;
	s26 =	sadd.s32 s5, s14;
	[dreg:$0x12] =	wrdreg s25  }
0x35: {  	p0 =	por $0x0, $0x0;
	s21 =	sadd.s32 s20, s14;
	[dreg:$0x13] =	wrdreg s26  }
0x36: {  	s17 =	sshll.u32 s17, $0x7;
	[dreg:$0x16] =	wrdreg s21;
	s22 =	sadd.s32 s0, s14  }
0x37: {  	s17 =	sand.u32 $0x180, s17;
	s23 =	sadd.s32 s7, s14;
	[dreg:$0x17] =	wrdreg s22  }
0x38: {  	s24 =	sadd.s32 s11, s14;
	s26 =	sor.u32 $0x1000, s14;
	[dreg:$0x18] =	wrdreg s23  }
0x39: {  	s15 =	sor.u32 s17, s15;
	s17 =	sadd.s32 s12, s14;
	[dreg:$0x19] =	wrdreg s24  }
0x3a: {  	s22 =	sshrl.u32 s13, $0x1;
	s23 =	sadd.s32 s9, s26;
	s24 =	sadd.s32 s10, s26  }
0x3b: {  	s9 =	sadd.s32 s7, s26;
	s10 =	sadd.s32 s11, s26;
	s7 =	simm.s32 $0x5  }
0x3c: {  	s15 =	sshrl.u32 s15, $0x3;
	[dreg:$0x15] =	wrdreg s17;
	s21 =	ssub.s32 s13, s22  }
0x3d: {  	[dreg:$0x1b] =	wrdreg s23;
	s22 =	sadd.s32 s19, s26;
	s13 =	sadd.s32 s5, s26  }
0x3e: {  	s1 =	sadd.s32 s1, s15;
	s15 =	sadd.s32 s8, s14;
	s25 =	sadd.s32 s18, s14  }
0x3f: {  	s14 =	sadd.s32 s8, s26;
	s8 =	sadd.s32 s0, s26;
	[dreg:$0x14] =	wrdreg s15  }
0x40: {  	s11 =	sadd.s32 s18, s26;
	[dreg:$0x1a] =	wrdreg s25;
	s25 =	sadd.s32 s16, s26  }
0x41: {  	s15 =	sadd.s32 s12, s26;
	s16 =	sadd.s32 s20, s26;
	s26 =	smax.u32 s21, $0x1  }
0x42: {  	s23 =	simm.s32 $0x1;
	[dreg:$0x1c] =	wrdreg s24;
	p1 =	sne.s32 s26, $0x1  }
.Ltmp0:
0x43: {  	s17 =	simm.s32 $0x10200;
	s24 =	simm.s32 $0x14200;
	(pc) =	sbr.rel @!p1 .LBB3_3-.Ltmp0, $4  }
0x44: {  	s19 =	simm.s32 $0x3;
	s5 =	simm.s32 $0x6;
	s18 =	simm.s32 $0x8200  }
0x45: {  	[dreg:$0xe] =	wrdreg s1;
	s20 =	simm.s32 $0x80;
	s21 =	simm.s32 $0x2  }
0x46: {  	s12 =	simm.s32 $0x4;
	[dreg:$0x1d] =	wrdreg s25;
	s0 =	sadd.s32 $0xFFFFFFFF, s26  }
0x47: {  	s25 =	simm.s32 $0x100;
	s26 =	simm.s32 $0x180;
	s1 =	rddreg [dreg:$0xe]  }
0x48: {  	[tilespmem:s3], [sflag:$0x7] =	stream.strided.gather [hbm4b:s1+s20], $0x200, s28, s20, $0x38;
	[tilespmem:$0x18200] =	vst v63  }
0x49: {  	_ =	swait.ge [sflag:s31], $0x200  }
0x4a: {  	[sflag:s31] =	ssyncset.done $0x0  }
0x4b: {  	[sflag:s31] =	ssyncadd.s32 $0xFFFFFE00  }
0x4c: {  	[tilespmem:s28], [sflag:$0x1] =	stream.indirect.gather [hbm4b:s6+s20], $0x80, s3, s20, $0xb8;
	[tilespmem:$0x18200] =	vst v63  }
0x4d: {  	_ = 	snop  }
0x4e: {  	[tilespmem:s30], [sflag:$0x1] =	stream.indirect.gather [hbm4b:s6+s20], $0x80, s20, s20, $0xb8;
	[tilespmem:$0x18200] =	vst v63  }
0x4f: {  	_ = 	snop  }
0x50: {  	[tilespmem:s18], [sflag:$0x2] =	stream.indirect.gather [hbm4b:s4+s20], $0x80, s3, s20, $0xb8;
	[tilespmem:$0x18200] =	vst v63  }
0x51: {  	_ = 	snop  }
0x52: {  	[tilespmem:s29], [sflag:$0x2] =	stream.indirect.gather [hbm4b:s4+s20], $0x80, s20, s20, $0xb8;
	[tilespmem:$0x18200] =	vst v63  }
0x53: {  	_ =	swait.ge [sflag:s23], $0x4000  }
0x54: {  	[sflag:s23] =	ssyncset.done $0x0  }
0x55: {  	[sflag:s23] =	ssyncadd.s32 $0xFFFFC000  }
0x56: {  	_ =	swait.ge [sflag:s23], $0x4000  }
0x57: {  	[dreg:$0x1f] =	wrdreg s0;
	[sflag:s23] =	ssyncset.done $0x0  }
0x58: {  	s1 =	rddreg [dreg:$0xf];
	[sflag:s23] =	ssyncadd.s32 $0xFFFFC000  }
0x59: {  	[hbm4b:s1+s3] =	stream.linear.scatter [tilespmem:s28], [sflag:$0x4], $0x8000, $0x38;
	[tilespmem:$0x18200] =	vst v63  }
0x5a: {  	s0 =	rddreg [dreg:$0x10]  }
0x5b: {  	[hbm4b:s0+s3] =	stream.linear.scatter [tilespmem:s28], [sflag:$0x4], $0x8000, $0x38;
	[tilespmem:$0x18200] =	vst v63  }
0x5c: {  	s1 =	rddreg [dreg:$0x11]  }
0x5d: {  	[hbm4b:s1+s3] =	stream.linear.scatter [tilespmem:s28], [sflag:$0x4], $0x8000, $0x38;
	[tilespmem:$0x18200] =	vst v63  }
0x5e: {  	s0 =	rddreg [dreg:$0x12]  }
0x5f: {  	[hbm4b:s0+s3] =	stream.linear.scatter [tilespmem:s28], [sflag:$0x4], $0x8000, $0x38;
	[tilespmem:$0x18200] =	vst v63  }
0x60: {  	_ = 	snop  }
0x61: {  	[tilespmem:s17], [sflag:$0x3] =	stream.indirect.gather [hbm4b:s2+s20], $0x80, s3, s20, $0xb8;
	[tilespmem:$0x18200] =	vst v63  }
0x62: {  	_ = 	snop  }
0x63: {  	[tilespmem:s24], [sflag:$0x3] =	stream.indirect.gather [hbm4b:s2+s20], $0x80, s20, s20, $0xb8;
	[tilespmem:$0x18200] =	vst v63  }
0x64: {  	_ =	swait.ge [sflag:s21], $0x4000  }
0x65: {  	[sflag:s21] =	ssyncset.done $0x0  }
0x66: {  	[sflag:s21] =	ssyncadd.s32 $0xFFFFC000  }
0x67: {  	_ =	swait.ge [sflag:s21], $0x4000  }
0x68: {  	[sflag:s21] =	ssyncset.done $0x0  }
0x69: {  	s0 =	rddreg [dreg:$0x13];
	[sflag:s21] =	ssyncadd.s32 $0xFFFFC000  }
0x6a: {  	[hbm4b:s0+s3] =	stream.linear.scatter [tilespmem:s18], [sflag:$0x5], $0x8000, $0x38;
	[tilespmem:$0x18200] =	vst v63  }
0x6b: {  	s1 =	rddreg [dreg:$0x14]  }
0x6c: {  	[hbm4b:s1+s3] =	stream.linear.scatter [tilespmem:s18], [sflag:$0x5], $0x8000, $0x38;
	[tilespmem:$0x18200] =	vst v63  }
0x6d: {  	s0 =	rddreg [dreg:$0x15]  }
0x6e: {  	[hbm4b:s0+s3] =	stream.linear.scatter [tilespmem:s18], [sflag:$0x5], $0x8000, $0x38;
	[tilespmem:$0x18200] =	vst v63  }
0x6f: {  	s1 =	rddreg [dreg:$0x16]  }
0x70: {  	[hbm4b:s1+s3] =	stream.linear.scatter [tilespmem:s18], [sflag:$0x5], $0x8000, $0x38;
	[tilespmem:$0x18200] =	vst v63  }
0x71: {  	_ =	swait.ge [sflag:s12], $0x8000  }
0x72: {  	[sflag:s12] =	ssyncset.done $0x0  }
0x73: {  	[sflag:s12] =	ssyncadd.s32 $0xFFFF8000  }
0x74: {  	_ =	swait.ge [sflag:s12], $0x8000  }
0x75: {  	[sflag:s12] =	ssyncset.done $0x0  }
0x76: {  	[sflag:s12] =	ssyncadd.s32 $0xFFFF8000  }
0x77: {  	_ =	swait.ge [sflag:s12], $0x8000  }
0x78: {  	[sflag:s12] =	ssyncset.done $0x0  }
0x79: {  	[sflag:s12] =	ssyncadd.s32 $0xFFFF8000  }
0x7a: {  	_ =	swait.ge [sflag:s12], $0x8000  }
0x7b: {  	[sflag:s12] =	ssyncset.done $0x0  }
0x7c: {  	[sflag:s12] =	ssyncadd.s32 $0xFFFF8000  }
0x7d: {  	[tilespmem:s28], [sflag:$0x1] =	stream.indirect.gather [hbm4b:s6+s20], $0x80, s25, s20, $0xb8;
	[tilespmem:$0x18200] =	vst v63  }
0x7e: {  	_ = 	snop  }
0x7f: {  	[tilespmem:s30], [sflag:$0x1] =	stream.indirect.gather [hbm4b:s6+s20], $0x80, s26, s20, $0xb8;
	[tilespmem:$0x18200] =	vst v63  }
0x80: {  	_ =	swait.ge [sflag:s19], $0x4000  }
0x81: {  	[sflag:s19] =	ssyncset.done $0x0  }
0x82: {  	[sflag:s19] =	ssyncadd.s32 $0xFFFFC000  }
0x83: {  	_ =	swait.ge [sflag:s19], $0x4000  }
0x84: {  	[sflag:s19] =	ssyncset.done $0x0  }
0x85: {  	s0 =	rddreg [dreg:$0x17];
	[sflag:s19] =	ssyncadd.s32 $0xFFFFC000  }
0x86: {  	[hbm4b:s0+s3] =	stream.linear.scatter [tilespmem:s17], [sflag:$0x6], $0x8000, $0x38;
	[tilespmem:$0x18200] =	vst v63  }
0x87: {  	s1 =	rddreg [dreg:$0x18]  }
0x88: {  	[hbm4b:s1+s3] =	stream.linear.scatter [tilespmem:s17], [sflag:$0x6], $0x8000, $0x38;
	[tilespmem:$0x18200] =	vst v63  }
0x89: {  	s0 =	rddreg [dreg:$0x19]  }
0x8a: {  	[hbm4b:s0+s3] =	stream.linear.scatter [tilespmem:s17], [sflag:$0x6], $0x8000, $0x38;
	[tilespmem:$0x18200] =	vst v63  }
0x8b: {  	s1 =	rddreg [dreg:$0x1a]  }
0x8c: {  	[hbm4b:s1+s3] =	stream.linear.scatter [tilespmem:s17], [sflag:$0x6], $0x8000, $0x38;
	[tilespmem:$0x18200] =	vst v63  }
0x8d: {  	_ =	swait.ge [sflag:s7], $0x8000  }
0x8e: {  	[sflag:s7] =	ssyncset.done $0x0  }
0x8f: {  	[sflag:s7] =	ssyncadd.s32 $0xFFFF8000  }
0x90: {  	_ =	swait.ge [sflag:s7], $0x8000  }
0x91: {  	[sflag:s7] =	ssyncset.done $0x0  }
0x92: {  	[sflag:s7] =	ssyncadd.s32 $0xFFFF8000  }
0x93: {  	_ =	swait.ge [sflag:s7], $0x8000  }
0x94: {  	[sflag:s7] =	ssyncset.done $0x0  }
0x95: {  	[sflag:s7] =	ssyncadd.s32 $0xFFFF8000  }
0x96: {  	_ =	swait.ge [sflag:s7], $0x8000  }
0x97: {  	[sflag:s7] =	ssyncset.done $0x0  }
0x98: {  	[sflag:s7] =	ssyncadd.s32 $0xFFFF8000  }
0x99: {  	[tilespmem:s18], [sflag:$0x2] =	stream.indirect.gather [hbm4b:s4+s20], $0x80, s25, s20, $0xb8;
	[tilespmem:$0x18200] =	vst v63  }
0x9a: {  	_ = 	snop  }
0x9b: {  	[tilespmem:s29], [sflag:$0x2] =	stream.indirect.gather [hbm4b:s4+s20], $0x80, s26, s20, $0xb8;
	[tilespmem:$0x18200] =	vst v63  }
0x9c: {  	_ =	swait.ge [sflag:s23], $0x4000  }
0x9d: {  	[sflag:s23] =	ssyncset.done $0x0  }
0x9e: {  	[sflag:s23] =	ssyncadd.s32 $0xFFFFC000  }
0x9f: {  	_ =	swait.ge [sflag:s23], $0x4000  }
0xa0: {  	[sflag:s23] =	ssyncset.done $0x0  }
0xa1: {  	s0 =	rddreg [dreg:$0x1b];
	[sflag:s23] =	ssyncadd.s32 $0xFFFFC000  }
0xa2: {  	[hbm4b:s0+s3] =	stream.linear.scatter [tilespmem:s28], [sflag:$0x4], $0x8000, $0x38;
	[tilespmem:$0x18200] =	vst v63  }
0xa3: {  	s1 =	rddreg [dreg:$0x1c]  }
0xa4: {  	[hbm4b:s1+s3] =	stream.linear.scatter [tilespmem:s28], [sflag:$0x4], $0x8000, $0x38;
	[tilespmem:$0x18200] =	vst v63  }
0xa5: {  	s0 =	rddreg [dreg:$0x1d]  }
0xa6: {  	[hbm4b:s0+s3] =	stream.linear.scatter [tilespmem:s28], [sflag:$0x4], $0x8000, $0x38;
	[tilespmem:$0x18200] =	vst v63  }
0xa7: {  	_ = 	snop  }
0xa8: {  	[hbm4b:s22+s3] =	stream.linear.scatter [tilespmem:s28], [sflag:$0x4], $0x8000, $0x38;
	[tilespmem:$0x18200] =	vst v63  }
0xa9: {  	_ =	swait.ge [sflag:s5], $0x8000  }
0xaa: {  	[sflag:s5] =	ssyncset.done $0x0  }
0xab: {  	[sflag:s5] =	ssyncadd.s32 $0xFFFF8000  }
0xac: {  	_ =	swait.ge [sflag:s5], $0x8000  }
0xad: {  	[sflag:s5] =	ssyncset.done $0x0  }
0xae: {  	[sflag:s5] =	ssyncadd.s32 $0xFFFF8000  }
0xaf: {  	_ =	swait.ge [sflag:s5], $0x8000  }
0xb0: {  	[sflag:s5] =	ssyncset.done $0x0  }
0xb1: {  	[sflag:s5] =	ssyncadd.s32 $0xFFFF8000  }
0xb2: {  	_ =	swait.ge [sflag:s5], $0x8000  }
0xb3: {  	[sflag:s5] =	ssyncset.done $0x0  }
0xb4: {  	[sflag:s5] =	ssyncadd.s32 $0xFFFF8000  }
0xb5: {  	[tilespmem:s17], [sflag:$0x3] =	stream.indirect.gather [hbm4b:s2+s20], $0x80, s25, s20, $0xb8;
	[tilespmem:$0x18200] =	vst v63  }
0xb6: {  	_ = 	snop  }
0xb7: {  	[tilespmem:s24], [sflag:$0x3] =	stream.indirect.gather [hbm4b:s2+s20], $0x80, s26, s20, $0xb8;
	[tilespmem:$0x18200] =	vst v63  }
0xb8: {  	_ =	swait.ge [sflag:s21], $0x4000  }
0xb9: {  	[sflag:s21] =	ssyncset.done $0x0  }
0xba: {  	[sflag:s21] =	ssyncadd.s32 $0xFFFFC000  }
0xbb: {  	_ =	swait.ge [sflag:s21], $0x4000  }
0xbc: {  	[sflag:s21] =	ssyncset.done $0x0  }
0xbd: {  	[sflag:s21] =	ssyncadd.s32 $0xFFFFC000  }
0xbe: {  	[hbm4b:s13+s3] =	stream.linear.scatter [tilespmem:s18], [sflag:$0x5], $0x8000, $0x38;
	[tilespmem:$0x18200] =	vst v63  }
0xbf: {  	_ = 	snop  }
0xc0: {  	[hbm4b:s14+s3] =	stream.linear.scatter [tilespmem:s18], [sflag:$0x5], $0x8000, $0x38;
	[tilespmem:$0x18200] =	vst v63  }
0xc1: {  	_ = 	snop  }
0xc2: {  	[hbm4b:s15+s3] =	stream.linear.scatter [tilespmem:s18], [sflag:$0x5], $0x8000, $0x38;
	[tilespmem:$0x18200] =	vst v63  }
0xc3: {  	_ = 	snop  }
0xc4: {  	[hbm4b:s16+s3] =	stream.linear.scatter [tilespmem:s18], [sflag:$0x5], $0x8000, $0x38;
	[tilespmem:$0x18200] =	vst v63  }
0xc5: {  	_ =	swait.ge [sflag:s19], $0x4000  }
0xc6: {  	[sflag:s19] =	ssyncset.done $0x0  }
0xc7: {  	[sflag:s19] =	ssyncadd.s32 $0xFFFFC000  }
0xc8: {  	_ =	swait.ge [sflag:s19], $0x4000  }
0xc9: {  	[sflag:s19] =	ssyncset.done $0x0  }
0xca: {  	[sflag:s19] =	ssyncadd.s32 $0xFFFFC000  }
0xcb: {  	[hbm4b:s8+s3] =	stream.linear.scatter [tilespmem:s17], [sflag:$0x6], $0x8000, $0x38;
	[tilespmem:$0x18200] =	vst v63  }
0xcc: {  	_ = 	snop  }
0xcd: {  	[hbm4b:s9+s3] =	stream.linear.scatter [tilespmem:s17], [sflag:$0x6], $0x8000, $0x38;
	[tilespmem:$0x18200] =	vst v63  }
0xce: {  	_ = 	snop  }
0xcf: {  	[hbm4b:s10+s3] =	stream.linear.scatter [tilespmem:s17], [sflag:$0x6], $0x8000, $0x38;
	[tilespmem:$0x18200] =	vst v63  }
0xd0: {  	_ = 	snop  }
0xd1: {  	[hbm4b:s11+s3] =	stream.linear.scatter [tilespmem:s17], [sflag:$0x6], $0x8000, $0x38;
	[tilespmem:$0x18200] =	vst v63  }
0xd2: {  	_ =	swait.ge [sflag:s12], $0x8000  }
0xd3: {  	[sflag:s12] =	ssyncset.done $0x0  }
0xd4: {  	[sflag:s12] =	ssyncadd.s32 $0xFFFF8000  }
0xd5: {  	_ =	swait.ge [sflag:s12], $0x8000  }
0xd6: {  	[sflag:s12] =	ssyncset.done $0x0  }
0xd7: {  	[sflag:s12] =	ssyncadd.s32 $0xFFFF8000  }
0xd8: {  	_ =	swait.ge [sflag:s12], $0x8000  }
0xd9: {  	[sflag:s12] =	ssyncset.done $0x0  }
0xda: {  	[sflag:s12] =	ssyncadd.s32 $0xFFFF8000  }
0xdb: {  	_ =	swait.ge [sflag:s12], $0x8000  }
0xdc: {  	[sflag:s12] =	ssyncset.done $0x0  }
0xdd: {  	[sflag:s12] =	ssyncadd.s32 $0xFFFF8000  }
0xde: {  	_ =	swait.ge [sflag:s7], $0x8000  }
0xdf: {  	[sflag:s7] =	ssyncset.done $0x0  }
0xe0: {  	[sflag:s7] =	ssyncadd.s32 $0xFFFF8000  }
0xe1: {  	_ =	swait.ge [sflag:s7], $0x8000  }
0xe2: {  	[sflag:s7] =	ssyncset.done $0x0  }
0xe3: {  	[sflag:s7] =	ssyncadd.s32 $0xFFFF8000  }
0xe4: {  	_ =	swait.ge [sflag:s7], $0x8000  }
0xe5: {  	[sflag:s7] =	ssyncset.done $0x0  }
0xe6: {  	[sflag:s7] =	ssyncadd.s32 $0xFFFF8000  }
0xe7: {  	_ =	swait.ge [sflag:s7], $0x8000  }
0xe8: {  	[sflag:s7] =	ssyncset.done $0x0  }
0xe9: {  	[sflag:s7] =	ssyncadd.s32 $0xFFFF8000  }
0xea: {  	_ =	swait.ge [sflag:s5], $0x8000  }
0xeb: {  	[sflag:s5] =	ssyncset.done $0x0  }
0xec: {  	[sflag:s5] =	ssyncadd.s32 $0xFFFF8000  }
0xed: {  	_ =	swait.ge [sflag:s5], $0x8000  }
0xee: {  	[sflag:s5] =	ssyncset.done $0x0  }
0xef: {  	[sflag:s5] =	ssyncadd.s32 $0xFFFF8000  }
0xf0: {  	_ =	swait.ge [sflag:s5], $0x8000  }
0xf1: {  	s1 =	rddreg [dreg:$0x1f]  }
0xf2: {  	p1 =	sne.s32 s1, $0x1  }
.Ltmp1:
0xf3: {  	_ = 	snop;
	(pc) =	sbr.rel @!p1 .LBB3_3-.Ltmp1, $4  }
0xf4: {  	[sflag:s5] =	ssyncset.done $0x0  }
0xf5: {  	[sflag:s5] =	ssyncadd.s32 $0xFFFF8000  }
0xf6: {  	p0 =	por $0x1, $0x1;
	_ =	swait.ge [sflag:s5], $0x8000  }
0xf7: {  	s0 =	sadd.s32 $0xFFFFFFFF, s1;
	s1 =	rddreg [dreg:$0xe];
	[sflag:s5] =	ssyncset.done $0x0  }
.LBB3_2:
0xf8: {  	[sflag:s5] =	ssyncadd.s32 $0xFFFF8000  }
0xf9: {  	[tilespmem:s3], [sflag:$0x7] =	stream.strided.gather [hbm4b:s1+s20], $0x200, s28, s20, $0x38;
	[tilespmem:$0x18200] =	vst v63  }
0xfa: {  	_ =	swait.ge [sflag:s31], $0x200  }
0xfb: {  	[sflag:s31] =	ssyncset.done $0x0  }
0xfc: {  	[sflag:s31] =	ssyncadd.s32 $0xFFFFFE00  }
0xfd: {  	[tilespmem:s28], [sflag:$0x1] =	stream.indirect.gather [hbm4b:s6+s20], $0x80, s3, s20, $0xb8;
	[tilespmem:$0x18200] =	vst v63  }
0xfe: {  	_ = 	snop  }
0xff: {  	[tilespmem:s30], [sflag:$0x1] =	stream.indirect.gather [hbm4b:s6+s20], $0x80, s20, s20, $0xb8;
	[tilespmem:$0x18200] =	vst v63  }
0x100: {  	_ = 	snop  }
0x101: {  	[tilespmem:s18], [sflag:$0x2] =	stream.indirect.gather [hbm4b:s4+s20], $0x80, s3, s20, $0xb8;
	[tilespmem:$0x18200] =	vst v63  }
0x102: {  	_ = 	snop  }
0x103: {  	[tilespmem:s29], [sflag:$0x2] =	stream.indirect.gather [hbm4b:s4+s20], $0x80, s20, s20, $0xb8;
	[tilespmem:$0x18200] =	vst v63  }
0x104: {  	_ =	swait.ge [sflag:s23], $0x4000  }
0x105: {  	[sflag:s23] =	ssyncset.done $0x0  }
0x106: {  	s24 =	smov.u32 s22;
	s22 =	smov.u32 s16;
	[sflag:s23] =	ssyncadd.s32 $0xFFFFC000  }
0x107: {  	s16 =	smov.u32 s15;
	s15 =	smov.u32 s14;
	_ =	swait.ge [sflag:s23], $0x4000  }
0x108: {  	s14 =	smov.u32 s13;
	s13 =	smov.u32 s11;
	[sflag:s23] =	ssyncset.done $0x0  }
0x109: {  	s11 =	smov.u32 s10;
	s1 =	rddreg [dreg:$0xf];
	[sflag:s23] =	ssyncadd.s32 $0xFFFFC000  }
0x10a: {  	[hbm4b:s1+s3] =	stream.linear.scatter [tilespmem:s28], [sflag:$0x4], $0x8000, $0x38;
	[tilespmem:$0x18200] =	vst v63  }
0x10b: {  	s10 =	smov.u32 s9;
	s9 =	smov.u32 s8;
	s8 =	rddreg [dreg:$0x10]  }
0x10c: {  	[hbm4b:s8+s3] =	stream.linear.scatter [tilespmem:s28], [sflag:$0x4], $0x8000, $0x38;
	[tilespmem:$0x18200] =	vst v63  }
0x10d: {  	s1 =	rddreg [dreg:$0x11]  }
0x10e: {  	[hbm4b:s1+s3] =	stream.linear.scatter [tilespmem:s28], [sflag:$0x4], $0x8000, $0x38;
	[tilespmem:$0x18200] =	vst v63  }
0x10f: {  	s8 =	rddreg [dreg:$0x12]  }
0x110: {  	[hbm4b:s8+s3] =	stream.linear.scatter [tilespmem:s28], [sflag:$0x4], $0x8000, $0x38;
	[tilespmem:$0x18200] =	vst v63  }
0x111: {  	_ = 	snop  }
0x112: {  	[tilespmem:s17], [sflag:$0x3] =	stream.indirect.gather [hbm4b:s2+s20], $0x80, s3, s20, $0xb8;
	[tilespmem:$0x18200] =	vst v63  }
0x113: {  	s29 =	simm.s32 $0x14200  }
0x114: {  	[tilespmem:s29], [sflag:$0x3] =	stream.indirect.gather [hbm4b:s2+s20], $0x80, s20, s20, $0xb8;
	[tilespmem:$0x18200] =	vst v63  }
0x115: {  	_ =	swait.ge [sflag:s21], $0x4000  }
0x116: {  	[sflag:s21] =	ssyncset.done $0x0  }
0x117: {  	[sflag:s21] =	ssyncadd.s32 $0xFFFFC000  }
0x118: {  	_ =	swait.ge [sflag:s21], $0x4000  }
0x119: {  	[sflag:s21] =	ssyncset.done $0x0  }
0x11a: {  	s1 =	rddreg [dreg:$0x13];
	[sflag:s21] =	ssyncadd.s32 $0xFFFFC000  }
0x11b: {  	[hbm4b:s1+s3] =	stream.linear.scatter [tilespmem:s18], [sflag:$0x5], $0x8000, $0x38;
	[tilespmem:$0x18200] =	vst v63  }
0x11c: {  	s8 =	rddreg [dreg:$0x14]  }
0x11d: {  	[hbm4b:s8+s3] =	stream.linear.scatter [tilespmem:s18], [sflag:$0x5], $0x8000, $0x38;
	[tilespmem:$0x18200] =	vst v63  }
0x11e: {  	s1 =	rddreg [dreg:$0x15]  }
0x11f: {  	[hbm4b:s1+s3] =	stream.linear.scatter [tilespmem:s18], [sflag:$0x5], $0x8000, $0x38;
	[tilespmem:$0x18200] =	vst v63  }
0x120: {  	s8 =	rddreg [dreg:$0x16]  }
0x121: {  	[hbm4b:s8+s3] =	stream.linear.scatter [tilespmem:s18], [sflag:$0x5], $0x8000, $0x38;
	[tilespmem:$0x18200] =	vst v63  }
0x122: {  	_ =	swait.ge [sflag:s12], $0x8000  }
0x123: {  	[sflag:s12] =	ssyncset.done $0x0  }
0x124: {  	[sflag:s12] =	ssyncadd.s32 $0xFFFF8000  }
0x125: {  	_ =	swait.ge [sflag:s12], $0x8000  }
0x126: {  	[sflag:s12] =	ssyncset.done $0x0  }
0x127: {  	[sflag:s12] =	ssyncadd.s32 $0xFFFF8000  }
0x128: {  	_ =	swait.ge [sflag:s12], $0x8000  }
0x129: {  	[sflag:s12] =	ssyncset.done $0x0  }
0x12a: {  	[sflag:s12] =	ssyncadd.s32 $0xFFFF8000  }
0x12b: {  	_ =	swait.ge [sflag:s12], $0x8000  }
0x12c: {  	[sflag:s12] =	ssyncset.done $0x0  }
0x12d: {  	[sflag:s12] =	ssyncadd.s32 $0xFFFF8000  }
0x12e: {  	[tilespmem:s28], [sflag:$0x1] =	stream.indirect.gather [hbm4b:s6+s20], $0x80, s25, s20, $0xb8;
	[tilespmem:$0x18200] =	vst v63  }
0x12f: {  	_ = 	snop  }
0x130: {  	[tilespmem:s30], [sflag:$0x1] =	stream.indirect.gather [hbm4b:s6+s20], $0x80, s26, s20, $0xb8;
	[tilespmem:$0x18200] =	vst v63  }
0x131: {  	_ =	swait.ge [sflag:s19], $0x4000  }
0x132: {  	[sflag:s19] =	ssyncset.done $0x0  }
0x133: {  	[sflag:s19] =	ssyncadd.s32 $0xFFFFC000  }
0x134: {  	_ =	swait.ge [sflag:s19], $0x4000  }
0x135: {  	[sflag:s19] =	ssyncset.done $0x0  }
0x136: {  	s1 =	rddreg [dreg:$0x17];
	[sflag:s19] =	ssyncadd.s32 $0xFFFFC000  }
0x137: {  	[hbm4b:s1+s3] =	stream.linear.scatter [tilespmem:s17], [sflag:$0x6], $0x8000, $0x38;
	[tilespmem:$0x18200] =	vst v63  }
0x138: {  	s8 =	rddreg [dreg:$0x18]  }
0x139: {  	[hbm4b:s8+s3] =	stream.linear.scatter [tilespmem:s17], [sflag:$0x6], $0x8000, $0x38;
	[tilespmem:$0x18200] =	vst v63  }
0x13a: {  	s1 =	rddreg [dreg:$0x19]  }
0x13b: {  	[hbm4b:s1+s3] =	stream.linear.scatter [tilespmem:s17], [sflag:$0x6], $0x8000, $0x38;
	[tilespmem:$0x18200] =	vst v63  }
0x13c: {  	s8 =	rddreg [dreg:$0x1a]  }
0x13d: {  	[hbm4b:s8+s3] =	stream.linear.scatter [tilespmem:s17], [sflag:$0x6], $0x8000, $0x38;
	[tilespmem:$0x18200] =	vst v63  }
0x13e: {  	_ =	swait.ge [sflag:s7], $0x8000  }
0x13f: {  	[sflag:s7] =	ssyncset.done $0x0  }
0x140: {  	[sflag:s7] =	ssyncadd.s32 $0xFFFF8000  }
0x141: {  	_ =	swait.ge [sflag:s7], $0x8000  }
0x142: {  	[sflag:s7] =	ssyncset.done $0x0  }
0x143: {  	[sflag:s7] =	ssyncadd.s32 $0xFFFF8000  }
0x144: {  	_ =	swait.ge [sflag:s7], $0x8000  }
0x145: {  	[sflag:s7] =	ssyncset.done $0x0  }
0x146: {  	[sflag:s7] =	ssyncadd.s32 $0xFFFF8000  }
0x147: {  	_ =	swait.ge [sflag:s7], $0x8000  }
0x148: {  	[sflag:s7] =	ssyncset.done $0x0  }
0x149: {  	[sflag:s7] =	ssyncadd.s32 $0xFFFF8000  }
0x14a: {  	[tilespmem:s18], [sflag:$0x2] =	stream.indirect.gather [hbm4b:s4+s20], $0x80, s25, s20, $0xb8;
	[tilespmem:$0x18200] =	vst v63  }
0x14b: {  	s29 =	simm.s32 $0xC200  }
0x14c: {  	[tilespmem:s29], [sflag:$0x2] =	stream.indirect.gather [hbm4b:s4+s20], $0x80, s26, s20, $0xb8;
	[tilespmem:$0x18200] =	vst v63  }
0x14d: {  	_ =	swait.ge [sflag:s23], $0x4000  }
0x14e: {  	[sflag:s23] =	ssyncset.done $0x0  }
0x14f: {  	[sflag:s23] =	ssyncadd.s32 $0xFFFFC000  }
0x150: {  	_ =	swait.ge [sflag:s23], $0x4000  }
0x151: {  	s1 =	rddreg [dreg:$0x1b];
	[sflag:s23] =	ssyncset.done $0x0  }
0x152: {  	s8 =	rddreg [dreg:$0x1c];
	[sflag:s23] =	ssyncadd.s32 $0xFFFFC000  }
0x153: {  	[hbm4b:s1+s3] =	stream.linear.scatter [tilespmem:s28], [sflag:$0x4], $0x8000, $0x38;
	[tilespmem:$0x18200] =	vst v63  }
0x154: {  	s1 =	rddreg [dreg:$0x1d]  }
0x155: {  	[hbm4b:s8+s3] =	stream.linear.scatter [tilespmem:s28], [sflag:$0x4], $0x8000, $0x38;
	[tilespmem:$0x18200] =	vst v63  }
0x156: {  	s8 =	smov.u32 s9;
	s9 =	smov.u32 s10;
	s10 =	smov.u32 s11  }
0x157: {  	s11 =	smov.u32 s13;
	s13 =	smov.u32 s14;
	s14 =	smov.u32 s15  }
0x158: {  	[hbm4b:s1+s3] =	stream.linear.scatter [tilespmem:s28], [sflag:$0x4], $0x8000, $0x38;
	[tilespmem:$0x18200] =	vst v63  }
0x159: {  	s15 =	smov.u32 s16;
	s16 =	smov.u32 s22;
	s22 =	smov.u32 s24  }
0x15a: {  	[hbm4b:s22+s3] =	stream.linear.scatter [tilespmem:s28], [sflag:$0x4], $0x8000, $0x38;
	[tilespmem:$0x18200] =	vst v63  }
0x15b: {  	_ =	swait.ge [sflag:s5], $0x8000  }
0x15c: {  	[sflag:s5] =	ssyncset.done $0x0  }
0x15d: {  	[sflag:s5] =	ssyncadd.s32 $0xFFFF8000  }
0x15e: {  	_ =	swait.ge [sflag:s5], $0x8000  }
0x15f: {  	[sflag:s5] =	ssyncset.done $0x0  }
0x160: {  	[sflag:s5] =	ssyncadd.s32 $0xFFFF8000  }
0x161: {  	_ =	swait.ge [sflag:s5], $0x8000  }
0x162: {  	[sflag:s5] =	ssyncset.done $0x0  }
0x163: {  	[sflag:s5] =	ssyncadd.s32 $0xFFFF8000  }
0x164: {  	_ =	swait.ge [sflag:s5], $0x8000  }
0x165: {  	[sflag:s5] =	ssyncset.done $0x0  }
0x166: {  	[sflag:s5] =	ssyncadd.s32 $0xFFFF8000  }
0x167: {  	[tilespmem:s17], [sflag:$0x3] =	stream.indirect.gather [hbm4b:s2+s20], $0x80, s25, s20, $0xb8;
	[tilespmem:$0x18200] =	vst v63  }
0x168: {  	s24 =	simm.s32 $0x14200  }
0x169: {  	[tilespmem:s24], [sflag:$0x3] =	stream.indirect.gather [hbm4b:s2+s20], $0x80, s26, s20, $0xb8;
	[tilespmem:$0x18200] =	vst v63  }
0x16a: {  	_ =	swait.ge [sflag:s21], $0x4000  }
0x16b: {  	[sflag:s21] =	ssyncset.done $0x0  }
0x16c: {  	[sflag:s21] =	ssyncadd.s32 $0xFFFFC000  }
0x16d: {  	_ =	swait.ge [sflag:s21], $0x4000  }
0x16e: {  	[sflag:s21] =	ssyncset.done $0x0  }
0x16f: {  	[sflag:s21] =	ssyncadd.s32 $0xFFFFC000  }
0x170: {  	[hbm4b:s13+s3] =	stream.linear.scatter [tilespmem:s18], [sflag:$0x5], $0x8000, $0x38;
	[tilespmem:$0x18200] =	vst v63  }
0x171: {  	_ = 	snop  }
0x172: {  	[hbm4b:s14+s3] =	stream.linear.scatter [tilespmem:s18], [sflag:$0x5], $0x8000, $0x38;
	[tilespmem:$0x18200] =	vst v63  }
0x173: {  	_ = 	snop  }
0x174: {  	[hbm4b:s15+s3] =	stream.linear.scatter [tilespmem:s18], [sflag:$0x5], $0x8000, $0x38;
	[tilespmem:$0x18200] =	vst v63  }
0x175: {  	_ = 	snop  }
0x176: {  	[hbm4b:s16+s3] =	stream.linear.scatter [tilespmem:s18], [sflag:$0x5], $0x8000, $0x38;
	[tilespmem:$0x18200] =	vst v63  }
0x177: {  	_ =	swait.ge [sflag:s19], $0x4000  }
0x178: {  	[sflag:s19] =	ssyncset.done $0x0  }
0x179: {  	[sflag:s19] =	ssyncadd.s32 $0xFFFFC000  }
0x17a: {  	_ =	swait.ge [sflag:s19], $0x4000  }
0x17b: {  	[sflag:s19] =	ssyncset.done $0x0  }
0x17c: {  	[sflag:s19] =	ssyncadd.s32 $0xFFFFC000  }
0x17d: {  	[hbm4b:s8+s3] =	stream.linear.scatter [tilespmem:s17], [sflag:$0x6], $0x8000, $0x38;
	[tilespmem:$0x18200] =	vst v63  }
0x17e: {  	_ = 	snop  }
0x17f: {  	[hbm4b:s9+s3] =	stream.linear.scatter [tilespmem:s17], [sflag:$0x6], $0x8000, $0x38;
	[tilespmem:$0x18200] =	vst v63  }
0x180: {  	_ = 	snop  }
0x181: {  	[hbm4b:s10+s3] =	stream.linear.scatter [tilespmem:s17], [sflag:$0x6], $0x8000, $0x38;
	[tilespmem:$0x18200] =	vst v63  }
0x182: {  	_ = 	snop  }
0x183: {  	[hbm4b:s11+s3] =	stream.linear.scatter [tilespmem:s17], [sflag:$0x6], $0x8000, $0x38;
	[tilespmem:$0x18200] =	vst v63  }
0x184: {  	_ =	swait.ge [sflag:s12], $0x8000  }
0x185: {  	[sflag:s12] =	ssyncset.done $0x0  }
0x186: {  	[sflag:s12] =	ssyncadd.s32 $0xFFFF8000  }
0x187: {  	_ =	swait.ge [sflag:s12], $0x8000  }
0x188: {  	[sflag:s12] =	ssyncset.done $0x0  }
0x189: {  	[sflag:s12] =	ssyncadd.s32 $0xFFFF8000  }
0x18a: {  	_ =	swait.ge [sflag:s12], $0x8000  }
0x18b: {  	[sflag:s12] =	ssyncset.done $0x0  }
0x18c: {  	[sflag:s12] =	ssyncadd.s32 $0xFFFF8000  }
0x18d: {  	_ =	swait.ge [sflag:s12], $0x8000  }
0x18e: {  	[sflag:s12] =	ssyncset.done $0x0  }
0x18f: {  	[sflag:s12] =	ssyncadd.s32 $0xFFFF8000  }
0x190: {  	_ =	swait.ge [sflag:s7], $0x8000  }
0x191: {  	[sflag:s7] =	ssyncset.done $0x0  }
0x192: {  	[sflag:s7] =	ssyncadd.s32 $0xFFFF8000  }
0x193: {  	_ =	swait.ge [sflag:s7], $0x8000  }
0x194: {  	[sflag:s7] =	ssyncset.done $0x0  }
0x195: {  	[sflag:s7] =	ssyncadd.s32 $0xFFFF8000  }
0x196: {  	_ =	swait.ge [sflag:s7], $0x8000  }
0x197: {  	[sflag:s7] =	ssyncset.done $0x0  }
0x198: {  	[sflag:s7] =	ssyncadd.s32 $0xFFFF8000  }
0x199: {  	_ =	swait.ge [sflag:s7], $0x8000  }
0x19a: {  	[sflag:s7] =	ssyncset.done $0x0  }
0x19b: {  	[sflag:s7] =	ssyncadd.s32 $0xFFFF8000  }
0x19c: {  	_ =	swait.ge [sflag:s5], $0x8000  }
0x19d: {  	[sflag:s5] =	ssyncset.done $0x0  }
0x19e: {  	[sflag:s5] =	ssyncadd.s32 $0xFFFF8000  }
0x19f: {  	_ =	swait.ge [sflag:s5], $0x8000  }
0x1a0: {  	[sflag:s5] =	ssyncset.done $0x0  }
0x1a1: {  	p1 =	sne.s32 s0, $0x1;
	[sflag:s5] =	ssyncadd.s32 $0xFFFF8000  }
.Ltmp2:
0x1a2: {  	_ =	swait.ge [sflag:s5], $0x8000;
	(pc) =	sbr.rel @p1 .LBB3_2-.Ltmp2, $4  }
0x1a3: {  	[sflag:s5] =	ssyncset.done $0x0  }
0x1a4: {  	[sflag:s5] =	ssyncadd.s32 $0xFFFF8000  }
0x1a5: {  	_ =	swait.ge [sflag:s5], $0x8000  }
0x1a6: {  	s0 =	sadd.s32 $0xFFFFFFFF, s0;
	s1 =	rddreg [dreg:$0xe];
	[sflag:s5] =	ssyncset.done $0x0  }
.LBB3_3:
0x1a7: {  	[sflag:s5] =	ssyncadd.s32 @p0 $0xFFFF8000  }
0x1a8: {  	[tilespmem:s3], [sflag:$0x7] =	stream.strided.gather [hbm4b:s1+s20], $0x200, s28, s20, $0x38;
	[tilespmem:$0x18200] =	vst v63  }
0x1a9: {  	_ =	swait.ge [sflag:s31], $0x200  }
0x1aa: {  	[sflag:s31] =	ssyncset.done $0x0  }
0x1ab: {  	[sflag:s31] =	ssyncadd.s32 $0xFFFFFE00  }
0x1ac: {  	[tilespmem:s28], [sflag:$0x1] =	stream.indirect.gather [hbm4b:s6+s20], $0x80, s3, s20, $0xb8;
	[tilespmem:$0x18200] =	vst v63  }
0x1ad: {  	_ = 	snop  }
0x1ae: {  	[tilespmem:s30], [sflag:$0x1] =	stream.indirect.gather [hbm4b:s6+s20], $0x80, s20, s20, $0xb8;
	[tilespmem:$0x18200] =	vst v63  }
0x1af: {  	_ = 	snop  }
0x1b0: {  	[tilespmem:s18], [sflag:$0x2] =	stream.indirect.gather [hbm4b:s4+s20], $0x80, s3, s20, $0xb8;
	[tilespmem:$0x18200] =	vst v63  }
0x1b1: {  	_ = 	snop  }
0x1b2: {  	[tilespmem:s29], [sflag:$0x2] =	stream.indirect.gather [hbm4b:s4+s20], $0x80, s20, s20, $0xb8;
	[tilespmem:$0x18200] =	vst v63  }
0x1b3: {  	_ =	swait.ge [sflag:s23], $0x4000  }
0x1b4: {  	[sflag:s23] =	ssyncset.done $0x0  }
0x1b5: {  	[sflag:s23] =	ssyncadd.s32 $0xFFFFC000  }
0x1b6: {  	_ =	swait.ge [sflag:s23], $0x4000  }
0x1b7: {  	[sflag:s23] =	ssyncset.done $0x0  }
0x1b8: {  	s0 =	rddreg [dreg:$0xf];
	[sflag:s23] =	ssyncadd.s32 $0xFFFFC000  }
0x1b9: {  	[hbm4b:s0+s3] =	stream.linear.scatter [tilespmem:s28], [sflag:$0x4], $0x8000, $0x38;
	[tilespmem:$0x18200] =	vst v63  }
0x1ba: {  	s31 =	rddreg [dreg:$0x10]  }
0x1bb: {  	[hbm4b:s31+s3] =	stream.linear.scatter [tilespmem:s28], [sflag:$0x4], $0x8000, $0x38;
	[tilespmem:$0x18200] =	vst v63  }
0x1bc: {  	s0 =	rddreg [dreg:$0x11]  }
0x1bd: {  	[hbm4b:s0+s3] =	stream.linear.scatter [tilespmem:s28], [sflag:$0x4], $0x8000, $0x38;
	[tilespmem:$0x18200] =	vst v63  }
0x1be: {  	s31 =	rddreg [dreg:$0x12]  }
0x1bf: {  	[hbm4b:s31+s3] =	stream.linear.scatter [tilespmem:s28], [sflag:$0x4], $0x8000, $0x38;
	[tilespmem:$0x18200] =	vst v63  }
0x1c0: {  	_ = 	snop  }
0x1c1: {  	[tilespmem:s17], [sflag:$0x3] =	stream.indirect.gather [hbm4b:s2+s20], $0x80, s3, s20, $0xb8;
	[tilespmem:$0x18200] =	vst v63  }
0x1c2: {  	_ = 	snop  }
0x1c3: {  	[tilespmem:s24], [sflag:$0x3] =	stream.indirect.gather [hbm4b:s2+s20], $0x80, s20, s20, $0xb8;
	[tilespmem:$0x18200] =	vst v63  }
0x1c4: {  	_ =	swait.ge [sflag:s21], $0x4000  }
0x1c5: {  	[sflag:s21] =	ssyncset.done $0x0  }
0x1c6: {  	[sflag:s21] =	ssyncadd.s32 $0xFFFFC000  }
0x1c7: {  	_ =	swait.ge [sflag:s21], $0x4000  }
0x1c8: {  	[sflag:s21] =	ssyncset.done $0x0  }
0x1c9: {  	s1 =	rddreg [dreg:$0x13];
	[sflag:s21] =	ssyncadd.s32 $0xFFFFC000  }
0x1ca: {  	[hbm4b:s1+s3] =	stream.linear.scatter [tilespmem:s18], [sflag:$0x5], $0x8000, $0x38;
	[tilespmem:$0x18200] =	vst v63  }
0x1cb: {  	s31 =	rddreg [dreg:$0x14]  }
0x1cc: {  	[hbm4b:s31+s3] =	stream.linear.scatter [tilespmem:s18], [sflag:$0x5], $0x8000, $0x38;
	[tilespmem:$0x18200] =	vst v63  }
0x1cd: {  	s0 =	rddreg [dreg:$0x15]  }
0x1ce: {  	[hbm4b:s0+s3] =	stream.linear.scatter [tilespmem:s18], [sflag:$0x5], $0x8000, $0x38;
	[tilespmem:$0x18200] =	vst v63  }
0x1cf: {  	s31 =	rddreg [dreg:$0x16]  }
0x1d0: {  	[hbm4b:s31+s3] =	stream.linear.scatter [tilespmem:s18], [sflag:$0x5], $0x8000, $0x38;
	[tilespmem:$0x18200] =	vst v63  }
0x1d1: {  	_ =	swait.ge [sflag:s12], $0x8000  }
0x1d2: {  	[sflag:s12] =	ssyncset.done $0x0  }
0x1d3: {  	[sflag:s12] =	ssyncadd.s32 $0xFFFF8000  }
0x1d4: {  	_ =	swait.ge [sflag:s12], $0x8000  }
0x1d5: {  	[sflag:s12] =	ssyncset.done $0x0  }
0x1d6: {  	[sflag:s12] =	ssyncadd.s32 $0xFFFF8000  }
0x1d7: {  	_ =	swait.ge [sflag:s12], $0x8000  }
0x1d8: {  	[sflag:s12] =	ssyncset.done $0x0  }
0x1d9: {  	[sflag:s12] =	ssyncadd.s32 $0xFFFF8000  }
0x1da: {  	_ =	swait.ge [sflag:s12], $0x8000  }
0x1db: {  	[sflag:s12] =	ssyncset.done $0x0  }
0x1dc: {  	[sflag:s12] =	ssyncadd.s32 $0xFFFF8000  }
0x1dd: {  	[tilespmem:s28], [sflag:$0x1] =	stream.indirect.gather [hbm4b:s6+s20], $0x80, s25, s20, $0xb8;
	[tilespmem:$0x18200] =	vst v63  }
0x1de: {  	_ = 	snop  }
0x1df: {  	[tilespmem:s30], [sflag:$0x1] =	stream.indirect.gather [hbm4b:s6+s20], $0x80, s26, s20, $0xb8;
	[tilespmem:$0x18200] =	vst v63  }
0x1e0: {  	_ =	swait.ge [sflag:s19], $0x4000  }
0x1e1: {  	[sflag:s19] =	ssyncset.done $0x0  }
0x1e2: {  	[sflag:s19] =	ssyncadd.s32 $0xFFFFC000  }
0x1e3: {  	_ =	swait.ge [sflag:s19], $0x4000  }
0x1e4: {  	[sflag:s19] =	ssyncset.done $0x0  }
0x1e5: {  	s1 =	rddreg [dreg:$0x17];
	[sflag:s19] =	ssyncadd.s32 $0xFFFFC000  }
0x1e6: {  	[hbm4b:s1+s3] =	stream.linear.scatter [tilespmem:s17], [sflag:$0x6], $0x8000, $0x38;
	[tilespmem:$0x18200] =	vst v63  }
0x1e7: {  	s6 =	rddreg [dreg:$0x18]  }
0x1e8: {  	[hbm4b:s6+s3] =	stream.linear.scatter [tilespmem:s17], [sflag:$0x6], $0x8000, $0x38;
	[tilespmem:$0x18200] =	vst v63  }
0x1e9: {  	s30 =	rddreg [dreg:$0x19]  }
0x1ea: {  	[hbm4b:s30+s3] =	stream.linear.scatter [tilespmem:s17], [sflag:$0x6], $0x8000, $0x38;
	[tilespmem:$0x18200] =	vst v63  }
0x1eb: {  	s31 =	rddreg [dreg:$0x1a]  }
0x1ec: {  	[hbm4b:s31+s3] =	stream.linear.scatter [tilespmem:s17], [sflag:$0x6], $0x8000, $0x38;
	[tilespmem:$0x18200] =	vst v63  }
0x1ed: {  	_ =	swait.ge [sflag:s7], $0x8000  }
0x1ee: {  	[sflag:s7] =	ssyncset.done $0x0  }
0x1ef: {  	[sflag:s7] =	ssyncadd.s32 $0xFFFF8000  }
0x1f0: {  	_ =	swait.ge [sflag:s7], $0x8000  }
0x1f1: {  	[sflag:s7] =	ssyncset.done $0x0  }
0x1f2: {  	[sflag:s7] =	ssyncadd.s32 $0xFFFF8000  }
0x1f3: {  	_ =	swait.ge [sflag:s7], $0x8000  }
0x1f4: {  	[sflag:s7] =	ssyncset.done $0x0  }
0x1f5: {  	[sflag:s7] =	ssyncadd.s32 $0xFFFF8000  }
0x1f6: {  	_ =	swait.ge [sflag:s7], $0x8000  }
0x1f7: {  	[sflag:s7] =	ssyncset.done $0x0  }
0x1f8: {  	[sflag:s7] =	ssyncadd.s32 $0xFFFF8000  }
0x1f9: {  	[tilespmem:s18], [sflag:$0x2] =	stream.indirect.gather [hbm4b:s4+s20], $0x80, s25, s20, $0xb8;
	[tilespmem:$0x18200] =	vst v63  }
0x1fa: {  	_ = 	snop  }
0x1fb: {  	[tilespmem:s29], [sflag:$0x2] =	stream.indirect.gather [hbm4b:s4+s20], $0x80, s26, s20, $0xb8;
	[tilespmem:$0x18200] =	vst v63  }
0x1fc: {  	_ =	swait.ge [sflag:s23], $0x4000  }
0x1fd: {  	[sflag:s23] =	ssyncset.done $0x0  }
0x1fe: {  	[sflag:s23] =	ssyncadd.s32 $0xFFFFC000  }
0x1ff: {  	_ =	swait.ge [sflag:s23], $0x4000  }
0x200: {  	[sflag:s23] =	ssyncset.done $0x0  }
0x201: {  	s6 =	rddreg [dreg:$0x1b];
	[sflag:s23] =	ssyncadd.s32 $0xFFFFC000  }
0x202: {  	[hbm4b:s6+s3] =	stream.linear.scatter [tilespmem:s28], [sflag:$0x4], $0x8000, $0x38;
	[tilespmem:$0x18200] =	vst v63  }
0x203: {  	s29 =	rddreg [dreg:$0x1c]  }
0x204: {  	[hbm4b:s29+s3] =	stream.linear.scatter [tilespmem:s28], [sflag:$0x4], $0x8000, $0x38;
	[tilespmem:$0x18200] =	vst v63  }
0x205: {  	s30 =	rddreg [dreg:$0x1d]  }
0x206: {  	[hbm4b:s30+s3] =	stream.linear.scatter [tilespmem:s28], [sflag:$0x4], $0x8000, $0x38;
	[tilespmem:$0x18200] =	vst v63  }
0x207: {  	_ = 	snop  }
0x208: {  	[hbm4b:s22+s3] =	stream.linear.scatter [tilespmem:s28], [sflag:$0x4], $0x8000, $0x38;
	[tilespmem:$0x18200] =	vst v63  }
0x209: {  	_ =	swait.ge [sflag:s5], $0x8000  }
0x20a: {  	[sflag:s5] =	ssyncset.done $0x0  }
0x20b: {  	[sflag:s5] =	ssyncadd.s32 $0xFFFF8000  }
0x20c: {  	_ =	swait.ge [sflag:s5], $0x8000  }
0x20d: {  	[sflag:s5] =	ssyncset.done $0x0  }
0x20e: {  	[sflag:s5] =	ssyncadd.s32 $0xFFFF8000  }
0x20f: {  	_ =	swait.ge [sflag:s5], $0x8000  }
0x210: {  	[sflag:s5] =	ssyncset.done $0x0  }
0x211: {  	[sflag:s5] =	ssyncadd.s32 $0xFFFF8000  }
0x212: {  	_ =	swait.ge [sflag:s5], $0x8000  }
0x213: {  	[sflag:s5] =	ssyncset.done $0x0  }
0x214: {  	[sflag:s5] =	ssyncadd.s32 $0xFFFF8000  }
0x215: {  	[tilespmem:s17], [sflag:$0x3] =	stream.indirect.gather [hbm4b:s2+s20], $0x80, s25, s20, $0xb8;
	[tilespmem:$0x18200] =	vst v63  }
0x216: {  	_ = 	snop  }
0x217: {  	[tilespmem:s24], [sflag:$0x3] =	stream.indirect.gather [hbm4b:s2+s20], $0x80, s26, s20, $0xb8;
	[tilespmem:$0x18200] =	vst v63  }
0x218: {  	_ =	swait.ge [sflag:s21], $0x4000  }
0x219: {  	[sflag:s21] =	ssyncset.done $0x0  }
0x21a: {  	[sflag:s21] =	ssyncadd.s32 $0xFFFFC000  }
0x21b: {  	_ =	swait.ge [sflag:s21], $0x4000  }
0x21c: {  	[sflag:s21] =	ssyncset.done $0x0  }
0x21d: {  	[sflag:s21] =	ssyncadd.s32 $0xFFFFC000  }
0x21e: {  	[hbm4b:s13+s3] =	stream.linear.scatter [tilespmem:s18], [sflag:$0x5], $0x8000, $0x38;
	[tilespmem:$0x18200] =	vst v63  }
0x21f: {  	_ = 	snop  }
0x220: {  	[hbm4b:s14+s3] =	stream.linear.scatter [tilespmem:s18], [sflag:$0x5], $0x8000, $0x38;
	[tilespmem:$0x18200] =	vst v63  }
0x221: {  	_ = 	snop  }
0x222: {  	[hbm4b:s15+s3] =	stream.linear.scatter [tilespmem:s18], [sflag:$0x5], $0x8000, $0x38;
	[tilespmem:$0x18200] =	vst v63  }
0x223: {  	_ = 	snop  }
0x224: {  	[hbm4b:s16+s3] =	stream.linear.scatter [tilespmem:s18], [sflag:$0x5], $0x8000, $0x38;
	[tilespmem:$0x18200] =	vst v63  }
0x225: {  	_ =	swait.ge [sflag:s19], $0x4000  }
0x226: {  	[sflag:s19] =	ssyncset.done $0x0  }
0x227: {  	[sflag:s19] =	ssyncadd.s32 $0xFFFFC000  }
0x228: {  	_ =	swait.ge [sflag:s19], $0x4000  }
0x229: {  	[sflag:s19] =	ssyncset.done $0x0  }
0x22a: {  	[sflag:s19] =	ssyncadd.s32 $0xFFFFC000  }
0x22b: {  	[hbm4b:s8+s3] =	stream.linear.scatter [tilespmem:s17], [sflag:$0x6], $0x8000, $0x38;
	[tilespmem:$0x18200] =	vst v63  }
0x22c: {  	_ = 	snop  }
0x22d: {  	[hbm4b:s9+s3] =	stream.linear.scatter [tilespmem:s17], [sflag:$0x6], $0x8000, $0x38;
	[tilespmem:$0x18200] =	vst v63  }
0x22e: {  	_ = 	snop  }
0x22f: {  	[hbm4b:s10+s3] =	stream.linear.scatter [tilespmem:s17], [sflag:$0x6], $0x8000, $0x38;
	[tilespmem:$0x18200] =	vst v63  }
0x230: {  	_ = 	snop  }
0x231: {  	[hbm4b:s11+s3] =	stream.linear.scatter [tilespmem:s17], [sflag:$0x6], $0x8000, $0x38;
	[tilespmem:$0x18200] =	vst v63  }
0x232: {  	_ =	swait.ge [sflag:s12], $0x8000  }
0x233: {  	[sflag:s12] =	ssyncset.done $0x0  }
0x234: {  	[sflag:s12] =	ssyncadd.s32 $0xFFFF8000  }
0x235: {  	_ =	swait.ge [sflag:s12], $0x8000  }
0x236: {  	[sflag:s12] =	ssyncset.done $0x0  }
0x237: {  	[sflag:s12] =	ssyncadd.s32 $0xFFFF8000  }
0x238: {  	_ =	swait.ge [sflag:s12], $0x8000  }
0x239: {  	[sflag:s12] =	ssyncset.done $0x0  }
0x23a: {  	[sflag:s12] =	ssyncadd.s32 $0xFFFF8000  }
0x23b: {  	_ =	swait.ge [sflag:s12], $0x8000  }
0x23c: {  	[sflag:s12] =	ssyncset.done $0x0  }
0x23d: {  	[sflag:s12] =	ssyncadd.s32 $0xFFFF8000  }
0x23e: {  	_ =	swait.ge [sflag:s7], $0x8000  }
0x23f: {  	[sflag:s7] =	ssyncset.done $0x0  }
0x240: {  	[sflag:s7] =	ssyncadd.s32 $0xFFFF8000  }
0x241: {  	_ =	swait.ge [sflag:s7], $0x8000  }
0x242: {  	[sflag:s7] =	ssyncset.done $0x0  }
0x243: {  	[sflag:s7] =	ssyncadd.s32 $0xFFFF8000  }
0x244: {  	_ =	swait.ge [sflag:s7], $0x8000  }
0x245: {  	[sflag:s7] =	ssyncset.done $0x0  }
0x246: {  	[sflag:s7] =	ssyncadd.s32 $0xFFFF8000  }
0x247: {  	_ =	swait.ge [sflag:s7], $0x8000  }
0x248: {  	[sflag:s7] =	ssyncset.done $0x0  }
0x249: {  	[sflag:s7] =	ssyncadd.s32 $0xFFFF8000  }
0x24a: {  	_ =	swait.ge [sflag:s5], $0x8000  }
0x24b: {  	[sflag:s5] =	ssyncset.done $0x0  }
0x24c: {  	[sflag:s5] =	ssyncadd.s32 $0xFFFF8000  }
0x24d: {  	_ =	swait.ge [sflag:s5], $0x8000  }
0x24e: {  	[sflag:s5] =	ssyncset.done $0x0  }
0x24f: {  	[sflag:s5] =	ssyncadd.s32 $0xFFFF8000  }
0x250: {  	_ =	swait.ge [sflag:s5], $0x8000  }
0x251: {  	[sflag:s5] =	ssyncset.done $0x0  }
0x252: {  	[sflag:s5] =	ssyncadd.s32 $0xFFFF8000  }
0x253: {  	_ =	swait.ge [sflag:s5], $0x8000  }
0x254: {  	[sflag:s5] =	ssyncset.done $0x0  }
0x255: {  	[sflag:s5] =	ssyncadd.s32 $0xFFFF8000  }
0x256: {  	_ =	sfence.sel $0x180000  }
0x257: {  	[bflag:$0x0] =	sbarrier.arrive $0xFFFF  }
0x258: {  	_ =	strace $0x90000047  }
0x259: {  	s31 =	stileid.u32;
	[bflag:$0x2] =	sbarrier.arrive $0xFFFF  }
0x25a: {  	p0 =	sne.s32 s31, $0x0;
	s0 =	rddreg [dreg:$0x1e]  }
0x25b: {  	s0 =	sadd.s32 @!p0 $0x100000, s0  }
0x25c: {  	[sflag:s0] =	ssyncadd.tile.s32 @!p0 $0x1;
	_ =	shalt  }
.Lfunc_end3:
_tile_overlayer_lowered:
.L_overlay_start_3:
0x25d: {  	(tag) =	ssettag $0x3  }
0x25e: {  	s0 =	rddreg [dreg:$0x0];
	s2 =	stileid.u32  }
0x25f: {  	s1 =	rddreg [dreg:$0x1];
	p0 =	sne.s32 s2, $0x0  }
0x260: {  	s3 =	rddreg [dreg:$0x2];
	[bflag:$0x3] =	sbarrier.arrive $0xFFFF;
	s2 =	simm.s32 @!p0 $0x1C07  }
0x261: {  	[timem:s3], [sflag:s2] =	dma.local @!p0 [hbm:s0], s1  }
0x262: {  	s0 =	simm.s32 @!p0 $0x7  }
0x263: {  	_ =	swait.ge @!p0 [sflag:s0], s1  }
0x264: {  	s1 =	ssub.s32 @!p0 $0x0, s1;
	[sflag:s0] =	ssyncset.done @!p0 $0x0  }
0x265: {  	[sflag:s0] =	ssyncadd.s32 @!p0 s1  }
0x266: {  	[bflag:$0x3] =	sbarrier.arrive $0xFFFF  }
0x267: {  	_ =	shalt  }

</sc_bundles>
